<compile_context>
chip_gen: v7x
topology: tpu7x:2x2x1
jax: 0.10.2.dev20260603
libtpu: 0.0.44.dev20260713+nightly
codegen_flags: <defaults>
</compile_context>

<pallas_src>
import functools

import jax
import jax.numpy as jnp
from jax import lax
from jax.experimental import pallas as pl
from jax.experimental.pallas import tpu as pltpu
from jax.experimental.pallas import tpu_sc as plsc

B = 16384
D = 32
N_BUCKETS = 1000
OUT_W = 3 * D + 1

_NC = 2
_NS = 16
_L = 16
_HB = B // 2
_SLICE = B // _NS


def _sc_call(user_id, item_id, timestamp, ut, it, tt, ts_buckets, consts):
    mesh = plsc.VectorSubcoreMesh(core_axis_name="c", subcore_axis_name="s")
    v_user = ut.shape[1]
    v_ts = tt.shape[1]

    @functools.partial(
        pl.kernel,
        mesh=mesh,
        out_type=jax.ShapeDtypeStruct((OUT_W, B), jnp.float32),
        compiler_params=pltpu.CompilerParams(needs_layout_passes=False),
        scratch_types=[
            pltpu.VMEM((B,), jnp.int32),
            pltpu.VMEM((1, _HB), jnp.float32),
            pltpu.VMEM((1, v_user), jnp.float32),
            pltpu.VMEM((1, v_ts), jnp.float32),
            pltpu.VMEM((N_BUCKETS,), jnp.float32),
            pltpu.VMEM((2 * _L,), jnp.float32),
            pltpu.VMEM_SHARED((B,), jnp.int32),
            pltpu.SemaphoreType.DMA,
            pltpu.SemaphoreType.DMA,
        ],
    )
    def k(uid_h, iid_h, ts_h, ut_h, it_h, tt_h, bk_h, consts_h,
          out_h, idx_v, vals_v, row_v, row2_v, bk_v, consts_v,
          tsb_sh, sem, sem_row):
        c = lax.axis_index("c")
        s = lax.axis_index("s")
        ff = s * _NC + c

        h_urow = pltpu.async_copy(ut_h.at[pl.ds(ff, 1), :], row_v, sem_row)
        h_trow = pltpu.async_copy(tt_h.at[pl.ds(ff, 1), :], row2_v, sem_row)

        pltpu.sync_copy(bk_h, bk_v)
        pltpu.sync_copy(consts_h, consts_v)
        mean = consts_v[pl.ds(0, _L)]
        scale = consts_v[pl.ds(_L, _L)]
        zero = jnp.zeros((_L,), jnp.int32)

        pending = [None]

        def gather_feature(row_ref, out_row, add_one, ts_weight):
            for h in range(2):
                hb = h * _HB

                def gbody(j, carry):
                    for u in range(8):
                        o = j * 8 * _L + u * _L
                        ivec = idx_v[pl.ds(hb + o, _L)]
                        if add_one:
                            ivec = ivec + 1
                        v = plsc.load_gather(row_ref, [zero, ivec])
                        vals_v[0, pl.ds(o, _L)] = v * 0.5 if ts_weight else v
                    return carry

                if pending[0] is not None:
                    pending[0].wait()
                lax.fori_loop(0, _HB // (8 * _L), gbody, None)
                pending[0] = pltpu.async_copy(
                    vals_v, out_h.at[pl.ds(out_row, 1), pl.ds(hb, _HB)], sem)

        sl_base = s * _SLICE
        pltpu.sync_copy(ts_h.at[pl.ds(sl_base, _SLICE)],
                        idx_v.at[pl.ds(sl_base, _SLICE)])

        def tsbody(j, carry):
            offs = [sl_base + j * 4 * _L + u * _L for u in range(4)]
            ts16 = [idx_v[pl.ds(o, _L)] for o in offs]
            tsf = [t.astype(jnp.float32) for t in ts16]
            pos = [jnp.zeros((_L,), jnp.int32) for _ in range(4)]
            step = 512
            while step >= 1:
                for u in range(4):
                    nxt = pos[u] + step
                    probe = jnp.minimum(nxt, N_BUCKETS) - 1
                    bv = plsc.load_gather(bk_v, [probe])
                    take = (nxt <= N_BUCKETS) & (bv <= tsf[u])
                    pos[u] = jnp.where(take, nxt, pos[u])
                step //= 2
            for u in range(4):
                idx_v[pl.ds(offs[u], _L)] = pos[u]
                vals_v[0, pl.ds(offs[u] - sl_base, _L)] = \
                    (tsf[u] - mean) * scale
            return carry

        lax.fori_loop(0, _SLICE // (4 * _L), tsbody, None)
        pltpu.sync_copy(idx_v.at[pl.ds(sl_base, _SLICE)],
                        tsb_sh.at[pl.ds(sl_base, _SLICE)])

        @pl.when(c == 0)
        def _write_norm():
            pltpu.sync_copy(
                vals_v.at[:, pl.ds(0, _SLICE)],
                out_h.at[pl.ds(OUT_W - 1, 1), pl.ds(sl_base, _SLICE)])

        plsc.subcore_barrier()

        pltpu.sync_copy(uid_h, idx_v)
        h_urow.wait()
        gather_feature(row_v, ff, True, False)

        pltpu.sync_copy(iid_h, idx_v)
        pltpu.sync_copy(it_h.at[pl.ds(ff, 1), :], row_v)
        gather_feature(row_v, D + ff, True, False)

        pltpu.sync_copy(tsb_sh, idx_v)
        h_trow.wait()
        gather_feature(row2_v, 2 * D + ff, False, True)

        if pending[0] is not None:
            pending[0].wait()

    out_t = k(user_id, item_id, timestamp, ut, it, tt, ts_buckets, consts)
    return out_t.T


def kernel(user_id, item_id, timestamp, emb_user, emb_item, emb_ts,
           ts_buckets, ts_mean, ts_var):
    consts = jnp.concatenate([
        jnp.full((_L,), ts_mean.astype(jnp.float32)),
        jnp.full((_L,), 0.5 * lax.rsqrt(ts_var.astype(jnp.float32)))])
    return _sc_call(user_id.astype(jnp.int32), item_id.astype(jnp.int32),
                    timestamp.astype(jnp.int32), emb_user.T, emb_item.T,
                    emb_ts.T, ts_buckets.astype(jnp.float32), consts)

# --- scband reference (transcript-rebuilt; emitter-appended) ---
"""Pipeline reference for scband-features-layers-30648886624668 (READ-ONLY COPY).

The authoritative reference and input builder live on the scoring server;
editing this copy changes nothing except your own understanding.
"""

import jax, jax.numpy as jnp
import numpy as np

B = 16384
V_USER = 100000
V_ITEM = 100000
D = 32
N_BUCKETS = 1000


def setup_inputs(seed: int = 0) -> dict:
    key = jax.random.key(seed)
    k = jax.random.split(key, 7)
    user_id = jax.random.randint(k[0], (B,), 0, V_USER)
    item_id = jax.random.randint(k[1], (B,), 0, V_ITEM)
    timestamp = jax.random.randint(k[2], (B,), 0, 1000000000)
    # learned parameters (Embedding layers per keras Sequential towers)
    emb_user = jax.random.normal(k[3], (V_USER + 1, D), dtype=jnp.float32) * 0.05
    emb_item = jax.random.normal(k[4], (V_ITEM + 1, D), dtype=jnp.float32) * 0.05
    emb_ts = jax.random.normal(k[5], (N_BUCKETS + 2, D), dtype=jnp.float32) * 0.05
    # adapted (non-trainable) stats for Discretization + Normalization, derived
    # from the timestamp vocabulary exactly like the keras __init__ does
    ts_vocab = jax.random.randint(k[6], (50000,), 0, 1000000000).astype(jnp.float32)
    ts_min = jnp.min(ts_vocab)
    ts_max = jnp.max(ts_vocab)
    ts_buckets = jnp.linspace(ts_min, ts_max, N_BUCKETS)
    ts_mean = jnp.mean(ts_vocab)
    ts_var = jnp.var(ts_vocab)
    return {
        "user_id": user_id,
        "item_id": item_id,
        "timestamp": timestamp,
        "emb_user": emb_user,
        "emb_item": emb_item,
        "emb_ts": emb_ts,
        "ts_buckets": ts_buckets,
        "ts_mean": ts_mean,
        "ts_var": ts_var,
    }


def _integer_lookup(vals, vocab_size):
    # tf.keras.layers.IntegerLookup(vocabulary=arange(V), mask_token=None):
    # vocab hit -> position + 1, miss -> OOV index 0
    vocab = jnp.arange(vocab_size)
    pos = jnp.searchsorted(vocab, vals)
    pos_c = jnp.clip(pos, 0, vocab_size - 1)
    found = (pos < vocab_size) & (jnp.take(vocab, pos_c) == vals)
    return jnp.where(found, pos_c + 1, 0)


def reference(user_id, item_id, timestamp, emb_user, emb_item, emb_ts, ts_buckets, ts_mean, ts_var):
    w_user, w_item, w_ts = 1.0, 1.0, 0.5
    e_u = jnp.take(emb_user, _integer_lookup(user_id, V_USER), axis=0) * w_user
    e_i = jnp.take(emb_item, _integer_lookup(item_id, V_ITEM), axis=0) * w_item
    ts_f = timestamp.astype(jnp.float32)
    # tf.keras.layers.Discretization(bins) == digitize(x, bins, right=False)
    ts_bin = jnp.searchsorted(ts_buckets, ts_f, side='right')
    e_t = jnp.take(emb_ts, ts_bin, axis=0) * w_ts
    # extra_layers: Normalization(axis=None) adapted on timestamp vocabulary
    norm = ((ts_f - ts_mean) / jnp.sqrt(ts_var)).reshape(-1, 1) * w_ts
    return jnp.concatenate([e_u, e_i, e_t, norm], axis=1)

if __name__ == "__main__":
    import jax
    _d = setup_inputs()
    print(jax.jit(kernel)(*tuple(_d.values())))

</pallas_src>

<mosaic_0001>
#map = affine_map<(d0, d1) -> (0)>
#map1 = affine_map<(d0, d1) -> (0, 0)>
module attributes {stable_mosaic.version = 14 : i64} {
  func.func @k(%arg0: i32, %arg1: i32, %arg2: memref<16384xi32, #tpu.memory_space<hbm>>, %arg3: memref<16384xi32, #tpu.memory_space<hbm>>, %arg4: memref<16384xi32, #tpu.memory_space<hbm>>, %arg5: memref<32x100001xf32, #tpu.memory_space<hbm>>, %arg6: memref<32x100001xf32, #tpu.memory_space<hbm>>, %arg7: memref<32x1002xf32, #tpu.memory_space<hbm>>, %arg8: memref<1000xf32, #tpu.memory_space<hbm>>, %arg9: memref<32xf32, #tpu.memory_space<hbm>>, %arg10: memref<97x16384xf32, #tpu.memory_space<hbm>>, %arg11: memref<16384xi32, #tpu.memory_space<vmem>>, %arg12: memref<1x8192xf32, #tpu.memory_space<vmem>>, %arg13: memref<1x100001xf32, #tpu.memory_space<vmem>>, %arg14: memref<1x1002xf32, #tpu.memory_space<vmem>>, %arg15: memref<1000xf32, #tpu.memory_space<vmem>>, %arg16: memref<32xf32, #tpu.memory_space<vmem>>, %arg17: memref<16384xi32, #tpu.memory_space<vmem_shared>>, %arg18: memref<!tpu.dma_semaphore, #tpu.memory_space<semaphore_mem>>, %arg19: memref<!tpu.dma_semaphore, #tpu.memory_space<semaphore_mem>>) attributes {dimension_semantics = [#tpu.dimension_semantics<core_parallel>, #tpu.dimension_semantics<subcore_parallel>], iteration_bounds = array<i64: 2, 16>, scalar_prefetch = 0 : i64, scratch_operands = 9 : i64, tpu.core_type = #tpu.core_type<sc_vector_subcore>, window_params = [{transform_indices = #map}, {transform_indices = #map}, {transform_indices = #map}, {transform_indices = #map1}, {transform_indices = #map1}, {transform_indices = #map1}, {transform_indices = #map}, {transform_indices = #map}, {transform_indices = #map1}]} {
    %mul3A = arith.constant 2 : i32
    %mul3A_0 = arith.muli %arg1, %mul3A : i32
    %add3A = arith.addi %mul3A_0, %arg0 : i32
    %dma_start3A = arith.constant 0 : i32
    %dma_start3A_1 = tpu.memref_slice %arg5[%add3A, %dma_start3A] : memref<32x100001xf32, #tpu.memory_space<hbm>> -> memref<1x100001xf32, #tpu.memory_space<hbm>>
    %dma_start3A_2 = arith.constant 0 : i32
    %dma_start3A_3 = tpu.memref_slice %arg5[%add3A, %dma_start3A_2] : memref<32x100001xf32, #tpu.memory_space<hbm>> -> memref<1x100001xf32, #tpu.memory_space<hbm>>
    tpu.enqueue_dma source(%dma_start3A_3 : memref<1x100001xf32, #tpu.memory_space<hbm>>) target(%arg13 : memref<1x100001xf32, #tpu.memory_space<vmem>>) target_semaphore(%arg19 : memref<!tpu.dma_semaphore, #tpu.memory_space<semaphore_mem>>)
    %dma_start3A_4 = arith.constant 0 : i32
    %dma_start3A_5 = tpu.memref_slice %arg7[%add3A, %dma_start3A_4] : memref<32x1002xf32, #tpu.memory_space<hbm>> -> memref<1x1002xf32, #tpu.memory_space<hbm>>
    %dma_start3A_6 = arith.constant 0 : i32
    %dma_start3A_7 = tpu.memref_slice %arg7[%add3A, %dma_start3A_6] : memref<32x1002xf32, #tpu.memory_space<hbm>> -> memref<1x1002xf32, #tpu.memory_space<hbm>>
    tpu.enqueue_dma source(%dma_start3A_7 : memref<1x1002xf32, #tpu.memory_space<hbm>>) target(%arg14 : memref<1x1002xf32, #tpu.memory_space<vmem>>) target_semaphore(%arg19 : memref<!tpu.dma_semaphore, #tpu.memory_space<semaphore_mem>>)
    "tpu.region"() ({
      %run_scoped3A = tpu.sem_alloc : memref<!tpu.dma_semaphore, #tpu.memory_space<semaphore_mem>>
      tpu.enqueue_dma source(%arg8 : memref<1000xf32, #tpu.memory_space<hbm>>) target(%arg15 : memref<1000xf32, #tpu.memory_space<vmem>>) target_semaphore(%run_scoped3A : memref<!tpu.dma_semaphore, #tpu.memory_space<semaphore_mem>>)
      tpu.wait_dma2 semaphore(%run_scoped3A : memref<!tpu.dma_semaphore, #tpu.memory_space<semaphore_mem>>) src(%arg8 : memref<1000xf32, #tpu.memory_space<hbm>>) dst(%arg15 : memref<1000xf32, #tpu.memory_space<vmem>>)
      tpu.yield
    }) : () -> ()
    "tpu.region"() ({
      %run_scoped3A = tpu.sem_alloc : memref<!tpu.dma_semaphore, #tpu.memory_space<semaphore_mem>>
      tpu.enqueue_dma source(%arg9 : memref<32xf32, #tpu.memory_space<hbm>>) target(%arg16 : memref<32xf32, #tpu.memory_space<vmem>>) target_semaphore(%run_scoped3A : memref<!tpu.dma_semaphore, #tpu.memory_space<semaphore_mem>>)
      tpu.wait_dma2 semaphore(%run_scoped3A : memref<!tpu.dma_semaphore, #tpu.memory_space<semaphore_mem>>) src(%arg9 : memref<32xf32, #tpu.memory_space<hbm>>) dst(%arg16 : memref<32xf32, #tpu.memory_space<vmem>>)
      tpu.yield
    }) : () -> ()
    %get3A = arith.constant 0 : index
    %get3A_8 = tpu.vector_load %arg16[%get3A] {strides = array<i32>} : memref<32xf32, #tpu.memory_space<vmem>>, vector<16xf32>,
    %get3A_9 = arith.constant 16 : index
    %get3A_10 = tpu.vector_load %arg16[%get3A_9] {strides = array<i32>} : memref<32xf32, #tpu.memory_space<vmem>>, vector<16xf32>,
    %broadcast_in_dim3A = arith.constant 0 : i32
    %broadcast_in_dim3A_11 = vector.broadcast %broadcast_in_dim3A : i32 to vector<16xi32>
    %mul3A_12 = arith.constant 1024 : i32
    %mul3A_13 = arith.muli %arg1, %mul3A_12 : i32
    "tpu.region"() ({
      %run_scoped3A = tpu.sem_alloc : memref<!tpu.dma_semaphore, #tpu.memory_space<semaphore_mem>>
      %dma_start3A_109 = tpu.memref_slice %arg11[%mul3A_13] : memref<16384xi32, #tpu.memory_space<vmem>> -> memref<1024xi32, #tpu.memory_space<vmem>>
      %dma_start3A_110 = tpu.memref_slice %arg4[%mul3A_13] : memref<16384xi32, #tpu.memory_space<hbm>> -> memref<1024xi32, #tpu.memory_space<hbm>>
      %dma_start3A_111 = tpu.memref_slice %arg11[%mul3A_13] : memref<16384xi32, #tpu.memory_space<vmem>> -> memref<1024xi32, #tpu.memory_space<vmem>>
      %dma_start3A_112 = tpu.memref_slice %arg4[%mul3A_13] : memref<16384xi32, #tpu.memory_space<hbm>> -> memref<1024xi32, #tpu.memory_space<hbm>>
      tpu.enqueue_dma source(%dma_start3A_112 : memref<1024xi32, #tpu.memory_space<hbm>>) target(%dma_start3A_111 : memref<1024xi32, #tpu.memory_space<vmem>>) target_semaphore(%run_scoped3A : memref<!tpu.dma_semaphore, #tpu.memory_space<semaphore_mem>>)
      %dma_wait3A_113 = tpu.memref_slice %arg11[%mul3A_13] : memref<16384xi32, #tpu.memory_space<vmem>> -> memref<1024xi32, #tpu.memory_space<vmem>>
      %dma_wait3A_114 = tpu.memref_slice %arg4[%mul3A_13] : memref<16384xi32, #tpu.memory_space<hbm>> -> memref<1024xi32, #tpu.memory_space<hbm>>
      %dma_wait3A_115 = tpu.memref_slice %arg11[%mul3A_13] : memref<16384xi32, #tpu.memory_space<vmem>> -> memref<1024xi32, #tpu.memory_space<vmem>>
      %dma_wait3A_116 = tpu.memref_slice %arg4[%mul3A_13] : memref<16384xi32, #tpu.memory_space<hbm>> -> memref<1024xi32, #tpu.memory_space<hbm>>
      tpu.wait_dma2 semaphore(%run_scoped3A : memref<!tpu.dma_semaphore, #tpu.memory_space<semaphore_mem>>) src(%dma_wait3A_116 : memref<1024xi32, #tpu.memory_space<hbm>>) dst(%dma_wait3A_115 : memref<1024xi32, #tpu.memory_space<vmem>>)
      tpu.yield
    }) : () -> ()
    %scan3A = arith.constant 0 : i32
    %scan3A_14 = arith.constant 16 : i32
    %scan3A_15 = arith.addi %scan3A, %scan3A_14 : i32
    %scan3A_16 = arith.constant 1 : i32
    scf.for %scan3A_109 = %scan3A to %scan3A_15 step %scan3A_16  : i32 {
      %mul3A_110 = arith.constant 4 : i32
      %mul3A_111 = arith.muli %scan3A_109, %mul3A_110 : i32
      %mul3A_112 = arith.constant 16 : i32
      %mul3A_113 = arith.muli %mul3A_111, %mul3A_112 : i32
      %add3A_114 = arith.addi %mul3A_13, %mul3A_113 : i32
      %add3A_115 = arith.constant 0 : i32
      %add3A_116 = arith.addi %add3A_114, %add3A_115 : i32
      %mul3A_117 = arith.constant 4 : i32
      %mul3A_118 = arith.muli %scan3A_109, %mul3A_117 : i32
      %mul3A_119 = arith.constant 16 : i32
      %mul3A_120 = arith.muli %mul3A_118, %mul3A_119 : i32
      %add3A_121 = arith.addi %mul3A_13, %mul3A_120 : i32
      %add3A_122 = arith.constant 16 : i32
      %add3A_123 = arith.addi %add3A_121, %add3A_122 : i32
      %mul3A_124 = arith.constant 4 : i32
      %mul3A_125 = arith.muli %scan3A_109, %mul3A_124 : i32
      %mul3A_126 = arith.constant 16 : i32
      %mul3A_127 = arith.muli %mul3A_125, %mul3A_126 : i32
      %add3A_128 = arith.addi %mul3A_13, %mul3A_127 : i32
      %add3A_129 = arith.constant 32 : i32
      %add3A_130 = arith.addi %add3A_128, %add3A_129 : i32
      %mul3A_131 = arith.constant 4 : i32
      %mul3A_132 = arith.muli %scan3A_109, %mul3A_131 : i32
      %mul3A_133 = arith.constant 16 : i32
      %mul3A_134 = arith.muli %mul3A_132, %mul3A_133 : i32
      %add3A_135 = arith.addi %mul3A_13, %mul3A_134 : i32
      %add3A_136 = arith.constant 48 : i32
      %add3A_137 = arith.addi %add3A_135, %add3A_136 : i32
      %get3A_138 = arith.index_cast %add3A_116 : i32 to index
      %get3A_139 = tpu.vector_load %arg11[%get3A_138] {strides = array<i32>} : memref<16384xi32, #tpu.memory_space<vmem>>, vector<16xi32>,
      %get3A_140 = arith.index_cast %add3A_123 : i32 to index
      %get3A_141 = tpu.vector_load %arg11[%get3A_140] {strides = array<i32>} : memref<16384xi32, #tpu.memory_space<vmem>>, vector<16xi32>,
      %get3A_142 = arith.index_cast %add3A_130 : i32 to index
      %get3A_143 = tpu.vector_load %arg11[%get3A_142] {strides = array<i32>} : memref<16384xi32, #tpu.memory_space<vmem>>, vector<16xi32>,
      %get3A_144 = arith.index_cast %add3A_137 : i32 to index
      %get3A_145 = tpu.vector_load %arg11[%get3A_144] {strides = array<i32>} : memref<16384xi32, #tpu.memory_space<vmem>>, vector<16xi32>,
      %convert_element_type3A_146 = arith.sitofp %get3A_139 : vector<16xi32> to vector<16xf32>
      %convert_element_type3A_147 = arith.sitofp %get3A_141 : vector<16xi32> to vector<16xf32>
      %convert_element_type3A_148 = arith.sitofp %get3A_143 : vector<16xi32> to vector<16xf32>
      %convert_element_type3A_149 = arith.sitofp %get3A_145 : vector<16xi32> to vector<16xf32>
      %broadcast_in_dim3A_150 = arith.constant 0 : i32
      %broadcast_in_dim3A_151 = vector.broadcast %broadcast_in_dim3A_150 : i32 to vector<16xi32>
      %broadcast_in_dim3A_152 = arith.constant 0 : i32
      %broadcast_in_dim3A_153 = vector.broadcast %broadcast_in_dim3A_152 : i32 to vector<16xi32>
      %broadcast_in_dim3A_154 = arith.constant 0 : i32
      %broadcast_in_dim3A_155 = vector.broadcast %broadcast_in_dim3A_154 : i32 to vector<16xi32>
      %broadcast_in_dim3A_156 = arith.constant 0 : i32
      %broadcast_in_dim3A_157 = vector.broadcast %broadcast_in_dim3A_156 : i32 to vector<16xi32>
      %add3A_158 = arith.constant 512 : i32
      %add3A_159 = vector.broadcast %add3A_158 : i32 to vector<16xi32>
      %add3A_160 = arith.addi %broadcast_in_dim3A_151, %add3A_159 : vector<16xi32>
      %min3A = arith.constant 1000 : i32
      %min3A_161 = vector.broadcast %min3A : i32 to vector<16xi32>
      %min3A_162 = arith.minsi %add3A_160, %min3A_161 : vector<16xi32>
      %sub3A = arith.constant 1 : i32
      %sub3A_163 = vector.broadcast %sub3A : i32 to vector<16xi32>
      %sub3A_164 = arith.subi %min3A_162, %sub3A_163 : vector<16xi32>
      %gather3A = tpu.vector_load_idx %arg15[%sub3A_164] : memref<1000xf32, #tpu.memory_space<vmem>>[vector<16xi32>], vector<16xf32>,
      %le3A = arith.constant 1000 : i32
      %le3A_165 = vector.broadcast %le3A : i32 to vector<16xi32>
      %le3A_166 = arith.cmpi sle, %add3A_160, %le3A_165 : vector<16xi32>
      %le3A_167 = arith.cmpf ole, %gather3A, %convert_element_type3A_146 : vector<16xf32>
      %and3A = arith.andi %le3A_166, %le3A_167 : vector<16xi1>
      %select_n3A = arith.select %and3A, %add3A_160, %broadcast_in_dim3A_151 : vector<16xi1>, vector<16xi32>
      %add3A_168 = arith.constant 512 : i32
      %add3A_169 = vector.broadcast %add3A_168 : i32 to vector<16xi32>
      %add3A_170 = arith.addi %broadcast_in_dim3A_153, %add3A_169 : vector<16xi32>
      %min3A_171 = arith.constant 1000 : i32
      %min3A_172 = vector.broadcast %min3A_171 : i32 to vector<16xi32>
      %min3A_173 = arith.minsi %add3A_170, %min3A_172 : vector<16xi32>
      %sub3A_174 = arith.constant 1 : i32
      %sub3A_175 = vector.broadcast %sub3A_174 : i32 to vector<16xi32>
      %sub3A_176 = arith.subi %min3A_173, %sub3A_175 : vector<16xi32>
      %gather3A_177 = tpu.vector_load_idx %arg15[%sub3A_176] : memref<1000xf32, #tpu.memory_space<vmem>>[vector<16xi32>], vector<16xf32>,
      %le3A_178 = arith.constant 1000 : i32
      %le3A_179 = vector.broadcast %le3A_178 : i32 to vector<16xi32>
      %le3A_180 = arith.cmpi sle, %add3A_170, %le3A_179 : vector<16xi32>
      %le3A_181 = arith.cmpf ole, %gather3A_177, %convert_element_type3A_147 : vector<16xf32>
      %and3A_182 = arith.andi %le3A_180, %le3A_181 : vector<16xi1>
      %select_n3A_183 = arith.select %and3A_182, %add3A_170, %broadcast_in_dim3A_153 : vector<16xi1>, vector<16xi32>
      %add3A_184 = arith.constant 512 : i32
      %add3A_185 = vector.broadcast %add3A_184 : i32 to vector<16xi32>
      %add3A_186 = arith.addi %broadcast_in_dim3A_155, %add3A_185 : vector<16xi32>
      %min3A_187 = arith.constant 1000 : i32
      %min3A_188 = vector.broadcast %min3A_187 : i32 to vector<16xi32>
      %min3A_189 = arith.minsi %add3A_186, %min3A_188 : vector<16xi32>
      %sub3A_190 = arith.constant 1 : i32
      %sub3A_191 = vector.broadcast %sub3A_190 : i32 to vector<16xi32>
      %sub3A_192 = arith.subi %min3A_189, %sub3A_191 : vector<16xi32>
      %gather3A_193 = tpu.vector_load_idx %arg15[%sub3A_192] : memref<1000xf32, #tpu.memory_space<vmem>>[vector<16xi32>], vector<16xf32>,
      %le3A_194 = arith.constant 1000 : i32
      %le3A_195 = vector.broadcast %le3A_194 : i32 to vector<16xi32>
      %le3A_196 = arith.cmpi sle, %add3A_186, %le3A_195 : vector<16xi32>
      %le3A_197 = arith.cmpf ole, %gather3A_193, %convert_element_type3A_148 : vector<16xf32>
      %and3A_198 = arith.andi %le3A_196, %le3A_197 : vector<16xi1>
      %select_n3A_199 = arith.select %and3A_198, %add3A_186, %broadcast_in_dim3A_155 : vector<16xi1>, vector<16xi32>
      %add3A_200 = arith.constant 512 : i32
      %add3A_201 = vector.broadcast %add3A_200 : i32 to vector<16xi32>
      %add3A_202 = arith.addi %broadcast_in_dim3A_157, %add3A_201 : vector<16xi32>
      %min3A_203 = arith.constant 1000 : i32
      %min3A_204 = vector.broadcast %min3A_203 : i32 to vector<16xi32>
      %min3A_205 = arith.minsi %add3A_202, %min3A_204 : vector<16xi32>
      %sub3A_206 = arith.constant 1 : i32
      %sub3A_207 = vector.broadcast %sub3A_206 : i32 to vector<16xi32>
      %sub3A_208 = arith.subi %min3A_205, %sub3A_207 : vector<16xi32>
      %gather3A_209 = tpu.vector_load_idx %arg15[%sub3A_208] : memref<1000xf32, #tpu.memory_space<vmem>>[vector<16xi32>], vector<16xf32>,
      %le3A_210 = arith.constant 1000 : i32
      %le3A_211 = vector.broadcast %le3A_210 : i32 to vector<16xi32>
      %le3A_212 = arith.cmpi sle, %add3A_202, %le3A_211 : vector<16xi32>
      %le3A_213 = arith.cmpf ole, %gather3A_209, %convert_element_type3A_149 : vector<16xf32>
      %and3A_214 = arith.andi %le3A_212, %le3A_213 : vector<16xi1>
      %select_n3A_215 = arith.select %and3A_214, %add3A_202, %broadcast_in_dim3A_157 : vector<16xi1>, vector<16xi32>
      %add3A_216 = arith.constant 256 : i32
      %add3A_217 = vector.broadcast %add3A_216 : i32 to vector<16xi32>
      %add3A_218 = arith.addi %select_n3A, %add3A_217 : vector<16xi32>
      %min3A_219 = arith.constant 1000 : i32
      %min3A_220 = vector.broadcast %min3A_219 : i32 to vector<16xi32>
      %min3A_221 = arith.minsi %add3A_218, %min3A_220 : vector<16xi32>
      %sub3A_222 = arith.constant 1 : i32
      %sub3A_223 = vector.broadcast %sub3A_222 : i32 to vector<16xi32>
      %sub3A_224 = arith.subi %min3A_221, %sub3A_223 : vector<16xi32>
      %gather3A_225 = tpu.vector_load_idx %arg15[%sub3A_224] : memref<1000xf32, #tpu.memory_space<vmem>>[vector<16xi32>], vector<16xf32>,
      %le3A_226 = arith.constant 1000 : i32
      %le3A_227 = vector.broadcast %le3A_226 : i32 to vector<16xi32>
      %le3A_228 = arith.cmpi sle, %add3A_218, %le3A_227 : vector<16xi32>
      %le3A_229 = arith.cmpf ole, %gather3A_225, %convert_element_type3A_146 : vector<16xf32>
      %and3A_230 = arith.andi %le3A_228, %le3A_229 : vector<16xi1>
      %select_n3A_231 = arith.select %and3A_230, %add3A_218, %select_n3A : vector<16xi1>, vector<16xi32>
      %add3A_232 = arith.constant 256 : i32
      %add3A_233 = vector.broadcast %add3A_232 : i32 to vector<16xi32>
      %add3A_234 = arith.addi %select_n3A_183, %add3A_233 : vector<16xi32>
      %min3A_235 = arith.constant 1000 : i32
      %min3A_236 = vector.broadcast %min3A_235 : i32 to vector<16xi32>
      %min3A_237 = arith.minsi %add3A_234, %min3A_236 : vector<16xi32>
      %sub3A_238 = arith.constant 1 : i32
      %sub3A_239 = vector.broadcast %sub3A_238 : i32 to vector<16xi32>
      %sub3A_240 = arith.subi %min3A_237, %sub3A_239 : vector<16xi32>
      %gather3A_241 = tpu.vector_load_idx %arg15[%sub3A_240] : memref<1000xf32, #tpu.memory_space<vmem>>[vector<16xi32>], vector<16xf32>,
      %le3A_242 = arith.constant 1000 : i32
      %le3A_243 = vector.broadcast %le3A_242 : i32 to vector<16xi32>
      %le3A_244 = arith.cmpi sle, %add3A_234, %le3A_243 : vector<16xi32>
      %le3A_245 = arith.cmpf ole, %gather3A_241, %convert_element_type3A_147 : vector<16xf32>
      %and3A_246 = arith.andi %le3A_244, %le3A_245 : vector<16xi1>
      %select_n3A_247 = arith.select %and3A_246, %add3A_234, %select_n3A_183 : vector<16xi1>, vector<16xi32>
      %add3A_248 = arith.constant 256 : i32
      %add3A_249 = vector.broadcast %add3A_248 : i32 to vector<16xi32>
      %add3A_250 = arith.addi %select_n3A_199, %add3A_249 : vector<16xi32>
      %min3A_251 = arith.constant 1000 : i32
      %min3A_252 = vector.broadcast %min3A_251 : i32 to vector<16xi32>
      %min3A_253 = arith.minsi %add3A_250, %min3A_252 : vector<16xi32>
      %sub3A_254 = arith.constant 1 : i32
      %sub3A_255 = vector.broadcast %sub3A_254 : i32 to vector<16xi32>
      %sub3A_256 = arith.subi %min3A_253, %sub3A_255 : vector<16xi32>
      %gather3A_257 = tpu.vector_load_idx %arg15[%sub3A_256] : memref<1000xf32, #tpu.memory_space<vmem>>[vector<16xi32>], vector<16xf32>,
      %le3A_258 = arith.constant 1000 : i32
      %le3A_259 = vector.broadcast %le3A_258 : i32 to vector<16xi32>
      %le3A_260 = arith.cmpi sle, %add3A_250, %le3A_259 : vector<16xi32>
      %le3A_261 = arith.cmpf ole, %gather3A_257, %convert_element_type3A_148 : vector<16xf32>
      %and3A_262 = arith.andi %le3A_260, %le3A_261 : vector<16xi1>
      %select_n3A_263 = arith.select %and3A_262, %add3A_250, %select_n3A_199 : vector<16xi1>, vector<16xi32>
      %add3A_264 = arith.constant 256 : i32
      %add3A_265 = vector.broadcast %add3A_264 : i32 to vector<16xi32>
      %add3A_266 = arith.addi %select_n3A_215, %add3A_265 : vector<16xi32>
      %min3A_267 = arith.constant 1000 : i32
      %min3A_268 = vector.broadcast %min3A_267 : i32 to vector<16xi32>
      %min3A_269 = arith.minsi %add3A_266, %min3A_268 : vector<16xi32>
      %sub3A_270 = arith.constant 1 : i32
      %sub3A_271 = vector.broadcast %sub3A_270 : i32 to vector<16xi32>
      %sub3A_272 = arith.subi %min3A_269, %sub3A_271 : vector<16xi32>
      %gather3A_273 = tpu.vector_load_idx %arg15[%sub3A_272] : memref<1000xf32, #tpu.memory_space<vmem>>[vector<16xi32>], vector<16xf32>,
      %le3A_274 = arith.constant 1000 : i32
      %le3A_275 = vector.broadcast %le3A_274 : i32 to vector<16xi32>
      %le3A_276 = arith.cmpi sle, %add3A_266, %le3A_275 : vector<16xi32>
      %le3A_277 = arith.cmpf ole, %gather3A_273, %convert_element_type3A_149 : vector<16xf32>
      %and3A_278 = arith.andi %le3A_276, %le3A_277 : vector<16xi1>
      %select_n3A_279 = arith.select %and3A_278, %add3A_266, %select_n3A_215 : vector<16xi1>, vector<16xi32>
      %add3A_280 = arith.constant 128 : i32
      %add3A_281 = vector.broadcast %add3A_280 : i32 to vector<16xi32>
      %add3A_282 = arith.addi %select_n3A_231, %add3A_281 : vector<16xi32>
      %min3A_283 = arith.constant 1000 : i32
      %min3A_284 = vector.broadcast %min3A_283 : i32 to vector<16xi32>
      %min3A_285 = arith.minsi %add3A_282, %min3A_284 : vector<16xi32>
      %sub3A_286 = arith.constant 1 : i32
      %sub3A_287 = vector.broadcast %sub3A_286 : i32 to vector<16xi32>
      %sub3A_288 = arith.subi %min3A_285, %sub3A_287 : vector<16xi32>
      %gather3A_289 = tpu.vector_load_idx %arg15[%sub3A_288] : memref<1000xf32, #tpu.memory_space<vmem>>[vector<16xi32>], vector<16xf32>,
      %le3A_290 = arith.constant 1000 : i32
      %le3A_291 = vector.broadcast %le3A_290 : i32 to vector<16xi32>
      %le3A_292 = arith.cmpi sle, %add3A_282, %le3A_291 : vector<16xi32>
      %le3A_293 = arith.cmpf ole, %gather3A_289, %convert_element_type3A_146 : vector<16xf32>
      %and3A_294 = arith.andi %le3A_292, %le3A_293 : vector<16xi1>
      %select_n3A_295 = arith.select %and3A_294, %add3A_282, %select_n3A_231 : vector<16xi1>, vector<16xi32>
      %add3A_296 = arith.constant 128 : i32
      %add3A_297 = vector.broadcast %add3A_296 : i32 to vector<16xi32>
      %add3A_298 = arith.addi %select_n3A_247, %add3A_297 : vector<16xi32>
      %min3A_299 = arith.constant 1000 : i32
      %min3A_300 = vector.broadcast %min3A_299 : i32 to vector<16xi32>
      %min3A_301 = arith.minsi %add3A_298, %min3A_300 : vector<16xi32>
      %sub3A_302 = arith.constant 1 : i32
      %sub3A_303 = vector.broadcast %sub3A_302 : i32 to vector<16xi32>
      %sub3A_304 = arith.subi %min3A_301, %sub3A_303 : vector<16xi32>
      %gather3A_305 = tpu.vector_load_idx %arg15[%sub3A_304] : memref<1000xf32, #tpu.memory_space<vmem>>[vector<16xi32>], vector<16xf32>,
      %le3A_306 = arith.constant 1000 : i32
      %le3A_307 = vector.broadcast %le3A_306 : i32 to vector<16xi32>
      %le3A_308 = arith.cmpi sle, %add3A_298, %le3A_307 : vector<16xi32>
      %le3A_309 = arith.cmpf ole, %gather3A_305, %convert_element_type3A_147 : vector<16xf32>
      %and3A_310 = arith.andi %le3A_308, %le3A_309 : vector<16xi1>
      %select_n3A_311 = arith.select %and3A_310, %add3A_298, %select_n3A_247 : vector<16xi1>, vector<16xi32>
      %add3A_312 = arith.constant 128 : i32
      %add3A_313 = vector.broadcast %add3A_312 : i32 to vector<16xi32>
      %add3A_314 = arith.addi %select_n3A_263, %add3A_313 : vector<16xi32>
      %min3A_315 = arith.constant 1000 : i32
      %min3A_316 = vector.broadcast %min3A_315 : i32 to vector<16xi32>
      %min3A_317 = arith.minsi %add3A_314, %min3A_316 : vector<16xi32>
      %sub3A_318 = arith.constant 1 : i32
      %sub3A_319 = vector.broadcast %sub3A_318 : i32 to vector<16xi32>
      %sub3A_320 = arith.subi %min3A_317, %sub3A_319 : vector<16xi32>
      %gather3A_321 = tpu.vector_load_idx %arg15[%sub3A_320] : memref<1000xf32, #tpu.memory_space<vmem>>[vector<16xi32>], vector<16xf32>,
      %le3A_322 = arith.constant 1000 : i32
      %le3A_323 = vector.broadcast %le3A_322 : i32 to vector<16xi32>
      %le3A_324 = arith.cmpi sle, %add3A_314, %le3A_323 : vector<16xi32>
      %le3A_325 = arith.cmpf ole, %gather3A_321, %convert_element_type3A_148 : vector<16xf32>
      %and3A_326 = arith.andi %le3A_324, %le3A_325 : vector<16xi1>
      %select_n3A_327 = arith.select %and3A_326, %add3A_314, %select_n3A_263 : vector<16xi1>, vector<16xi32>
      %add3A_328 = arith.constant 128 : i32
      %add3A_329 = vector.broadcast %add3A_328 : i32 to vector<16xi32>
      %add3A_330 = arith.addi %select_n3A_279, %add3A_329 : vector<16xi32>
      %min3A_331 = arith.constant 1000 : i32
      %min3A_332 = vector.broadcast %min3A_331 : i32 to vector<16xi32>
      %min3A_333 = arith.minsi %add3A_330, %min3A_332 : vector<16xi32>
      %sub3A_334 = arith.constant 1 : i32
      %sub3A_335 = vector.broadcast %sub3A_334 : i32 to vector<16xi32>
      %sub3A_336 = arith.subi %min3A_333, %sub3A_335 : vector<16xi32>
      %gather3A_337 = tpu.vector_load_idx %arg15[%sub3A_336] : memref<1000xf32, #tpu.memory_space<vmem>>[vector<16xi32>], vector<16xf32>,
      %le3A_338 = arith.constant 1000 : i32
      %le3A_339 = vector.broadcast %le3A_338 : i32 to vector<16xi32>
      %le3A_340 = arith.cmpi sle, %add3A_330, %le3A_339 : vector<16xi32>
      %le3A_341 = arith.cmpf ole, %gather3A_337, %convert_element_type3A_149 : vector<16xf32>
      %and3A_342 = arith.andi %le3A_340, %le3A_341 : vector<16xi1>
      %select_n3A_343 = arith.select %and3A_342, %add3A_330, %select_n3A_279 : vector<16xi1>, vector<16xi32>
      %add3A_344 = arith.constant 64 : i32
      %add3A_345 = vector.broadcast %add3A_344 : i32 to vector<16xi32>
      %add3A_346 = arith.addi %select_n3A_295, %add3A_345 : vector<16xi32>
      %min3A_347 = arith.constant 1000 : i32
      %min3A_348 = vector.broadcast %min3A_347 : i32 to vector<16xi32>
      %min3A_349 = arith.minsi %add3A_346, %min3A_348 : vector<16xi32>
      %sub3A_350 = arith.constant 1 : i32
      %sub3A_351 = vector.broadcast %sub3A_350 : i32 to vector<16xi32>
      %sub3A_352 = arith.subi %min3A_349, %sub3A_351 : vector<16xi32>
      %gather3A_353 = tpu.vector_load_idx %arg15[%sub3A_352] : memref<1000xf32, #tpu.memory_space<vmem>>[vector<16xi32>], vector<16xf32>,
      %le3A_354 = arith.constant 1000 : i32
      %le3A_355 = vector.broadcast %le3A_354 : i32 to vector<16xi32>
      %le3A_356 = arith.cmpi sle, %add3A_346, %le3A_355 : vector<16xi32>
      %le3A_357 = arith.cmpf ole, %gather3A_353, %convert_element_type3A_146 : vector<16xf32>
      %and3A_358 = arith.andi %le3A_356, %le3A_357 : vector<16xi1>
      %select_n3A_359 = arith.select %and3A_358, %add3A_346, %select_n3A_295 : vector<16xi1>, vector<16xi32>
      %add3A_360 = arith.constant 64 : i32
      %add3A_361 = vector.broadcast %add3A_360 : i32 to vector<16xi32>
      %add3A_362 = arith.addi %select_n3A_311, %add3A_361 : vector<16xi32>
      %min3A_363 = arith.constant 1000 : i32
      %min3A_364 = vector.broadcast %min3A_363 : i32 to vector<16xi32>
      %min3A_365 = arith.minsi %add3A_362, %min3A_364 : vector<16xi32>
      %sub3A_366 = arith.constant 1 : i32
      %sub3A_367 = vector.broadcast %sub3A_366 : i32 to vector<16xi32>
      %sub3A_368 = arith.subi %min3A_365, %sub3A_367 : vector<16xi32>
      %gather3A_369 = tpu.vector_load_idx %arg15[%sub3A_368] : memref<1000xf32, #tpu.memory_space<vmem>>[vector<16xi32>], vector<16xf32>,
      %le3A_370 = arith.constant 1000 : i32
      %le3A_371 = vector.broadcast %le3A_370 : i32 to vector<16xi32>
      %le3A_372 = arith.cmpi sle, %add3A_362, %le3A_371 : vector<16xi32>
      %le3A_373 = arith.cmpf ole, %gather3A_369, %convert_element_type3A_147 : vector<16xf32>
      %and3A_374 = arith.andi %le3A_372, %le3A_373 : vector<16xi1>
      %select_n3A_375 = arith.select %and3A_374, %add3A_362, %select_n3A_311 : vector<16xi1>, vector<16xi32>
      %add3A_376 = arith.constant 64 : i32
      %add3A_377 = vector.broadcast %add3A_376 : i32 to vector<16xi32>
      %add3A_378 = arith.addi %select_n3A_327, %add3A_377 : vector<16xi32>
      %min3A_379 = arith.constant 1000 : i32
      %min3A_380 = vector.broadcast %min3A_379 : i32 to vector<16xi32>
      %min3A_381 = arith.minsi %add3A_378, %min3A_380 : vector<16xi32>
      %sub3A_382 = arith.constant 1 : i32
      %sub3A_383 = vector.broadcast %sub3A_382 : i32 to vector<16xi32>
      %sub3A_384 = arith.subi %min3A_381, %sub3A_383 : vector<16xi32>
      %gather3A_385 = tpu.vector_load_idx %arg15[%sub3A_384] : memref<1000xf32, #tpu.memory_space<vmem>>[vector<16xi32>], vector<16xf32>,
      %le3A_386 = arith.constant 1000 : i32
      %le3A_387 = vector.broadcast %le3A_386 : i32 to vector<16xi32>
      %le3A_388 = arith.cmpi sle, %add3A_378, %le3A_387 : vector<16xi32>
      %le3A_389 = arith.cmpf ole, %gather3A_385, %convert_element_type3A_148 : vector<16xf32>
      %and3A_390 = arith.andi %le3A_388, %le3A_389 : vector<16xi1>
      %select_n3A_391 = arith.select %and3A_390, %add3A_378, %select_n3A_327 : vector<16xi1>, vector<16xi32>
      %add3A_392 = arith.constant 64 : i32
      %add3A_393 = vector.broadcast %add3A_392 : i32 to vector<16xi32>
      %add3A_394 = arith.addi %select_n3A_343, %add3A_393 : vector<16xi32>
      %min3A_395 = arith.constant 1000 : i32
      %min3A_396 = vector.broadcast %min3A_395 : i32 to vector<16xi32>
      %min3A_397 = arith.minsi %add3A_394, %min3A_396 : vector<16xi32>
      %sub3A_398 = arith.constant 1 : i32
      %sub3A_399 = vector.broadcast %sub3A_398 : i32 to vector<16xi32>
      %sub3A_400 = arith.subi %min3A_397, %sub3A_399 : vector<16xi32>
      %gather3A_401 = tpu.vector_load_idx %arg15[%sub3A_400] : memref<1000xf32, #tpu.memory_space<vmem>>[vector<16xi32>], vector<16xf32>,
      %le3A_402 = arith.constant 1000 : i32
      %le3A_403 = vector.broadcast %le3A_402 : i32 to vector<16xi32>
      %le3A_404 = arith.cmpi sle, %add3A_394, %le3A_403 : vector<16xi32>
      %le3A_405 = arith.cmpf ole, %gather3A_401, %convert_element_type3A_149 : vector<16xf32>
      %and3A_406 = arith.andi %le3A_404, %le3A_405 : vector<16xi1>
      %select_n3A_407 = arith.select %and3A_406, %add3A_394, %select_n3A_343 : vector<16xi1>, vector<16xi32>
      %add3A_408 = arith.constant 32 : i32
      %add3A_409 = vector.broadcast %add3A_408 : i32 to vector<16xi32>
      %add3A_410 = arith.addi %select_n3A_359, %add3A_409 : vector<16xi32>
      %min3A_411 = arith.constant 1000 : i32
      %min3A_412 = vector.broadcast %min3A_411 : i32 to vector<16xi32>
      %min3A_413 = arith.minsi %add3A_410, %min3A_412 : vector<16xi32>
      %sub3A_414 = arith.constant 1 : i32
      %sub3A_415 = vector.broadcast %sub3A_414 : i32 to vector<16xi32>
      %sub3A_416 = arith.subi %min3A_413, %sub3A_415 : vector<16xi32>
      %gather3A_417 = tpu.vector_load_idx %arg15[%sub3A_416] : memref<1000xf32, #tpu.memory_space<vmem>>[vector<16xi32>], vector<16xf32>,
      %le3A_418 = arith.constant 1000 : i32
      %le3A_419 = vector.broadcast %le3A_418 : i32 to vector<16xi32>
      %le3A_420 = arith.cmpi sle, %add3A_410, %le3A_419 : vector<16xi32>
      %le3A_421 = arith.cmpf ole, %gather3A_417, %convert_element_type3A_146 : vector<16xf32>
      %and3A_422 = arith.andi %le3A_420, %le3A_421 : vector<16xi1>
      %select_n3A_423 = arith.select %and3A_422, %add3A_410, %select_n3A_359 : vector<16xi1>, vector<16xi32>
      %add3A_424 = arith.constant 32 : i32
      %add3A_425 = vector.broadcast %add3A_424 : i32 to vector<16xi32>
      %add3A_426 = arith.addi %select_n3A_375, %add3A_425 : vector<16xi32>
      %min3A_427 = arith.constant 1000 : i32
      %min3A_428 = vector.broadcast %min3A_427 : i32 to vector<16xi32>
      %min3A_429 = arith.minsi %add3A_426, %min3A_428 : vector<16xi32>
      %sub3A_430 = arith.constant 1 : i32
      %sub3A_431 = vector.broadcast %sub3A_430 : i32 to vector<16xi32>
      %sub3A_432 = arith.subi %min3A_429, %sub3A_431 : vector<16xi32>
      %gather3A_433 = tpu.vector_load_idx %arg15[%sub3A_432] : memref<1000xf32, #tpu.memory_space<vmem>>[vector<16xi32>], vector<16xf32>,
      %le3A_434 = arith.constant 1000 : i32
      %le3A_435 = vector.broadcast %le3A_434 : i32 to vector<16xi32>
      %le3A_436 = arith.cmpi sle, %add3A_426, %le3A_435 : vector<16xi32>
      %le3A_437 = arith.cmpf ole, %gather3A_433, %convert_element_type3A_147 : vector<16xf32>
      %and3A_438 = arith.andi %le3A_436, %le3A_437 : vector<16xi1>
      %select_n3A_439 = arith.select %and3A_438, %add3A_426, %select_n3A_375 : vector<16xi1>, vector<16xi32>
      %add3A_440 = arith.constant 32 : i32
      %add3A_441 = vector.broadcast %add3A_440 : i32 to vector<16xi32>
      %add3A_442 = arith.addi %select_n3A_391, %add3A_441 : vector<16xi32>
      %min3A_443 = arith.constant 1000 : i32
      %min3A_444 = vector.broadcast %min3A_443 : i32 to vector<16xi32>
      %min3A_445 = arith.minsi %add3A_442, %min3A_444 : vector<16xi32>
      %sub3A_446 = arith.constant 1 : i32
      %sub3A_447 = vector.broadcast %sub3A_446 : i32 to vector<16xi32>
      %sub3A_448 = arith.subi %min3A_445, %sub3A_447 : vector<16xi32>
      %gather3A_449 = tpu.vector_load_idx %arg15[%sub3A_448] : memref<1000xf32, #tpu.memory_space<vmem>>[vector<16xi32>], vector<16xf32>,
      %le3A_450 = arith.constant 1000 : i32
      %le3A_451 = vector.broadcast %le3A_450 : i32 to vector<16xi32>
      %le3A_452 = arith.cmpi sle, %add3A_442, %le3A_451 : vector<16xi32>
      %le3A_453 = arith.cmpf ole, %gather3A_449, %convert_element_type3A_148 : vector<16xf32>
      %and3A_454 = arith.andi %le3A_452, %le3A_453 : vector<16xi1>
      %select_n3A_455 = arith.select %and3A_454, %add3A_442, %select_n3A_391 : vector<16xi1>, vector<16xi32>
      %add3A_456 = arith.constant 32 : i32
      %add3A_457 = vector.broadcast %add3A_456 : i32 to vector<16xi32>
      %add3A_458 = arith.addi %select_n3A_407, %add3A_457 : vector<16xi32>
      %min3A_459 = arith.constant 1000 : i32
      %min3A_460 = vector.broadcast %min3A_459 : i32 to vector<16xi32>
      %min3A_461 = arith.minsi %add3A_458, %min3A_460 : vector<16xi32>
      %sub3A_462 = arith.constant 1 : i32
      %sub3A_463 = vector.broadcast %sub3A_462 : i32 to vector<16xi32>
      %sub3A_464 = arith.subi %min3A_461, %sub3A_463 : vector<16xi32>
      %gather3A_465 = tpu.vector_load_idx %arg15[%sub3A_464] : memref<1000xf32, #tpu.memory_space<vmem>>[vector<16xi32>], vector<16xf32>,
      %le3A_466 = arith.constant 1000 : i32
      %le3A_467 = vector.broadcast %le3A_466 : i32 to vector<16xi32>
      %le3A_468 = arith.cmpi sle, %add3A_458, %le3A_467 : vector<16xi32>
      %le3A_469 = arith.cmpf ole, %gather3A_465, %convert_element_type3A_149 : vector<16xf32>
      %and3A_470 = arith.andi %le3A_468, %le3A_469 : vector<16xi1>
      %select_n3A_471 = arith.select %and3A_470, %add3A_458, %select_n3A_407 : vector<16xi1>, vector<16xi32>
      %add3A_472 = arith.constant 16 : i32
      %add3A_473 = vector.broadcast %add3A_472 : i32 to vector<16xi32>
      %add3A_474 = arith.addi %select_n3A_423, %add3A_473 : vector<16xi32>
      %min3A_475 = arith.constant 1000 : i32
      %min3A_476 = vector.broadcast %min3A_475 : i32 to vector<16xi32>
      %min3A_477 = arith.minsi %add3A_474, %min3A_476 : vector<16xi32>
      %sub3A_478 = arith.constant 1 : i32
      %sub3A_479 = vector.broadcast %sub3A_478 : i32 to vector<16xi32>
      %sub3A_480 = arith.subi %min3A_477, %sub3A_479 : vector<16xi32>
      %gather3A_481 = tpu.vector_load_idx %arg15[%sub3A_480] : memref<1000xf32, #tpu.memory_space<vmem>>[vector<16xi32>], vector<16xf32>,
      %le3A_482 = arith.constant 1000 : i32
      %le3A_483 = vector.broadcast %le3A_482 : i32 to vector<16xi32>
      %le3A_484 = arith.cmpi sle, %add3A_474, %le3A_483 : vector<16xi32>
      %le3A_485 = arith.cmpf ole, %gather3A_481, %convert_element_type3A_146 : vector<16xf32>
      %and3A_486 = arith.andi %le3A_484, %le3A_485 : vector<16xi1>
      %select_n3A_487 = arith.select %and3A_486, %add3A_474, %select_n3A_423 : vector<16xi1>, vector<16xi32>
      %add3A_488 = arith.constant 16 : i32
      %add3A_489 = vector.broadcast %add3A_488 : i32 to vector<16xi32>
      %add3A_490 = arith.addi %select_n3A_439, %add3A_489 : vector<16xi32>
      %min3A_491 = arith.constant 1000 : i32
      %min3A_492 = vector.broadcast %min3A_491 : i32 to vector<16xi32>
      %min3A_493 = arith.minsi %add3A_490, %min3A_492 : vector<16xi32>
      %sub3A_494 = arith.constant 1 : i32
      %sub3A_495 = vector.broadcast %sub3A_494 : i32 to vector<16xi32>
      %sub3A_496 = arith.subi %min3A_493, %sub3A_495 : vector<16xi32>
      %gather3A_497 = tpu.vector_load_idx %arg15[%sub3A_496] : memref<1000xf32, #tpu.memory_space<vmem>>[vector<16xi32>], vector<16xf32>,
      %le3A_498 = arith.constant 1000 : i32
      %le3A_499 = vector.broadcast %le3A_498 : i32 to vector<16xi32>
      %le3A_500 = arith.cmpi sle, %add3A_490, %le3A_499 : vector<16xi32>
      %le3A_501 = arith.cmpf ole, %gather3A_497, %convert_element_type3A_147 : vector<16xf32>
      %and3A_502 = arith.andi %le3A_500, %le3A_501 : vector<16xi1>
      %select_n3A_503 = arith.select %and3A_502, %add3A_490, %select_n3A_439 : vector<16xi1>, vector<16xi32>
      %add3A_504 = arith.constant 16 : i32
      %add3A_505 = vector.broadcast %add3A_504 : i32 to vector<16xi32>
      %add3A_506 = arith.addi %select_n3A_455, %add3A_505 : vector<16xi32>
      %min3A_507 = arith.constant 1000 : i32
      %min3A_508 = vector.broadcast %min3A_507 : i32 to vector<16xi32>
      %min3A_509 = arith.minsi %add3A_506, %min3A_508 : vector<16xi32>
      %sub3A_510 = arith.constant 1 : i32
      %sub3A_511 = vector.broadcast %sub3A_510 : i32 to vector<16xi32>
      %sub3A_512 = arith.subi %min3A_509, %sub3A_511 : vector<16xi32>
      %gather3A_513 = tpu.vector_load_idx %arg15[%sub3A_512] : memref<1000xf32, #tpu.memory_space<vmem>>[vector<16xi32>], vector<16xf32>,
      %le3A_514 = arith.constant 1000 : i32
      %le3A_515 = vector.broadcast %le3A_514 : i32 to vector<16xi32>
      %le3A_516 = arith.cmpi sle, %add3A_506, %le3A_515 : vector<16xi32>
      %le3A_517 = arith.cmpf ole, %gather3A_513, %convert_element_type3A_148 : vector<16xf32>
      %and3A_518 = arith.andi %le3A_516, %le3A_517 : vector<16xi1>
      %select_n3A_519 = arith.select %and3A_518, %add3A_506, %select_n3A_455 : vector<16xi1>, vector<16xi32>
      %add3A_520 = arith.constant 16 : i32
      %add3A_521 = vector.broadcast %add3A_520 : i32 to vector<16xi32>
      %add3A_522 = arith.addi %select_n3A_471, %add3A_521 : vector<16xi32>
      %min3A_523 = arith.constant 1000 : i32
      %min3A_524 = vector.broadcast %min3A_523 : i32 to vector<16xi32>
      %min3A_525 = arith.minsi %add3A_522, %min3A_524 : vector<16xi32>
      %sub3A_526 = arith.constant 1 : i32
      %sub3A_527 = vector.broadcast %sub3A_526 : i32 to vector<16xi32>
      %sub3A_528 = arith.subi %min3A_525, %sub3A_527 : vector<16xi32>
      %gather3A_529 = tpu.vector_load_idx %arg15[%sub3A_528] : memref<1000xf32, #tpu.memory_space<vmem>>[vector<16xi32>], vector<16xf32>,
      %le3A_530 = arith.constant 1000 : i32
      %le3A_531 = vector.broadcast %le3A_530 : i32 to vector<16xi32>
      %le3A_532 = arith.cmpi sle, %add3A_522, %le3A_531 : vector<16xi32>
      %le3A_533 = arith.cmpf ole, %gather3A_529, %convert_element_type3A_149 : vector<16xf32>
      %and3A_534 = arith.andi %le3A_532, %le3A_533 : vector<16xi1>
      %select_n3A_535 = arith.select %and3A_534, %add3A_522, %select_n3A_471 : vector<16xi1>, vector<16xi32>
      %add3A_536 = arith.constant 8 : i32
      %add3A_537 = vector.broadcast %add3A_536 : i32 to vector<16xi32>
      %add3A_538 = arith.addi %select_n3A_487, %add3A_537 : vector<16xi32>
      %min3A_539 = arith.constant 1000 : i32
      %min3A_540 = vector.broadcast %min3A_539 : i32 to vector<16xi32>
      %min3A_541 = arith.minsi %add3A_538, %min3A_540 : vector<16xi32>
      %sub3A_542 = arith.constant 1 : i32
      %sub3A_543 = vector.broadcast %sub3A_542 : i32 to vector<16xi32>
      %sub3A_544 = arith.subi %min3A_541, %sub3A_543 : vector<16xi32>
      %gather3A_545 = tpu.vector_load_idx %arg15[%sub3A_544] : memref<1000xf32, #tpu.memory_space<vmem>>[vector<16xi32>], vector<16xf32>,
      %le3A_546 = arith.constant 1000 : i32
      %le3A_547 = vector.broadcast %le3A_546 : i32 to vector<16xi32>
      %le3A_548 = arith.cmpi sle, %add3A_538, %le3A_547 : vector<16xi32>
      %le3A_549 = arith.cmpf ole, %gather3A_545, %convert_element_type3A_146 : vector<16xf32>
      %and3A_550 = arith.andi %le3A_548, %le3A_549 : vector<16xi1>
      %select_n3A_551 = arith.select %and3A_550, %add3A_538, %select_n3A_487 : vector<16xi1>, vector<16xi32>
      %add3A_552 = arith.constant 8 : i32
      %add3A_553 = vector.broadcast %add3A_552 : i32 to vector<16xi32>
      %add3A_554 = arith.addi %select_n3A_503, %add3A_553 : vector<16xi32>
      %min3A_555 = arith.constant 1000 : i32
      %min3A_556 = vector.broadcast %min3A_555 : i32 to vector<16xi32>
      %min3A_557 = arith.minsi %add3A_554, %min3A_556 : vector<16xi32>
      %sub3A_558 = arith.constant 1 : i32
      %sub3A_559 = vector.broadcast %sub3A_558 : i32 to vector<16xi32>
      %sub3A_560 = arith.subi %min3A_557, %sub3A_559 : vector<16xi32>
      %gather3A_561 = tpu.vector_load_idx %arg15[%sub3A_560] : memref<1000xf32, #tpu.memory_space<vmem>>[vector<16xi32>], vector<16xf32>,
      %le3A_562 = arith.constant 1000 : i32
      %le3A_563 = vector.broadcast %le3A_562 : i32 to vector<16xi32>
      %le3A_564 = arith.cmpi sle, %add3A_554, %le3A_563 : vector<16xi32>
      %le3A_565 = arith.cmpf ole, %gather3A_561, %convert_element_type3A_147 : vector<16xf32>
      %and3A_566 = arith.andi %le3A_564, %le3A_565 : vector<16xi1>
      %select_n3A_567 = arith.select %and3A_566, %add3A_554, %select_n3A_503 : vector<16xi1>, vector<16xi32>
      %add3A_568 = arith.constant 8 : i32
      %add3A_569 = vector.broadcast %add3A_568 : i32 to vector<16xi32>
      %add3A_570 = arith.addi %select_n3A_519, %add3A_569 : vector<16xi32>
      %min3A_571 = arith.constant 1000 : i32
      %min3A_572 = vector.broadcast %min3A_571 : i32 to vector<16xi32>
      %min3A_573 = arith.minsi %add3A_570, %min3A_572 : vector<16xi32>
      %sub3A_574 = arith.constant 1 : i32
      %sub3A_575 = vector.broadcast %sub3A_574 : i32 to vector<16xi32>
      %sub3A_576 = arith.subi %min3A_573, %sub3A_575 : vector<16xi32>
      %gather3A_577 = tpu.vector_load_idx %arg15[%sub3A_576] : memref<1000xf32, #tpu.memory_space<vmem>>[vector<16xi32>], vector<16xf32>,
      %le3A_578 = arith.constant 1000 : i32
      %le3A_579 = vector.broadcast %le3A_578 : i32 to vector<16xi32>
      %le3A_580 = arith.cmpi sle, %add3A_570, %le3A_579 : vector<16xi32>
      %le3A_581 = arith.cmpf ole, %gather3A_577, %convert_element_type3A_148 : vector<16xf32>
      %and3A_582 = arith.andi %le3A_580, %le3A_581 : vector<16xi1>
      %select_n3A_583 = arith.select %and3A_582, %add3A_570, %select_n3A_519 : vector<16xi1>, vector<16xi32>
      %add3A_584 = arith.constant 8 : i32
      %add3A_585 = vector.broadcast %add3A_584 : i32 to vector<16xi32>
      %add3A_586 = arith.addi %select_n3A_535, %add3A_585 : vector<16xi32>
      %min3A_587 = arith.constant 1000 : i32
      %min3A_588 = vector.broadcast %min3A_587 : i32 to vector<16xi32>
      %min3A_589 = arith.minsi %add3A_586, %min3A_588 : vector<16xi32>
      %sub3A_590 = arith.constant 1 : i32
      %sub3A_591 = vector.broadcast %sub3A_590 : i32 to vector<16xi32>
      %sub3A_592 = arith.subi %min3A_589, %sub3A_591 : vector<16xi32>
      %gather3A_593 = tpu.vector_load_idx %arg15[%sub3A_592] : memref<1000xf32, #tpu.memory_space<vmem>>[vector<16xi32>], vector<16xf32>,
      %le3A_594 = arith.constant 1000 : i32
      %le3A_595 = vector.broadcast %le3A_594 : i32 to vector<16xi32>
      %le3A_596 = arith.cmpi sle, %add3A_586, %le3A_595 : vector<16xi32>
      %le3A_597 = arith.cmpf ole, %gather3A_593, %convert_element_type3A_149 : vector<16xf32>
      %and3A_598 = arith.andi %le3A_596, %le3A_597 : vector<16xi1>
      %select_n3A_599 = arith.select %and3A_598, %add3A_586, %select_n3A_535 : vector<16xi1>, vector<16xi32>
      %add3A_600 = arith.constant 4 : i32
      %add3A_601 = vector.broadcast %add3A_600 : i32 to vector<16xi32>
      %add3A_602 = arith.addi %select_n3A_551, %add3A_601 : vector<16xi32>
      %min3A_603 = arith.constant 1000 : i32
      %min3A_604 = vector.broadcast %min3A_603 : i32 to vector<16xi32>
      %min3A_605 = arith.minsi %add3A_602, %min3A_604 : vector<16xi32>
      %sub3A_606 = arith.constant 1 : i32
      %sub3A_607 = vector.broadcast %sub3A_606 : i32 to vector<16xi32>
      %sub3A_608 = arith.subi %min3A_605, %sub3A_607 : vector<16xi32>
      %gather3A_609 = tpu.vector_load_idx %arg15[%sub3A_608] : memref<1000xf32, #tpu.memory_space<vmem>>[vector<16xi32>], vector<16xf32>,
      %le3A_610 = arith.constant 1000 : i32
      %le3A_611 = vector.broadcast %le3A_610 : i32 to vector<16xi32>
      %le3A_612 = arith.cmpi sle, %add3A_602, %le3A_611 : vector<16xi32>
      %le3A_613 = arith.cmpf ole, %gather3A_609, %convert_element_type3A_146 : vector<16xf32>
      %and3A_614 = arith.andi %le3A_612, %le3A_613 : vector<16xi1>
      %select_n3A_615 = arith.select %and3A_614, %add3A_602, %select_n3A_551 : vector<16xi1>, vector<16xi32>
      %add3A_616 = arith.constant 4 : i32
      %add3A_617 = vector.broadcast %add3A_616 : i32 to vector<16xi32>
      %add3A_618 = arith.addi %select_n3A_567, %add3A_617 : vector<16xi32>
      %min3A_619 = arith.constant 1000 : i32
      %min3A_620 = vector.broadcast %min3A_619 : i32 to vector<16xi32>
      %min3A_621 = arith.minsi %add3A_618, %min3A_620 : vector<16xi32>
      %sub3A_622 = arith.constant 1 : i32
      %sub3A_623 = vector.broadcast %sub3A_622 : i32 to vector<16xi32>
      %sub3A_624 = arith.subi %min3A_621, %sub3A_623 : vector<16xi32>
      %gather3A_625 = tpu.vector_load_idx %arg15[%sub3A_624] : memref<1000xf32, #tpu.memory_space<vmem>>[vector<16xi32>], vector<16xf32>,
      %le3A_626 = arith.constant 1000 : i32
      %le3A_627 = vector.broadcast %le3A_626 : i32 to vector<16xi32>
      %le3A_628 = arith.cmpi sle, %add3A_618, %le3A_627 : vector<16xi32>
      %le3A_629 = arith.cmpf ole, %gather3A_625, %convert_element_type3A_147 : vector<16xf32>
      %and3A_630 = arith.andi %le3A_628, %le3A_629 : vector<16xi1>
      %select_n3A_631 = arith.select %and3A_630, %add3A_618, %select_n3A_567 : vector<16xi1>, vector<16xi32>
      %add3A_632 = arith.constant 4 : i32
      %add3A_633 = vector.broadcast %add3A_632 : i32 to vector<16xi32>
      %add3A_634 = arith.addi %select_n3A_583, %add3A_633 : vector<16xi32>
      %min3A_635 = arith.constant 1000 : i32
      %min3A_636 = vector.broadcast %min3A_635 : i32 to vector<16xi32>
      %min3A_637 = arith.minsi %add3A_634, %min3A_636 : vector<16xi32>
      %sub3A_638 = arith.constant 1 : i32
      %sub3A_639 = vector.broadcast %sub3A_638 : i32 to vector<16xi32>
      %sub3A_640 = arith.subi %min3A_637, %sub3A_639 : vector<16xi32>
      %gather3A_641 = tpu.vector_load_idx %arg15[%sub3A_640] : memref<1000xf32, #tpu.memory_space<vmem>>[vector<16xi32>], vector<16xf32>,
      %le3A_642 = arith.constant 1000 : i32
      %le3A_643 = vector.broadcast %le3A_642 : i32 to vector<16xi32>
      %le3A_644 = arith.cmpi sle, %add3A_634, %le3A_643 : vector<16xi32>
      %le3A_645 = arith.cmpf ole, %gather3A_641, %convert_element_type3A_148 : vector<16xf32>
      %and3A_646 = arith.andi %le3A_644, %le3A_645 : vector<16xi1>
      %select_n3A_647 = arith.select %and3A_646, %add3A_634, %select_n3A_583 : vector<16xi1>, vector<16xi32>
      %add3A_648 = arith.constant 4 : i32
      %add3A_649 = vector.broadcast %add3A_648 : i32 to vector<16xi32>
      %add3A_650 = arith.addi %select_n3A_599, %add3A_649 : vector<16xi32>
      %min3A_651 = arith.constant 1000 : i32
      %min3A_652 = vector.broadcast %min3A_651 : i32 to vector<16xi32>
      %min3A_653 = arith.minsi %add3A_650, %min3A_652 : vector<16xi32>
      %sub3A_654 = arith.constant 1 : i32
      %sub3A_655 = vector.broadcast %sub3A_654 : i32 to vector<16xi32>
      %sub3A_656 = arith.subi %min3A_653, %sub3A_655 : vector<16xi32>
      %gather3A_657 = tpu.vector_load_idx %arg15[%sub3A_656] : memref<1000xf32, #tpu.memory_space<vmem>>[vector<16xi32>], vector<16xf32>,
      %le3A_658 = arith.constant 1000 : i32
      %le3A_659 = vector.broadcast %le3A_658 : i32 to vector<16xi32>
      %le3A_660 = arith.cmpi sle, %add3A_650, %le3A_659 : vector<16xi32>
      %le3A_661 = arith.cmpf ole, %gather3A_657, %convert_element_type3A_149 : vector<16xf32>
      %and3A_662 = arith.andi %le3A_660, %le3A_661 : vector<16xi1>
      %select_n3A_663 = arith.select %and3A_662, %add3A_650, %select_n3A_599 : vector<16xi1>, vector<16xi32>
      %add3A_664 = arith.constant 2 : i32
      %add3A_665 = vector.broadcast %add3A_664 : i32 to vector<16xi32>
      %add3A_666 = arith.addi %select_n3A_615, %add3A_665 : vector<16xi32>
      %min3A_667 = arith.constant 1000 : i32
      %min3A_668 = vector.broadcast %min3A_667 : i32 to vector<16xi32>
      %min3A_669 = arith.minsi %add3A_666, %min3A_668 : vector<16xi32>
      %sub3A_670 = arith.constant 1 : i32
      %sub3A_671 = vector.broadcast %sub3A_670 : i32 to vector<16xi32>
      %sub3A_672 = arith.subi %min3A_669, %sub3A_671 : vector<16xi32>
      %gather3A_673 = tpu.vector_load_idx %arg15[%sub3A_672] : memref<1000xf32, #tpu.memory_space<vmem>>[vector<16xi32>], vector<16xf32>,
      %le3A_674 = arith.constant 1000 : i32
      %le3A_675 = vector.broadcast %le3A_674 : i32 to vector<16xi32>
      %le3A_676 = arith.cmpi sle, %add3A_666, %le3A_675 : vector<16xi32>
      %le3A_677 = arith.cmpf ole, %gather3A_673, %convert_element_type3A_146 : vector<16xf32>
      %and3A_678 = arith.andi %le3A_676, %le3A_677 : vector<16xi1>
      %select_n3A_679 = arith.select %and3A_678, %add3A_666, %select_n3A_615 : vector<16xi1>, vector<16xi32>
      %add3A_680 = arith.constant 2 : i32
      %add3A_681 = vector.broadcast %add3A_680 : i32 to vector<16xi32>
      %add3A_682 = arith.addi %select_n3A_631, %add3A_681 : vector<16xi32>
      %min3A_683 = arith.constant 1000 : i32
      %min3A_684 = vector.broadcast %min3A_683 : i32 to vector<16xi32>
      %min3A_685 = arith.minsi %add3A_682, %min3A_684 : vector<16xi32>
      %sub3A_686 = arith.constant 1 : i32
      %sub3A_687 = vector.broadcast %sub3A_686 : i32 to vector<16xi32>
      %sub3A_688 = arith.subi %min3A_685, %sub3A_687 : vector<16xi32>
      %gather3A_689 = tpu.vector_load_idx %arg15[%sub3A_688] : memref<1000xf32, #tpu.memory_space<vmem>>[vector<16xi32>], vector<16xf32>,
      %le3A_690 = arith.constant 1000 : i32
      %le3A_691 = vector.broadcast %le3A_690 : i32 to vector<16xi32>
      %le3A_692 = arith.cmpi sle, %add3A_682, %le3A_691 : vector<16xi32>
      %le3A_693 = arith.cmpf ole, %gather3A_689, %convert_element_type3A_147 : vector<16xf32>
      %and3A_694 = arith.andi %le3A_692, %le3A_693 : vector<16xi1>
      %select_n3A_695 = arith.select %and3A_694, %add3A_682, %select_n3A_631 : vector<16xi1>, vector<16xi32>
      %add3A_696 = arith.constant 2 : i32
      %add3A_697 = vector.broadcast %add3A_696 : i32 to vector<16xi32>
      %add3A_698 = arith.addi %select_n3A_647, %add3A_697 : vector<16xi32>
      %min3A_699 = arith.constant 1000 : i32
      %min3A_700 = vector.broadcast %min3A_699 : i32 to vector<16xi32>
      %min3A_701 = arith.minsi %add3A_698, %min3A_700 : vector<16xi32>
      %sub3A_702 = arith.constant 1 : i32
      %sub3A_703 = vector.broadcast %sub3A_702 : i32 to vector<16xi32>
      %sub3A_704 = arith.subi %min3A_701, %sub3A_703 : vector<16xi32>
      %gather3A_705 = tpu.vector_load_idx %arg15[%sub3A_704] : memref<1000xf32, #tpu.memory_space<vmem>>[vector<16xi32>], vector<16xf32>,
      %le3A_706 = arith.constant 1000 : i32
      %le3A_707 = vector.broadcast %le3A_706 : i32 to vector<16xi32>
      %le3A_708 = arith.cmpi sle, %add3A_698, %le3A_707 : vector<16xi32>
      %le3A_709 = arith.cmpf ole, %gather3A_705, %convert_element_type3A_148 : vector<16xf32>
      %and3A_710 = arith.andi %le3A_708, %le3A_709 : vector<16xi1>
      %select_n3A_711 = arith.select %and3A_710, %add3A_698, %select_n3A_647 : vector<16xi1>, vector<16xi32>
      %add3A_712 = arith.constant 2 : i32
      %add3A_713 = vector.broadcast %add3A_712 : i32 to vector<16xi32>
      %add3A_714 = arith.addi %select_n3A_663, %add3A_713 : vector<16xi32>
      %min3A_715 = arith.constant 1000 : i32
      %min3A_716 = vector.broadcast %min3A_715 : i32 to vector<16xi32>
      %min3A_717 = arith.minsi %add3A_714, %min3A_716 : vector<16xi32>
      %sub3A_718 = arith.constant 1 : i32
      %sub3A_719 = vector.broadcast %sub3A_718 : i32 to vector<16xi32>
      %sub3A_720 = arith.subi %min3A_717, %sub3A_719 : vector<16xi32>
      %gather3A_721 = tpu.vector_load_idx %arg15[%sub3A_720] : memref<1000xf32, #tpu.memory_space<vmem>>[vector<16xi32>], vector<16xf32>,
      %le3A_722 = arith.constant 1000 : i32
      %le3A_723 = vector.broadcast %le3A_722 : i32 to vector<16xi32>
      %le3A_724 = arith.cmpi sle, %add3A_714, %le3A_723 : vector<16xi32>
      %le3A_725 = arith.cmpf ole, %gather3A_721, %convert_element_type3A_149 : vector<16xf32>
      %and3A_726 = arith.andi %le3A_724, %le3A_725 : vector<16xi1>
      %select_n3A_727 = arith.select %and3A_726, %add3A_714, %select_n3A_663 : vector<16xi1>, vector<16xi32>
      %add3A_728 = arith.constant 1 : i32
      %add3A_729 = vector.broadcast %add3A_728 : i32 to vector<16xi32>
      %add3A_730 = arith.addi %select_n3A_679, %add3A_729 : vector<16xi32>
      %min3A_731 = arith.constant 1000 : i32
      %min3A_732 = vector.broadcast %min3A_731 : i32 to vector<16xi32>
      %min3A_733 = arith.minsi %add3A_730, %min3A_732 : vector<16xi32>
      %sub3A_734 = arith.constant 1 : i32
      %sub3A_735 = vector.broadcast %sub3A_734 : i32 to vector<16xi32>
      %sub3A_736 = arith.subi %min3A_733, %sub3A_735 : vector<16xi32>
      %gather3A_737 = tpu.vector_load_idx %arg15[%sub3A_736] : memref<1000xf32, #tpu.memory_space<vmem>>[vector<16xi32>], vector<16xf32>,
      %le3A_738 = arith.constant 1000 : i32
      %le3A_739 = vector.broadcast %le3A_738 : i32 to vector<16xi32>
      %le3A_740 = arith.cmpi sle, %add3A_730, %le3A_739 : vector<16xi32>
      %le3A_741 = arith.cmpf ole, %gather3A_737, %convert_element_type3A_146 : vector<16xf32>
      %and3A_742 = arith.andi %le3A_740, %le3A_741 : vector<16xi1>
      %select_n3A_743 = arith.select %and3A_742, %add3A_730, %select_n3A_679 : vector<16xi1>, vector<16xi32>
      %add3A_744 = arith.constant 1 : i32
      %add3A_745 = vector.broadcast %add3A_744 : i32 to vector<16xi32>
      %add3A_746 = arith.addi %select_n3A_695, %add3A_745 : vector<16xi32>
      %min3A_747 = arith.constant 1000 : i32
      %min3A_748 = vector.broadcast %min3A_747 : i32 to vector<16xi32>
      %min3A_749 = arith.minsi %add3A_746, %min3A_748 : vector<16xi32>
      %sub3A_750 = arith.constant 1 : i32
      %sub3A_751 = vector.broadcast %sub3A_750 : i32 to vector<16xi32>
      %sub3A_752 = arith.subi %min3A_749, %sub3A_751 : vector<16xi32>
      %gather3A_753 = tpu.vector_load_idx %arg15[%sub3A_752] : memref<1000xf32, #tpu.memory_space<vmem>>[vector<16xi32>], vector<16xf32>,
      %le3A_754 = arith.constant 1000 : i32
      %le3A_755 = vector.broadcast %le3A_754 : i32 to vector<16xi32>
      %le3A_756 = arith.cmpi sle, %add3A_746, %le3A_755 : vector<16xi32>
      %le3A_757 = arith.cmpf ole, %gather3A_753, %convert_element_type3A_147 : vector<16xf32>
      %and3A_758 = arith.andi %le3A_756, %le3A_757 : vector<16xi1>
      %select_n3A_759 = arith.select %and3A_758, %add3A_746, %select_n3A_695 : vector<16xi1>, vector<16xi32>
      %add3A_760 = arith.constant 1 : i32
      %add3A_761 = vector.broadcast %add3A_760 : i32 to vector<16xi32>
      %add3A_762 = arith.addi %select_n3A_711, %add3A_761 : vector<16xi32>
      %min3A_763 = arith.constant 1000 : i32
      %min3A_764 = vector.broadcast %min3A_763 : i32 to vector<16xi32>
      %min3A_765 = arith.minsi %add3A_762, %min3A_764 : vector<16xi32>
      %sub3A_766 = arith.constant 1 : i32
      %sub3A_767 = vector.broadcast %sub3A_766 : i32 to vector<16xi32>
      %sub3A_768 = arith.subi %min3A_765, %sub3A_767 : vector<16xi32>
      %gather3A_769 = tpu.vector_load_idx %arg15[%sub3A_768] : memref<1000xf32, #tpu.memory_space<vmem>>[vector<16xi32>], vector<16xf32>,
      %le3A_770 = arith.constant 1000 : i32
      %le3A_771 = vector.broadcast %le3A_770 : i32 to vector<16xi32>
      %le3A_772 = arith.cmpi sle, %add3A_762, %le3A_771 : vector<16xi32>
      %le3A_773 = arith.cmpf ole, %gather3A_769, %convert_element_type3A_148 : vector<16xf32>
      %and3A_774 = arith.andi %le3A_772, %le3A_773 : vector<16xi1>
      %select_n3A_775 = arith.select %and3A_774, %add3A_762, %select_n3A_711 : vector<16xi1>, vector<16xi32>
      %add3A_776 = arith.constant 1 : i32
      %add3A_777 = vector.broadcast %add3A_776 : i32 to vector<16xi32>
      %add3A_778 = arith.addi %select_n3A_727, %add3A_777 : vector<16xi32>
      %min3A_779 = arith.constant 1000 : i32
      %min3A_780 = vector.broadcast %min3A_779 : i32 to vector<16xi32>
      %min3A_781 = arith.minsi %add3A_778, %min3A_780 : vector<16xi32>
      %sub3A_782 = arith.constant 1 : i32
      %sub3A_783 = vector.broadcast %sub3A_782 : i32 to vector<16xi32>
      %sub3A_784 = arith.subi %min3A_781, %sub3A_783 : vector<16xi32>
      %gather3A_785 = tpu.vector_load_idx %arg15[%sub3A_784] : memref<1000xf32, #tpu.memory_space<vmem>>[vector<16xi32>], vector<16xf32>,
      %le3A_786 = arith.constant 1000 : i32
      %le3A_787 = vector.broadcast %le3A_786 : i32 to vector<16xi32>
      %le3A_788 = arith.cmpi sle, %add3A_778, %le3A_787 : vector<16xi32>
      %le3A_789 = arith.cmpf ole, %gather3A_785, %convert_element_type3A_149 : vector<16xf32>
      %and3A_790 = arith.andi %le3A_788, %le3A_789 : vector<16xi1>
      %select_n3A_791 = arith.select %and3A_790, %add3A_778, %select_n3A_727 : vector<16xi1>, vector<16xi32>
      %swap3A = arith.index_cast %add3A_116 : i32 to index
      %swap3A_792 = tpu.vector_load %arg11[%swap3A] {strides = array<i32>} : memref<16384xi32, #tpu.memory_space<vmem>>, vector<16xi32>,
      tpu.vector_store %arg11[%swap3A], %select_n3A_743 {strides = array<i32>} : memref<16384xi32, #tpu.memory_space<vmem>>, vector<16xi32>,
      %sub3A_793 = arith.subf %convert_element_type3A_146, %get3A_8 : vector<16xf32>
      %mul3A_794 = arith.mulf %sub3A_793, %get3A_10 : vector<16xf32>
      %sub3A_795 = arith.subi %add3A_116, %mul3A_13 : i32
      %swap3A_796 = arith.constant 0 : i32
      %swap3A_797 = arith.index_cast %swap3A_796 : i32 to index
      %swap3A_798 = arith.index_cast %sub3A_795 : i32 to index
      %swap3A_799 = tpu.vector_load %arg12[%swap3A_797, %swap3A_798] {strides = array<i32>} : memref<1x8192xf32, #tpu.memory_space<vmem>>, vector<16xf32>,
      tpu.vector_store %arg12[%swap3A_797, %swap3A_798], %mul3A_794 {strides = array<i32>} : memref<1x8192xf32, #tpu.memory_space<vmem>>, vector<16xf32>,
      %swap3A_800 = arith.index_cast %add3A_123 : i32 to index
      %swap3A_801 = tpu.vector_load %arg11[%swap3A_800] {strides = array<i32>} : memref<16384xi32, #tpu.memory_space<vmem>>, vector<16xi32>,
      tpu.vector_store %arg11[%swap3A_800], %select_n3A_759 {strides = array<i32>} : memref<16384xi32, #tpu.memory_space<vmem>>, vector<16xi32>,
      %sub3A_802 = arith.subf %convert_element_type3A_147, %get3A_8 : vector<16xf32>
      %mul3A_803 = arith.mulf %sub3A_802, %get3A_10 : vector<16xf32>
      %sub3A_804 = arith.subi %add3A_123, %mul3A_13 : i32
      %swap3A_805 = arith.constant 0 : i32
      %swap3A_806 = arith.index_cast %swap3A_805 : i32 to index
      %swap3A_807 = arith.index_cast %sub3A_804 : i32 to index
      %swap3A_808 = tpu.vector_load %arg12[%swap3A_806, %swap3A_807] {strides = array<i32>} : memref<1x8192xf32, #tpu.memory_space<vmem>>, vector<16xf32>,
      tpu.vector_store %arg12[%swap3A_806, %swap3A_807], %mul3A_803 {strides = array<i32>} : memref<1x8192xf32, #tpu.memory_space<vmem>>, vector<16xf32>,
      %swap3A_809 = arith.index_cast %add3A_130 : i32 to index
      %swap3A_810 = tpu.vector_load %arg11[%swap3A_809] {strides = array<i32>} : memref<16384xi32, #tpu.memory_space<vmem>>, vector<16xi32>,
      tpu.vector_store %arg11[%swap3A_809], %select_n3A_775 {strides = array<i32>} : memref<16384xi32, #tpu.memory_space<vmem>>, vector<16xi32>,
      %sub3A_811 = arith.subf %convert_element_type3A_148, %get3A_8 : vector<16xf32>
      %mul3A_812 = arith.mulf %sub3A_811, %get3A_10 : vector<16xf32>
      %sub3A_813 = arith.subi %add3A_130, %mul3A_13 : i32
      %swap3A_814 = arith.constant 0 : i32
      %swap3A_815 = arith.index_cast %swap3A_814 : i32 to index
      %swap3A_816 = arith.index_cast %sub3A_813 : i32 to index
      %swap3A_817 = tpu.vector_load %arg12[%swap3A_815, %swap3A_816] {strides = array<i32>} : memref<1x8192xf32, #tpu.memory_space<vmem>>, vector<16xf32>,
      tpu.vector_store %arg12[%swap3A_815, %swap3A_816], %mul3A_812 {strides = array<i32>} : memref<1x8192xf32, #tpu.memory_space<vmem>>, vector<16xf32>,
      %swap3A_818 = arith.index_cast %add3A_137 : i32 to index
      %swap3A_819 = tpu.vector_load %arg11[%swap3A_818] {strides = array<i32>} : memref<16384xi32, #tpu.memory_space<vmem>>, vector<16xi32>,
      tpu.vector_store %arg11[%swap3A_818], %select_n3A_791 {strides = array<i32>} : memref<16384xi32, #tpu.memory_space<vmem>>, vector<16xi32>,
      %sub3A_820 = arith.subf %convert_element_type3A_149, %get3A_8 : vector<16xf32>
      %mul3A_821 = arith.mulf %sub3A_820, %get3A_10 : vector<16xf32>
      %sub3A_822 = arith.subi %add3A_137, %mul3A_13 : i32
      %swap3A_823 = arith.constant 0 : i32
      %swap3A_824 = arith.index_cast %swap3A_823 : i32 to index
      %swap3A_825 = arith.index_cast %sub3A_822 : i32 to index
      %swap3A_826 = tpu.vector_load %arg12[%swap3A_824, %swap3A_825] {strides = array<i32>} : memref<1x8192xf32, #tpu.memory_space<vmem>>, vector<16xf32>,
      tpu.vector_store %arg12[%swap3A_824, %swap3A_825], %mul3A_821 {strides = array<i32>} : memref<1x8192xf32, #tpu.memory_space<vmem>>, vector<16xf32>,
    }
    %scan3A_17 = arith.constant 16 : i32
    "tpu.region"() ({
      %run_scoped3A = tpu.sem_alloc : memref<!tpu.dma_semaphore, #tpu.memory_space<semaphore_mem>>
      %dma_start3A_109 = tpu.memref_slice %arg11[%mul3A_13] : memref<16384xi32, #tpu.memory_space<vmem>> -> memref<1024xi32, #tpu.memory_space<vmem>>
      %dma_start3A_110 = tpu.memref_slice %arg17[%mul3A_13] : memref<16384xi32, #tpu.memory_space<vmem_shared>> -> memref<1024xi32, #tpu.memory_space<vmem_shared>>
      %dma_start3A_111 = tpu.memref_slice %arg17[%mul3A_13] : memref<16384xi32, #tpu.memory_space<vmem_shared>> -> memref<1024xi32, #tpu.memory_space<vmem_shared>>
      %dma_start3A_112 = tpu.memref_slice %arg11[%mul3A_13] : memref<16384xi32, #tpu.memory_space<vmem>> -> memref<1024xi32, #tpu.memory_space<vmem>>
      tpu.enqueue_dma source(%dma_start3A_112 : memref<1024xi32, #tpu.memory_space<vmem>>) target(%dma_start3A_111 : memref<1024xi32, #tpu.memory_space<vmem_shared>>) target_semaphore(%run_scoped3A : memref<!tpu.dma_semaphore, #tpu.memory_space<semaphore_mem>>)
      %dma_wait3A_113 = tpu.memref_slice %arg11[%mul3A_13] : memref<16384xi32, #tpu.memory_space<vmem>> -> memref<1024xi32, #tpu.memory_space<vmem>>
      %dma_wait3A_114 = tpu.memref_slice %arg17[%mul3A_13] : memref<16384xi32, #tpu.memory_space<vmem_shared>> -> memref<1024xi32, #tpu.memory_space<vmem_shared>>
      %dma_wait3A_115 = tpu.memref_slice %arg17[%mul3A_13] : memref<16384xi32, #tpu.memory_space<vmem_shared>> -> memref<1024xi32, #tpu.memory_space<vmem_shared>>
      %dma_wait3A_116 = tpu.memref_slice %arg11[%mul3A_13] : memref<16384xi32, #tpu.memory_space<vmem>> -> memref<1024xi32, #tpu.memory_space<vmem>>
      tpu.wait_dma2 semaphore(%run_scoped3A : memref<!tpu.dma_semaphore, #tpu.memory_space<semaphore_mem>>) src(%dma_wait3A_116 : memref<1024xi32, #tpu.memory_space<vmem>>) dst(%dma_wait3A_115 : memref<1024xi32, #tpu.memory_space<vmem_shared>>)
      tpu.yield
    }) : () -> ()
    %eq3A = arith.constant 0 : i32
    %eq3A_18 = arith.cmpi eq, %arg0, %eq3A : i32
    %convert_element_type3A = arith.extui %eq3A_18 : i1 to i32
    %cond3A = arith.constant 0 : i32
    %cond3A_19 = arith.cmpi ne, %convert_element_type3A, %cond3A : i32
    scf.if %cond3A_19 {
      "tpu.region"() ({
        %run_scoped3A = tpu.sem_alloc : memref<!tpu.dma_semaphore, #tpu.memory_space<semaphore_mem>>
        %dma_start3A_109 = arith.constant 0 : i32
        %dma_start3A_110 = arith.constant 0 : i32
        %dma_start3A_111 = tpu.memref_slice %arg12[%dma_start3A_109, %dma_start3A_110] : memref<1x8192xf32, #tpu.memory_space<vmem>> -> memref<1x1024xf32, #tpu.memory_space<vmem>>
        %dma_start3A_112 = arith.constant 96 : i32
        %dma_start3A_113 = tpu.memref_slice %arg10[%dma_start3A_112, %mul3A_13] : memref<97x16384xf32, #tpu.memory_space<hbm>> -> memref<1x1024xf32, #tpu.memory_space<hbm>>
        %dma_start3A_114 = arith.constant 96 : i32
        %dma_start3A_115 = tpu.memref_slice %arg10[%dma_start3A_114, %mul3A_13] : memref<97x16384xf32, #tpu.memory_space<hbm>> -> memref<1x1024xf32, #tpu.memory_space<hbm>>
        %dma_start3A_116 = arith.constant 0 : i32
        %dma_start3A_117 = arith.constant 0 : i32
        %dma_start3A_118 = tpu.memref_slice %arg12[%dma_start3A_116, %dma_start3A_117] : memref<1x8192xf32, #tpu.memory_space<vmem>> -> memref<1x1024xf32, #tpu.memory_space<vmem>>
        tpu.enqueue_dma source(%dma_start3A_118 : memref<1x1024xf32, #tpu.memory_space<vmem>>) target(%dma_start3A_115 : memref<1x1024xf32, #tpu.memory_space<hbm>>) target_semaphore(%run_scoped3A : memref<!tpu.dma_semaphore, #tpu.memory_space<semaphore_mem>>)
        %dma_wait3A_119 = arith.constant 0 : i32
        %dma_wait3A_120 = arith.constant 0 : i32
        %dma_wait3A_121 = tpu.memref_slice %arg12[%dma_wait3A_119, %dma_wait3A_120] : memref<1x8192xf32, #tpu.memory_space<vmem>> -> memref<1x1024xf32, #tpu.memory_space<vmem>>
        %dma_wait3A_122 = arith.constant 96 : i32
        %dma_wait3A_123 = tpu.memref_slice %arg10[%dma_wait3A_122, %mul3A_13] : memref<97x16384xf32, #tpu.memory_space<hbm>> -> memref<1x1024xf32, #tpu.memory_space<hbm>>
        %dma_wait3A_124 = arith.constant 96 : i32
        %dma_wait3A_125 = tpu.memref_slice %arg10[%dma_wait3A_124, %mul3A_13] : memref<97x16384xf32, #tpu.memory_space<hbm>> -> memref<1x1024xf32, #tpu.memory_space<hbm>>
        %dma_wait3A_126 = arith.constant 0 : i32
        %dma_wait3A_127 = arith.constant 0 : i32
        %dma_wait3A_128 = tpu.memref_slice %arg12[%dma_wait3A_126, %dma_wait3A_127] : memref<1x8192xf32, #tpu.memory_space<vmem>> -> memref<1x1024xf32, #tpu.memory_space<vmem>>
        tpu.wait_dma2 semaphore(%run_scoped3A : memref<!tpu.dma_semaphore, #tpu.memory_space<semaphore_mem>>) src(%dma_wait3A_128 : memref<1x1024xf32, #tpu.memory_space<vmem>>) dst(%dma_wait3A_125 : memref<1x1024xf32, #tpu.memory_space<hbm>>)
        tpu.yield
      }) : () -> ()
    } else {
    }
    %barrier3A = arith.constant 0 : index
    tpu.barrier barrier_id(%barrier3A)
    "tpu.region"() ({
      %run_scoped3A = tpu.sem_alloc : memref<!tpu.dma_semaphore, #tpu.memory_space<semaphore_mem>>
      tpu.enqueue_dma source(%arg2 : memref<16384xi32, #tpu.memory_space<hbm>>) target(%arg11 : memref<16384xi32, #tpu.memory_space<vmem>>) target_semaphore(%run_scoped3A : memref<!tpu.dma_semaphore, #tpu.memory_space<semaphore_mem>>)
      tpu.wait_dma2 semaphore(%run_scoped3A : memref<!tpu.dma_semaphore, #tpu.memory_space<semaphore_mem>>) src(%arg2 : memref<16384xi32, #tpu.memory_space<hbm>>) dst(%arg11 : memref<16384xi32, #tpu.memory_space<vmem>>)
      tpu.yield
    }) : () -> ()
    %dma_wait3A = arith.constant 0 : i32
    %dma_wait3A_20 = tpu.memref_slice %arg5[%add3A, %dma_wait3A] : memref<32x100001xf32, #tpu.memory_space<hbm>> -> memref<1x100001xf32, #tpu.memory_space<hbm>>
    %dma_wait3A_21 = arith.constant 0 : i32
    %dma_wait3A_22 = tpu.memref_slice %arg5[%add3A, %dma_wait3A_21] : memref<32x100001xf32, #tpu.memory_space<hbm>> -> memref<1x100001xf32, #tpu.memory_space<hbm>>
    tpu.wait_dma2 semaphore(%arg19 : memref<!tpu.dma_semaphore, #tpu.memory_space<semaphore_mem>>) src(%dma_wait3A_22 : memref<1x100001xf32, #tpu.memory_space<hbm>>) dst(%arg13 : memref<1x100001xf32, #tpu.memory_space<vmem>>)
    %scan3A_23 = arith.constant 0 : i32
    %scan3A_24 = arith.constant 64 : i32
    %scan3A_25 = arith.addi %scan3A_23, %scan3A_24 : i32
    %scan3A_26 = arith.constant 1 : i32
    scf.for %scan3A_109 = %scan3A_23 to %scan3A_25 step %scan3A_26  : i32 {
      %mul3A_110 = arith.constant 8 : i32
      %mul3A_111 = arith.muli %scan3A_109, %mul3A_110 : i32
      %mul3A_112 = arith.constant 16 : i32
      %mul3A_113 = arith.muli %mul3A_111, %mul3A_112 : i32
      %add3A_114 = arith.constant 0 : i32
      %add3A_115 = arith.addi %mul3A_113, %add3A_114 : i32
      %add3A_116 = arith.constant 0 : i32
      %add3A_117 = arith.addi %add3A_116, %add3A_115 : i32
      %get3A_118 = arith.index_cast %add3A_117 : i32 to index
      %get3A_119 = tpu.vector_load %arg11[%get3A_118] {strides = array<i32>} : memref<16384xi32, #tpu.memory_space<vmem>>, vector<16xi32>,
      %add3A_120 = arith.constant 1 : i32
      %add3A_121 = vector.broadcast %add3A_120 : i32 to vector<16xi32>
      %add3A_122 = arith.addi %get3A_119, %add3A_121 : vector<16xi32>
      %gather3A = tpu.vector_load_idx %arg13[%broadcast_in_dim3A_11, %add3A_122] : memref<1x100001xf32, #tpu.memory_space<vmem>>[vector<16xi32>, vector<16xi32>], vector<16xf32>,
      %swap3A = arith.constant 0 : i32
      %swap3A_123 = arith.index_cast %swap3A : i32 to index
      %swap3A_124 = arith.index_cast %add3A_115 : i32 to index
      %swap3A_125 = tpu.vector_load %arg12[%swap3A_123, %swap3A_124] {strides = array<i32>} : memref<1x8192xf32, #tpu.memory_space<vmem>>, vector<16xf32>,
      tpu.vector_store %arg12[%swap3A_123, %swap3A_124], %gather3A {strides = array<i32>} : memref<1x8192xf32, #tpu.memory_space<vmem>>, vector<16xf32>,
      %mul3A_126 = arith.constant 8 : i32
      %mul3A_127 = arith.muli %scan3A_109, %mul3A_126 : i32
      %mul3A_128 = arith.constant 16 : i32
      %mul3A_129 = arith.muli %mul3A_127, %mul3A_128 : i32
      %add3A_130 = arith.constant 16 : i32
      %add3A_131 = arith.addi %mul3A_129, %add3A_130 : i32
      %add3A_132 = arith.constant 0 : i32
      %add3A_133 = arith.addi %add3A_132, %add3A_131 : i32
      %get3A_134 = arith.index_cast %add3A_133 : i32 to index
      %get3A_135 = tpu.vector_load %arg11[%get3A_134] {strides = array<i32>} : memref<16384xi32, #tpu.memory_space<vmem>>, vector<16xi32>,
      %add3A_136 = arith.constant 1 : i32
      %add3A_137 = vector.broadcast %add3A_136 : i32 to vector<16xi32>
      %add3A_138 = arith.addi %get3A_135, %add3A_137 : vector<16xi32>
      %gather3A_139 = tpu.vector_load_idx %arg13[%broadcast_in_dim3A_11, %add3A_138] : memref<1x100001xf32, #tpu.memory_space<vmem>>[vector<16xi32>, vector<16xi32>], vector<16xf32>,
      %swap3A_140 = arith.constant 0 : i32
      %swap3A_141 = arith.index_cast %swap3A_140 : i32 to index
      %swap3A_142 = arith.index_cast %add3A_131 : i32 to index
      %swap3A_143 = tpu.vector_load %arg12[%swap3A_141, %swap3A_142] {strides = array<i32>} : memref<1x8192xf32, #tpu.memory_space<vmem>>, vector<16xf32>,
      tpu.vector_store %arg12[%swap3A_141, %swap3A_142], %gather3A_139 {strides = array<i32>} : memref<1x8192xf32, #tpu.memory_space<vmem>>, vector<16xf32>,
      %mul3A_144 = arith.constant 8 : i32
      %mul3A_145 = arith.muli %scan3A_109, %mul3A_144 : i32
      %mul3A_146 = arith.constant 16 : i32
      %mul3A_147 = arith.muli %mul3A_145, %mul3A_146 : i32
      %add3A_148 = arith.constant 32 : i32
      %add3A_149 = arith.addi %mul3A_147, %add3A_148 : i32
      %add3A_150 = arith.constant 0 : i32
      %add3A_151 = arith.addi %add3A_150, %add3A_149 : i32
      %get3A_152 = arith.index_cast %add3A_151 : i32 to index
      %get3A_153 = tpu.vector_load %arg11[%get3A_152] {strides = array<i32>} : memref<16384xi32, #tpu.memory_space<vmem>>, vector<16xi32>,
      %add3A_154 = arith.constant 1 : i32
      %add3A_155 = vector.broadcast %add3A_154 : i32 to vector<16xi32>
      %add3A_156 = arith.addi %get3A_153, %add3A_155 : vector<16xi32>
      %gather3A_157 = tpu.vector_load_idx %arg13[%broadcast_in_dim3A_11, %add3A_156] : memref<1x100001xf32, #tpu.memory_space<vmem>>[vector<16xi32>, vector<16xi32>], vector<16xf32>,
      %swap3A_158 = arith.constant 0 : i32
      %swap3A_159 = arith.index_cast %swap3A_158 : i32 to index
      %swap3A_160 = arith.index_cast %add3A_149 : i32 to index
      %swap3A_161 = tpu.vector_load %arg12[%swap3A_159, %swap3A_160] {strides = array<i32>} : memref<1x8192xf32, #tpu.memory_space<vmem>>, vector<16xf32>,
      tpu.vector_store %arg12[%swap3A_159, %swap3A_160], %gather3A_157 {strides = array<i32>} : memref<1x8192xf32, #tpu.memory_space<vmem>>, vector<16xf32>,
      %mul3A_162 = arith.constant 8 : i32
      %mul3A_163 = arith.muli %scan3A_109, %mul3A_162 : i32
      %mul3A_164 = arith.constant 16 : i32
      %mul3A_165 = arith.muli %mul3A_163, %mul3A_164 : i32
      %add3A_166 = arith.constant 48 : i32
      %add3A_167 = arith.addi %mul3A_165, %add3A_166 : i32
      %add3A_168 = arith.constant 0 : i32
      %add3A_169 = arith.addi %add3A_168, %add3A_167 : i32
      %get3A_170 = arith.index_cast %add3A_169 : i32 to index
      %get3A_171 = tpu.vector_load %arg11[%get3A_170] {strides = array<i32>} : memref<16384xi32, #tpu.memory_space<vmem>>, vector<16xi32>,
      %add3A_172 = arith.constant 1 : i32
      %add3A_173 = vector.broadcast %add3A_172 : i32 to vector<16xi32>
      %add3A_174 = arith.addi %get3A_171, %add3A_173 : vector<16xi32>
      %gather3A_175 = tpu.vector_load_idx %arg13[%broadcast_in_dim3A_11, %add3A_174] : memref<1x100001xf32, #tpu.memory_space<vmem>>[vector<16xi32>, vector<16xi32>], vector<16xf32>,
      %swap3A_176 = arith.constant 0 : i32
      %swap3A_177 = arith.index_cast %swap3A_176 : i32 to index
      %swap3A_178 = arith.index_cast %add3A_167 : i32 to index
      %swap3A_179 = tpu.vector_load %arg12[%swap3A_177, %swap3A_178] {strides = array<i32>} : memref<1x8192xf32, #tpu.memory_space<vmem>>, vector<16xf32>,
      tpu.vector_store %arg12[%swap3A_177, %swap3A_178], %gather3A_175 {strides = array<i32>} : memref<1x8192xf32, #tpu.memory_space<vmem>>, vector<16xf32>,
      %mul3A_180 = arith.constant 8 : i32
      %mul3A_181 = arith.muli %scan3A_109, %mul3A_180 : i32
      %mul3A_182 = arith.constant 16 : i32
      %mul3A_183 = arith.muli %mul3A_181, %mul3A_182 : i32
      %add3A_184 = arith.constant 64 : i32
      %add3A_185 = arith.addi %mul3A_183, %add3A_184 : i32
      %add3A_186 = arith.constant 0 : i32
      %add3A_187 = arith.addi %add3A_186, %add3A_185 : i32
      %get3A_188 = arith.index_cast %add3A_187 : i32 to index
      %get3A_189 = tpu.vector_load %arg11[%get3A_188] {strides = array<i32>} : memref<16384xi32, #tpu.memory_space<vmem>>, vector<16xi32>,
      %add3A_190 = arith.constant 1 : i32
      %add3A_191 = vector.broadcast %add3A_190 : i32 to vector<16xi32>
      %add3A_192 = arith.addi %get3A_189, %add3A_191 : vector<16xi32>
      %gather3A_193 = tpu.vector_load_idx %arg13[%broadcast_in_dim3A_11, %add3A_192] : memref<1x100001xf32, #tpu.memory_space<vmem>>[vector<16xi32>, vector<16xi32>], vector<16xf32>,
      %swap3A_194 = arith.constant 0 : i32
      %swap3A_195 = arith.index_cast %swap3A_194 : i32 to index
      %swap3A_196 = arith.index_cast %add3A_185 : i32 to index
      %swap3A_197 = tpu.vector_load %arg12[%swap3A_195, %swap3A_196] {strides = array<i32>} : memref<1x8192xf32, #tpu.memory_space<vmem>>, vector<16xf32>,
      tpu.vector_store %arg12[%swap3A_195, %swap3A_196], %gather3A_193 {strides = array<i32>} : memref<1x8192xf32, #tpu.memory_space<vmem>>, vector<16xf32>,
      %mul3A_198 = arith.constant 8 : i32
      %mul3A_199 = arith.muli %scan3A_109, %mul3A_198 : i32
      %mul3A_200 = arith.constant 16 : i32
      %mul3A_201 = arith.muli %mul3A_199, %mul3A_200 : i32
      %add3A_202 = arith.constant 80 : i32
      %add3A_203 = arith.addi %mul3A_201, %add3A_202 : i32
      %add3A_204 = arith.constant 0 : i32
      %add3A_205 = arith.addi %add3A_204, %add3A_203 : i32
      %get3A_206 = arith.index_cast %add3A_205 : i32 to index
      %get3A_207 = tpu.vector_load %arg11[%get3A_206] {strides = array<i32>} : memref<16384xi32, #tpu.memory_space<vmem>>, vector<16xi32>,
      %add3A_208 = arith.constant 1 : i32
      %add3A_209 = vector.broadcast %add3A_208 : i32 to vector<16xi32>
      %add3A_210 = arith.addi %get3A_207, %add3A_209 : vector<16xi32>
      %gather3A_211 = tpu.vector_load_idx %arg13[%broadcast_in_dim3A_11, %add3A_210] : memref<1x100001xf32, #tpu.memory_space<vmem>>[vector<16xi32>, vector<16xi32>], vector<16xf32>,
      %swap3A_212 = arith.constant 0 : i32
      %swap3A_213 = arith.index_cast %swap3A_212 : i32 to index
      %swap3A_214 = arith.index_cast %add3A_203 : i32 to index
      %swap3A_215 = tpu.vector_load %arg12[%swap3A_213, %swap3A_214] {strides = array<i32>} : memref<1x8192xf32, #tpu.memory_space<vmem>>, vector<16xf32>,
      tpu.vector_store %arg12[%swap3A_213, %swap3A_214], %gather3A_211 {strides = array<i32>} : memref<1x8192xf32, #tpu.memory_space<vmem>>, vector<16xf32>,
      %mul3A_216 = arith.constant 8 : i32
      %mul3A_217 = arith.muli %scan3A_109, %mul3A_216 : i32
      %mul3A_218 = arith.constant 16 : i32
      %mul3A_219 = arith.muli %mul3A_217, %mul3A_218 : i32
      %add3A_220 = arith.constant 96 : i32
      %add3A_221 = arith.addi %mul3A_219, %add3A_220 : i32
      %add3A_222 = arith.constant 0 : i32
      %add3A_223 = arith.addi %add3A_222, %add3A_221 : i32
      %get3A_224 = arith.index_cast %add3A_223 : i32 to index
      %get3A_225 = tpu.vector_load %arg11[%get3A_224] {strides = array<i32>} : memref<16384xi32, #tpu.memory_space<vmem>>, vector<16xi32>,
      %add3A_226 = arith.constant 1 : i32
      %add3A_227 = vector.broadcast %add3A_226 : i32 to vector<16xi32>
      %add3A_228 = arith.addi %get3A_225, %add3A_227 : vector<16xi32>
      %gather3A_229 = tpu.vector_load_idx %arg13[%broadcast_in_dim3A_11, %add3A_228] : memref<1x100001xf32, #tpu.memory_space<vmem>>[vector<16xi32>, vector<16xi32>], vector<16xf32>,
      %swap3A_230 = arith.constant 0 : i32
      %swap3A_231 = arith.index_cast %swap3A_230 : i32 to index
      %swap3A_232 = arith.index_cast %add3A_221 : i32 to index
      %swap3A_233 = tpu.vector_load %arg12[%swap3A_231, %swap3A_232] {strides = array<i32>} : memref<1x8192xf32, #tpu.memory_space<vmem>>, vector<16xf32>,
      tpu.vector_store %arg12[%swap3A_231, %swap3A_232], %gather3A_229 {strides = array<i32>} : memref<1x8192xf32, #tpu.memory_space<vmem>>, vector<16xf32>,
      %mul3A_234 = arith.constant 8 : i32
      %mul3A_235 = arith.muli %scan3A_109, %mul3A_234 : i32
      %mul3A_236 = arith.constant 16 : i32
      %mul3A_237 = arith.muli %mul3A_235, %mul3A_236 : i32
      %add3A_238 = arith.constant 112 : i32
      %add3A_239 = arith.addi %mul3A_237, %add3A_238 : i32
      %add3A_240 = arith.constant 0 : i32
      %add3A_241 = arith.addi %add3A_240, %add3A_239 : i32
      %get3A_242 = arith.index_cast %add3A_241 : i32 to index
      %get3A_243 = tpu.vector_load %arg11[%get3A_242] {strides = array<i32>} : memref<16384xi32, #tpu.memory_space<vmem>>, vector<16xi32>,
      %add3A_244 = arith.constant 1 : i32
      %add3A_245 = vector.broadcast %add3A_244 : i32 to vector<16xi32>
      %add3A_246 = arith.addi %get3A_243, %add3A_245 : vector<16xi32>
      %gather3A_247 = tpu.vector_load_idx %arg13[%broadcast_in_dim3A_11, %add3A_246] : memref<1x100001xf32, #tpu.memory_space<vmem>>[vector<16xi32>, vector<16xi32>], vector<16xf32>,
      %swap3A_248 = arith.constant 0 : i32
      %swap3A_249 = arith.index_cast %swap3A_248 : i32 to index
      %swap3A_250 = arith.index_cast %add3A_239 : i32 to index
      %swap3A_251 = tpu.vector_load %arg12[%swap3A_249, %swap3A_250] {strides = array<i32>} : memref<1x8192xf32, #tpu.memory_space<vmem>>, vector<16xf32>,
      tpu.vector_store %arg12[%swap3A_249, %swap3A_250], %gather3A_247 {strides = array<i32>} : memref<1x8192xf32, #tpu.memory_space<vmem>>, vector<16xf32>,
    }
    %scan3A_27 = arith.constant 64 : i32
    %dma_start3A_28 = arith.constant 0 : i32
    %dma_start3A_29 = tpu.memref_slice %arg10[%add3A, %dma_start3A_28] : memref<97x16384xf32, #tpu.memory_space<hbm>> -> memref<1x8192xf32, #tpu.memory_space<hbm>>
    %dma_start3A_30 = arith.constant 0 : i32
    %dma_start3A_31 = tpu.memref_slice %arg10[%add3A, %dma_start3A_30] : memref<97x16384xf32, #tpu.memory_space<hbm>> -> memref<1x8192xf32, #tpu.memory_space<hbm>>
    tpu.enqueue_dma source(%arg12 : memref<1x8192xf32, #tpu.memory_space<vmem>>) target(%dma_start3A_31 : memref<1x8192xf32, #tpu.memory_space<hbm>>) target_semaphore(%arg18 : memref<!tpu.dma_semaphore, #tpu.memory_space<semaphore_mem>>)
    %dma_wait3A_32 = arith.constant 0 : i32
    %dma_wait3A_33 = tpu.memref_slice %arg10[%add3A, %dma_wait3A_32] : memref<97x16384xf32, #tpu.memory_space<hbm>> -> memref<1x8192xf32, #tpu.memory_space<hbm>>
    %dma_wait3A_34 = arith.constant 0 : i32
    %dma_wait3A_35 = tpu.memref_slice %arg10[%add3A, %dma_wait3A_34] : memref<97x16384xf32, #tpu.memory_space<hbm>> -> memref<1x8192xf32, #tpu.memory_space<hbm>>
    tpu.wait_dma2 semaphore(%arg18 : memref<!tpu.dma_semaphore, #tpu.memory_space<semaphore_mem>>) src(%arg12 : memref<1x8192xf32, #tpu.memory_space<vmem>>) dst(%dma_wait3A_35 : memref<1x8192xf32, #tpu.memory_space<hbm>>)
    %scan3A_36 = arith.constant 0 : i32
    %scan3A_37 = arith.constant 64 : i32
    %scan3A_38 = arith.addi %scan3A_36, %scan3A_37 : i32
    %scan3A_39 = arith.constant 1 : i32
    scf.for %scan3A_109 = %scan3A_36 to %scan3A_38 step %scan3A_39  : i32 {
      %mul3A_110 = arith.constant 8 : i32
      %mul3A_111 = arith.muli %scan3A_109, %mul3A_110 : i32
      %mul3A_112 = arith.constant 16 : i32
      %mul3A_113 = arith.muli %mul3A_111, %mul3A_112 : i32
      %add3A_114 = arith.constant 0 : i32
      %add3A_115 = arith.addi %mul3A_113, %add3A_114 : i32
      %add3A_116 = arith.constant 8192 : i32
      %add3A_117 = arith.addi %add3A_116, %add3A_115 : i32
      %get3A_118 = arith.index_cast %add3A_117 : i32 to index
      %get3A_119 = tpu.vector_load %arg11[%get3A_118] {strides = array<i32>} : memref<16384xi32, #tpu.memory_space<vmem>>, vector<16xi32>,
      %add3A_120 = arith.constant 1 : i32
      %add3A_121 = vector.broadcast %add3A_120 : i32 to vector<16xi32>
      %add3A_122 = arith.addi %get3A_119, %add3A_121 : vector<16xi32>
      %gather3A = tpu.vector_load_idx %arg13[%broadcast_in_dim3A_11, %add3A_122] : memref<1x100001xf32, #tpu.memory_space<vmem>>[vector<16xi32>, vector<16xi32>], vector<16xf32>,
      %swap3A = arith.constant 0 : i32
      %swap3A_123 = arith.index_cast %swap3A : i32 to index
      %swap3A_124 = arith.index_cast %add3A_115 : i32 to index
      %swap3A_125 = tpu.vector_load %arg12[%swap3A_123, %swap3A_124] {strides = array<i32>} : memref<1x8192xf32, #tpu.memory_space<vmem>>, vector<16xf32>,
      tpu.vector_store %arg12[%swap3A_123, %swap3A_124], %gather3A {strides = array<i32>} : memref<1x8192xf32, #tpu.memory_space<vmem>>, vector<16xf32>,
      %mul3A_126 = arith.constant 8 : i32
      %mul3A_127 = arith.muli %scan3A_109, %mul3A_126 : i32
      %mul3A_128 = arith.constant 16 : i32
      %mul3A_129 = arith.muli %mul3A_127, %mul3A_128 : i32
      %add3A_130 = arith.constant 16 : i32
      %add3A_131 = arith.addi %mul3A_129, %add3A_130 : i32
      %add3A_132 = arith.constant 8192 : i32
      %add3A_133 = arith.addi %add3A_132, %add3A_131 : i32
      %get3A_134 = arith.index_cast %add3A_133 : i32 to index
      %get3A_135 = tpu.vector_load %arg11[%get3A_134] {strides = array<i32>} : memref<16384xi32, #tpu.memory_space<vmem>>, vector<16xi32>,
      %add3A_136 = arith.constant 1 : i32
      %add3A_137 = vector.broadcast %add3A_136 : i32 to vector<16xi32>
      %add3A_138 = arith.addi %get3A_135, %add3A_137 : vector<16xi32>
      %gather3A_139 = tpu.vector_load_idx %arg13[%broadcast_in_dim3A_11, %add3A_138] : memref<1x100001xf32, #tpu.memory_space<vmem>>[vector<16xi32>, vector<16xi32>], vector<16xf32>,
      %swap3A_140 = arith.constant 0 : i32
      %swap3A_141 = arith.index_cast %swap3A_140 : i32 to index
      %swap3A_142 = arith.index_cast %add3A_131 : i32 to index
      %swap3A_143 = tpu.vector_load %arg12[%swap3A_141, %swap3A_142] {strides = array<i32>} : memref<1x8192xf32, #tpu.memory_space<vmem>>, vector<16xf32>,
      tpu.vector_store %arg12[%swap3A_141, %swap3A_142], %gather3A_139 {strides = array<i32>} : memref<1x8192xf32, #tpu.memory_space<vmem>>, vector<16xf32>,
      %mul3A_144 = arith.constant 8 : i32
      %mul3A_145 = arith.muli %scan3A_109, %mul3A_144 : i32
      %mul3A_146 = arith.constant 16 : i32
      %mul3A_147 = arith.muli %mul3A_145, %mul3A_146 : i32
      %add3A_148 = arith.constant 32 : i32
      %add3A_149 = arith.addi %mul3A_147, %add3A_148 : i32
      %add3A_150 = arith.constant 8192 : i32
      %add3A_151 = arith.addi %add3A_150, %add3A_149 : i32
      %get3A_152 = arith.index_cast %add3A_151 : i32 to index
      %get3A_153 = tpu.vector_load %arg11[%get3A_152] {strides = array<i32>} : memref<16384xi32, #tpu.memory_space<vmem>>, vector<16xi32>,
      %add3A_154 = arith.constant 1 : i32
      %add3A_155 = vector.broadcast %add3A_154 : i32 to vector<16xi32>
      %add3A_156 = arith.addi %get3A_153, %add3A_155 : vector<16xi32>
      %gather3A_157 = tpu.vector_load_idx %arg13[%broadcast_in_dim3A_11, %add3A_156] : memref<1x100001xf32, #tpu.memory_space<vmem>>[vector<16xi32>, vector<16xi32>], vector<16xf32>,
      %swap3A_158 = arith.constant 0 : i32
      %swap3A_159 = arith.index_cast %swap3A_158 : i32 to index
      %swap3A_160 = arith.index_cast %add3A_149 : i32 to index
      %swap3A_161 = tpu.vector_load %arg12[%swap3A_159, %swap3A_160] {strides = array<i32>} : memref<1x8192xf32, #tpu.memory_space<vmem>>, vector<16xf32>,
      tpu.vector_store %arg12[%swap3A_159, %swap3A_160], %gather3A_157 {strides = array<i32>} : memref<1x8192xf32, #tpu.memory_space<vmem>>, vector<16xf32>,
      %mul3A_162 = arith.constant 8 : i32
      %mul3A_163 = arith.muli %scan3A_109, %mul3A_162 : i32
      %mul3A_164 = arith.constant 16 : i32
      %mul3A_165 = arith.muli %mul3A_163, %mul3A_164 : i32
      %add3A_166 = arith.constant 48 : i32
      %add3A_167 = arith.addi %mul3A_165, %add3A_166 : i32
      %add3A_168 = arith.constant 8192 : i32
      %add3A_169 = arith.addi %add3A_168, %add3A_167 : i32
      %get3A_170 = arith.index_cast %add3A_169 : i32 to index
      %get3A_171 = tpu.vector_load %arg11[%get3A_170] {strides = array<i32>} : memref<16384xi32, #tpu.memory_space<vmem>>, vector<16xi32>,
      %add3A_172 = arith.constant 1 : i32
      %add3A_173 = vector.broadcast %add3A_172 : i32 to vector<16xi32>
      %add3A_174 = arith.addi %get3A_171, %add3A_173 : vector<16xi32>
      %gather3A_175 = tpu.vector_load_idx %arg13[%broadcast_in_dim3A_11, %add3A_174] : memref<1x100001xf32, #tpu.memory_space<vmem>>[vector<16xi32>, vector<16xi32>], vector<16xf32>,
      %swap3A_176 = arith.constant 0 : i32
      %swap3A_177 = arith.index_cast %swap3A_176 : i32 to index
      %swap3A_178 = arith.index_cast %add3A_167 : i32 to index
      %swap3A_179 = tpu.vector_load %arg12[%swap3A_177, %swap3A_178] {strides = array<i32>} : memref<1x8192xf32, #tpu.memory_space<vmem>>, vector<16xf32>,
      tpu.vector_store %arg12[%swap3A_177, %swap3A_178], %gather3A_175 {strides = array<i32>} : memref<1x8192xf32, #tpu.memory_space<vmem>>, vector<16xf32>,
      %mul3A_180 = arith.constant 8 : i32
      %mul3A_181 = arith.muli %scan3A_109, %mul3A_180 : i32
      %mul3A_182 = arith.constant 16 : i32
      %mul3A_183 = arith.muli %mul3A_181, %mul3A_182 : i32
      %add3A_184 = arith.constant 64 : i32
      %add3A_185 = arith.addi %mul3A_183, %add3A_184 : i32
      %add3A_186 = arith.constant 8192 : i32
      %add3A_187 = arith.addi %add3A_186, %add3A_185 : i32
      %get3A_188 = arith.index_cast %add3A_187 : i32 to index
      %get3A_189 = tpu.vector_load %arg11[%get3A_188] {strides = array<i32>} : memref<16384xi32, #tpu.memory_space<vmem>>, vector<16xi32>,
      %add3A_190 = arith.constant 1 : i32
      %add3A_191 = vector.broadcast %add3A_190 : i32 to vector<16xi32>
      %add3A_192 = arith.addi %get3A_189, %add3A_191 : vector<16xi32>
      %gather3A_193 = tpu.vector_load_idx %arg13[%broadcast_in_dim3A_11, %add3A_192] : memref<1x100001xf32, #tpu.memory_space<vmem>>[vector<16xi32>, vector<16xi32>], vector<16xf32>,
      %swap3A_194 = arith.constant 0 : i32
      %swap3A_195 = arith.index_cast %swap3A_194 : i32 to index
      %swap3A_196 = arith.index_cast %add3A_185 : i32 to index
      %swap3A_197 = tpu.vector_load %arg12[%swap3A_195, %swap3A_196] {strides = array<i32>} : memref<1x8192xf32, #tpu.memory_space<vmem>>, vector<16xf32>,
      tpu.vector_store %arg12[%swap3A_195, %swap3A_196], %gather3A_193 {strides = array<i32>} : memref<1x8192xf32, #tpu.memory_space<vmem>>, vector<16xf32>,
      %mul3A_198 = arith.constant 8 : i32
      %mul3A_199 = arith.muli %scan3A_109, %mul3A_198 : i32
      %mul3A_200 = arith.constant 16 : i32
      %mul3A_201 = arith.muli %mul3A_199, %mul3A_200 : i32
      %add3A_202 = arith.constant 80 : i32
      %add3A_203 = arith.addi %mul3A_201, %add3A_202 : i32
      %add3A_204 = arith.constant 8192 : i32
      %add3A_205 = arith.addi %add3A_204, %add3A_203 : i32
      %get3A_206 = arith.index_cast %add3A_205 : i32 to index
      %get3A_207 = tpu.vector_load %arg11[%get3A_206] {strides = array<i32>} : memref<16384xi32, #tpu.memory_space<vmem>>, vector<16xi32>,
      %add3A_208 = arith.constant 1 : i32
      %add3A_209 = vector.broadcast %add3A_208 : i32 to vector<16xi32>
      %add3A_210 = arith.addi %get3A_207, %add3A_209 : vector<16xi32>
      %gather3A_211 = tpu.vector_load_idx %arg13[%broadcast_in_dim3A_11, %add3A_210] : memref<1x100001xf32, #tpu.memory_space<vmem>>[vector<16xi32>, vector<16xi32>], vector<16xf32>,
      %swap3A_212 = arith.constant 0 : i32
      %swap3A_213 = arith.index_cast %swap3A_212 : i32 to index
      %swap3A_214 = arith.index_cast %add3A_203 : i32 to index
      %swap3A_215 = tpu.vector_load %arg12[%swap3A_213, %swap3A_214] {strides = array<i32>} : memref<1x8192xf32, #tpu.memory_space<vmem>>, vector<16xf32>,
      tpu.vector_store %arg12[%swap3A_213, %swap3A_214], %gather3A_211 {strides = array<i32>} : memref<1x8192xf32, #tpu.memory_space<vmem>>, vector<16xf32>,
      %mul3A_216 = arith.constant 8 : i32
      %mul3A_217 = arith.muli %scan3A_109, %mul3A_216 : i32
      %mul3A_218 = arith.constant 16 : i32
      %mul3A_219 = arith.muli %mul3A_217, %mul3A_218 : i32
      %add3A_220 = arith.constant 96 : i32
      %add3A_221 = arith.addi %mul3A_219, %add3A_220 : i32
      %add3A_222 = arith.constant 8192 : i32
      %add3A_223 = arith.addi %add3A_222, %add3A_221 : i32
      %get3A_224 = arith.index_cast %add3A_223 : i32 to index
      %get3A_225 = tpu.vector_load %arg11[%get3A_224] {strides = array<i32>} : memref<16384xi32, #tpu.memory_space<vmem>>, vector<16xi32>,
      %add3A_226 = arith.constant 1 : i32
      %add3A_227 = vector.broadcast %add3A_226 : i32 to vector<16xi32>
      %add3A_228 = arith.addi %get3A_225, %add3A_227 : vector<16xi32>
      %gather3A_229 = tpu.vector_load_idx %arg13[%broadcast_in_dim3A_11, %add3A_228] : memref<1x100001xf32, #tpu.memory_space<vmem>>[vector<16xi32>, vector<16xi32>], vector<16xf32>,
      %swap3A_230 = arith.constant 0 : i32
      %swap3A_231 = arith.index_cast %swap3A_230 : i32 to index
      %swap3A_232 = arith.index_cast %add3A_221 : i32 to index
      %swap3A_233 = tpu.vector_load %arg12[%swap3A_231, %swap3A_232] {strides = array<i32>} : memref<1x8192xf32, #tpu.memory_space<vmem>>, vector<16xf32>,
      tpu.vector_store %arg12[%swap3A_231, %swap3A_232], %gather3A_229 {strides = array<i32>} : memref<1x8192xf32, #tpu.memory_space<vmem>>, vector<16xf32>,
      %mul3A_234 = arith.constant 8 : i32
      %mul3A_235 = arith.muli %scan3A_109, %mul3A_234 : i32
      %mul3A_236 = arith.constant 16 : i32
      %mul3A_237 = arith.muli %mul3A_235, %mul3A_236 : i32
      %add3A_238 = arith.constant 112 : i32
      %add3A_239 = arith.addi %mul3A_237, %add3A_238 : i32
      %add3A_240 = arith.constant 8192 : i32
      %add3A_241 = arith.addi %add3A_240, %add3A_239 : i32
      %get3A_242 = arith.index_cast %add3A_241 : i32 to index
      %get3A_243 = tpu.vector_load %arg11[%get3A_242] {strides = array<i32>} : memref<16384xi32, #tpu.memory_space<vmem>>, vector<16xi32>,
      %add3A_244 = arith.constant 1 : i32
      %add3A_245 = vector.broadcast %add3A_244 : i32 to vector<16xi32>
      %add3A_246 = arith.addi %get3A_243, %add3A_245 : vector<16xi32>
      %gather3A_247 = tpu.vector_load_idx %arg13[%broadcast_in_dim3A_11, %add3A_246] : memref<1x100001xf32, #tpu.memory_space<vmem>>[vector<16xi32>, vector<16xi32>], vector<16xf32>,
      %swap3A_248 = arith.constant 0 : i32
      %swap3A_249 = arith.index_cast %swap3A_248 : i32 to index
      %swap3A_250 = arith.index_cast %add3A_239 : i32 to index
      %swap3A_251 = tpu.vector_load %arg12[%swap3A_249, %swap3A_250] {strides = array<i32>} : memref<1x8192xf32, #tpu.memory_space<vmem>>, vector<16xf32>,
      tpu.vector_store %arg12[%swap3A_249, %swap3A_250], %gather3A_247 {strides = array<i32>} : memref<1x8192xf32, #tpu.memory_space<vmem>>, vector<16xf32>,
    }
    %scan3A_40 = arith.constant 64 : i32
    %dma_start3A_41 = arith.constant 8192 : i32
    %dma_start3A_42 = tpu.memref_slice %arg10[%add3A, %dma_start3A_41] : memref<97x16384xf32, #tpu.memory_space<hbm>> -> memref<1x8192xf32, #tpu.memory_space<hbm>>
    %dma_start3A_43 = arith.constant 8192 : i32
    %dma_start3A_44 = tpu.memref_slice %arg10[%add3A, %dma_start3A_43] : memref<97x16384xf32, #tpu.memory_space<hbm>> -> memref<1x8192xf32, #tpu.memory_space<hbm>>
    tpu.enqueue_dma source(%arg12 : memref<1x8192xf32, #tpu.memory_space<vmem>>) target(%dma_start3A_44 : memref<1x8192xf32, #tpu.memory_space<hbm>>) target_semaphore(%arg18 : memref<!tpu.dma_semaphore, #tpu.memory_space<semaphore_mem>>)
    "tpu.region"() ({
      %run_scoped3A = tpu.sem_alloc : memref<!tpu.dma_semaphore, #tpu.memory_space<semaphore_mem>>
      tpu.enqueue_dma source(%arg3 : memref<16384xi32, #tpu.memory_space<hbm>>) target(%arg11 : memref<16384xi32, #tpu.memory_space<vmem>>) target_semaphore(%run_scoped3A : memref<!tpu.dma_semaphore, #tpu.memory_space<semaphore_mem>>)
      tpu.wait_dma2 semaphore(%run_scoped3A : memref<!tpu.dma_semaphore, #tpu.memory_space<semaphore_mem>>) src(%arg3 : memref<16384xi32, #tpu.memory_space<hbm>>) dst(%arg11 : memref<16384xi32, #tpu.memory_space<vmem>>)
      tpu.yield
    }) : () -> ()
    "tpu.region"() ({
      %run_scoped3A = tpu.sem_alloc : memref<!tpu.dma_semaphore, #tpu.memory_space<semaphore_mem>>
      %dma_start3A_109 = arith.constant 0 : i32
      %dma_start3A_110 = tpu.memref_slice %arg6[%add3A, %dma_start3A_109] : memref<32x100001xf32, #tpu.memory_space<hbm>> -> memref<1x100001xf32, #tpu.memory_space<hbm>>
      %dma_start3A_111 = arith.constant 0 : i32
      %dma_start3A_112 = tpu.memref_slice %arg6[%add3A, %dma_start3A_111] : memref<32x100001xf32, #tpu.memory_space<hbm>> -> memref<1x100001xf32, #tpu.memory_space<hbm>>
      tpu.enqueue_dma source(%dma_start3A_112 : memref<1x100001xf32, #tpu.memory_space<hbm>>) target(%arg13 : memref<1x100001xf32, #tpu.memory_space<vmem>>) target_semaphore(%run_scoped3A : memref<!tpu.dma_semaphore, #tpu.memory_space<semaphore_mem>>)
      %dma_wait3A_113 = arith.constant 0 : i32
      %dma_wait3A_114 = tpu.memref_slice %arg6[%add3A, %dma_wait3A_113] : memref<32x100001xf32, #tpu.memory_space<hbm>> -> memref<1x100001xf32, #tpu.memory_space<hbm>>
      %dma_wait3A_115 = arith.constant 0 : i32
      %dma_wait3A_116 = tpu.memref_slice %arg6[%add3A, %dma_wait3A_115] : memref<32x100001xf32, #tpu.memory_space<hbm>> -> memref<1x100001xf32, #tpu.memory_space<hbm>>
      tpu.wait_dma2 semaphore(%run_scoped3A : memref<!tpu.dma_semaphore, #tpu.memory_space<semaphore_mem>>) src(%dma_wait3A_116 : memref<1x100001xf32, #tpu.memory_space<hbm>>) dst(%arg13 : memref<1x100001xf32, #tpu.memory_space<vmem>>)
      tpu.yield
    }) : () -> ()
    %add3A_45 = arith.constant 32 : i32
    %add3A_46 = arith.addi %add3A_45, %add3A : i32
    %dma_wait3A_47 = arith.constant 8192 : i32
    %dma_wait3A_48 = tpu.memref_slice %arg10[%add3A, %dma_wait3A_47] : memref<97x16384xf32, #tpu.memory_space<hbm>> -> memref<1x8192xf32, #tpu.memory_space<hbm>>
    %dma_wait3A_49 = arith.constant 8192 : i32
    %dma_wait3A_50 = tpu.memref_slice %arg10[%add3A, %dma_wait3A_49] : memref<97x16384xf32, #tpu.memory_space<hbm>> -> memref<1x8192xf32, #tpu.memory_space<hbm>>
    tpu.wait_dma2 semaphore(%arg18 : memref<!tpu.dma_semaphore, #tpu.memory_space<semaphore_mem>>) src(%arg12 : memref<1x8192xf32, #tpu.memory_space<vmem>>) dst(%dma_wait3A_50 : memref<1x8192xf32, #tpu.memory_space<hbm>>)
    %scan3A_51 = arith.constant 0 : i32
    %scan3A_52 = arith.constant 64 : i32
    %scan3A_53 = arith.addi %scan3A_51, %scan3A_52 : i32
    %scan3A_54 = arith.constant 1 : i32
    scf.for %scan3A_109 = %scan3A_51 to %scan3A_53 step %scan3A_54  : i32 {
      %mul3A_110 = arith.constant 8 : i32
      %mul3A_111 = arith.muli %scan3A_109, %mul3A_110 : i32
      %mul3A_112 = arith.constant 16 : i32
      %mul3A_113 = arith.muli %mul3A_111, %mul3A_112 : i32
      %add3A_114 = arith.constant 0 : i32
      %add3A_115 = arith.addi %mul3A_113, %add3A_114 : i32
      %add3A_116 = arith.constant 0 : i32
      %add3A_117 = arith.addi %add3A_116, %add3A_115 : i32
      %get3A_118 = arith.index_cast %add3A_117 : i32 to index
      %get3A_119 = tpu.vector_load %arg11[%get3A_118] {strides = array<i32>} : memref<16384xi32, #tpu.memory_space<vmem>>, vector<16xi32>,
      %add3A_120 = arith.constant 1 : i32
      %add3A_121 = vector.broadcast %add3A_120 : i32 to vector<16xi32>
      %add3A_122 = arith.addi %get3A_119, %add3A_121 : vector<16xi32>
      %gather3A = tpu.vector_load_idx %arg13[%broadcast_in_dim3A_11, %add3A_122] : memref<1x100001xf32, #tpu.memory_space<vmem>>[vector<16xi32>, vector<16xi32>], vector<16xf32>,
      %swap3A = arith.constant 0 : i32
      %swap3A_123 = arith.index_cast %swap3A : i32 to index
      %swap3A_124 = arith.index_cast %add3A_115 : i32 to index
      %swap3A_125 = tpu.vector_load %arg12[%swap3A_123, %swap3A_124] {strides = array<i32>} : memref<1x8192xf32, #tpu.memory_space<vmem>>, vector<16xf32>,
      tpu.vector_store %arg12[%swap3A_123, %swap3A_124], %gather3A {strides = array<i32>} : memref<1x8192xf32, #tpu.memory_space<vmem>>, vector<16xf32>,
      %mul3A_126 = arith.constant 8 : i32
      %mul3A_127 = arith.muli %scan3A_109, %mul3A_126 : i32
      %mul3A_128 = arith.constant 16 : i32
      %mul3A_129 = arith.muli %mul3A_127, %mul3A_128 : i32
      %add3A_130 = arith.constant 16 : i32
      %add3A_131 = arith.addi %mul3A_129, %add3A_130 : i32
      %add3A_132 = arith.constant 0 : i32
      %add3A_133 = arith.addi %add3A_132, %add3A_131 : i32
      %get3A_134 = arith.index_cast %add3A_133 : i32 to index
      %get3A_135 = tpu.vector_load %arg11[%get3A_134] {strides = array<i32>} : memref<16384xi32, #tpu.memory_space<vmem>>, vector<16xi32>,
      %add3A_136 = arith.constant 1 : i32
      %add3A_137 = vector.broadcast %add3A_136 : i32 to vector<16xi32>
      %add3A_138 = arith.addi %get3A_135, %add3A_137 : vector<16xi32>
      %gather3A_139 = tpu.vector_load_idx %arg13[%broadcast_in_dim3A_11, %add3A_138] : memref<1x100001xf32, #tpu.memory_space<vmem>>[vector<16xi32>, vector<16xi32>], vector<16xf32>,
      %swap3A_140 = arith.constant 0 : i32
      %swap3A_141 = arith.index_cast %swap3A_140 : i32 to index
      %swap3A_142 = arith.index_cast %add3A_131 : i32 to index
      %swap3A_143 = tpu.vector_load %arg12[%swap3A_141, %swap3A_142] {strides = array<i32>} : memref<1x8192xf32, #tpu.memory_space<vmem>>, vector<16xf32>,
      tpu.vector_store %arg12[%swap3A_141, %swap3A_142], %gather3A_139 {strides = array<i32>} : memref<1x8192xf32, #tpu.memory_space<vmem>>, vector<16xf32>,
      %mul3A_144 = arith.constant 8 : i32
      %mul3A_145 = arith.muli %scan3A_109, %mul3A_144 : i32
      %mul3A_146 = arith.constant 16 : i32
      %mul3A_147 = arith.muli %mul3A_145, %mul3A_146 : i32
      %add3A_148 = arith.constant 32 : i32
      %add3A_149 = arith.addi %mul3A_147, %add3A_148 : i32
      %add3A_150 = arith.constant 0 : i32
      %add3A_151 = arith.addi %add3A_150, %add3A_149 : i32
      %get3A_152 = arith.index_cast %add3A_151 : i32 to index
      %get3A_153 = tpu.vector_load %arg11[%get3A_152] {strides = array<i32>} : memref<16384xi32, #tpu.memory_space<vmem>>, vector<16xi32>,
      %add3A_154 = arith.constant 1 : i32
      %add3A_155 = vector.broadcast %add3A_154 : i32 to vector<16xi32>
      %add3A_156 = arith.addi %get3A_153, %add3A_155 : vector<16xi32>
      %gather3A_157 = tpu.vector_load_idx %arg13[%broadcast_in_dim3A_11, %add3A_156] : memref<1x100001xf32, #tpu.memory_space<vmem>>[vector<16xi32>, vector<16xi32>], vector<16xf32>,
      %swap3A_158 = arith.constant 0 : i32
      %swap3A_159 = arith.index_cast %swap3A_158 : i32 to index
      %swap3A_160 = arith.index_cast %add3A_149 : i32 to index
      %swap3A_161 = tpu.vector_load %arg12[%swap3A_159, %swap3A_160] {strides = array<i32>} : memref<1x8192xf32, #tpu.memory_space<vmem>>, vector<16xf32>,
      tpu.vector_store %arg12[%swap3A_159, %swap3A_160], %gather3A_157 {strides = array<i32>} : memref<1x8192xf32, #tpu.memory_space<vmem>>, vector<16xf32>,
      %mul3A_162 = arith.constant 8 : i32
      %mul3A_163 = arith.muli %scan3A_109, %mul3A_162 : i32
      %mul3A_164 = arith.constant 16 : i32
      %mul3A_165 = arith.muli %mul3A_163, %mul3A_164 : i32
      %add3A_166 = arith.constant 48 : i32
      %add3A_167 = arith.addi %mul3A_165, %add3A_166 : i32
      %add3A_168 = arith.constant 0 : i32
      %add3A_169 = arith.addi %add3A_168, %add3A_167 : i32
      %get3A_170 = arith.index_cast %add3A_169 : i32 to index
      %get3A_171 = tpu.vector_load %arg11[%get3A_170] {strides = array<i32>} : memref<16384xi32, #tpu.memory_space<vmem>>, vector<16xi32>,
      %add3A_172 = arith.constant 1 : i32
      %add3A_173 = vector.broadcast %add3A_172 : i32 to vector<16xi32>
      %add3A_174 = arith.addi %get3A_171, %add3A_173 : vector<16xi32>
      %gather3A_175 = tpu.vector_load_idx %arg13[%broadcast_in_dim3A_11, %add3A_174] : memref<1x100001xf32, #tpu.memory_space<vmem>>[vector<16xi32>, vector<16xi32>], vector<16xf32>,
      %swap3A_176 = arith.constant 0 : i32
      %swap3A_177 = arith.index_cast %swap3A_176 : i32 to index
      %swap3A_178 = arith.index_cast %add3A_167 : i32 to index
      %swap3A_179 = tpu.vector_load %arg12[%swap3A_177, %swap3A_178] {strides = array<i32>} : memref<1x8192xf32, #tpu.memory_space<vmem>>, vector<16xf32>,
      tpu.vector_store %arg12[%swap3A_177, %swap3A_178], %gather3A_175 {strides = array<i32>} : memref<1x8192xf32, #tpu.memory_space<vmem>>, vector<16xf32>,
      %mul3A_180 = arith.constant 8 : i32
      %mul3A_181 = arith.muli %scan3A_109, %mul3A_180 : i32
      %mul3A_182 = arith.constant 16 : i32
      %mul3A_183 = arith.muli %mul3A_181, %mul3A_182 : i32
      %add3A_184 = arith.constant 64 : i32
      %add3A_185 = arith.addi %mul3A_183, %add3A_184 : i32
      %add3A_186 = arith.constant 0 : i32
      %add3A_187 = arith.addi %add3A_186, %add3A_185 : i32
      %get3A_188 = arith.index_cast %add3A_187 : i32 to index
      %get3A_189 = tpu.vector_load %arg11[%get3A_188] {strides = array<i32>} : memref<16384xi32, #tpu.memory_space<vmem>>, vector<16xi32>,
      %add3A_190 = arith.constant 1 : i32
      %add3A_191 = vector.broadcast %add3A_190 : i32 to vector<16xi32>
      %add3A_192 = arith.addi %get3A_189, %add3A_191 : vector<16xi32>
      %gather3A_193 = tpu.vector_load_idx %arg13[%broadcast_in_dim3A_11, %add3A_192] : memref<1x100001xf32, #tpu.memory_space<vmem>>[vector<16xi32>, vector<16xi32>], vector<16xf32>,
      %swap3A_194 = arith.constant 0 : i32
      %swap3A_195 = arith.index_cast %swap3A_194 : i32 to index
      %swap3A_196 = arith.index_cast %add3A_185 : i32 to index
      %swap3A_197 = tpu.vector_load %arg12[%swap3A_195, %swap3A_196] {strides = array<i32>} : memref<1x8192xf32, #tpu.memory_space<vmem>>, vector<16xf32>,
      tpu.vector_store %arg12[%swap3A_195, %swap3A_196], %gather3A_193 {strides = array<i32>} : memref<1x8192xf32, #tpu.memory_space<vmem>>, vector<16xf32>,
      %mul3A_198 = arith.constant 8 : i32
      %mul3A_199 = arith.muli %scan3A_109, %mul3A_198 : i32
      %mul3A_200 = arith.constant 16 : i32
      %mul3A_201 = arith.muli %mul3A_199, %mul3A_200 : i32
      %add3A_202 = arith.constant 80 : i32
      %add3A_203 = arith.addi %mul3A_201, %add3A_202 : i32
      %add3A_204 = arith.constant 0 : i32
      %add3A_205 = arith.addi %add3A_204, %add3A_203 : i32
      %get3A_206 = arith.index_cast %add3A_205 : i32 to index
      %get3A_207 = tpu.vector_load %arg11[%get3A_206] {strides = array<i32>} : memref<16384xi32, #tpu.memory_space<vmem>>, vector<16xi32>,
      %add3A_208 = arith.constant 1 : i32
      %add3A_209 = vector.broadcast %add3A_208 : i32 to vector<16xi32>
      %add3A_210 = arith.addi %get3A_207, %add3A_209 : vector<16xi32>
      %gather3A_211 = tpu.vector_load_idx %arg13[%broadcast_in_dim3A_11, %add3A_210] : memref<1x100001xf32, #tpu.memory_space<vmem>>[vector<16xi32>, vector<16xi32>], vector<16xf32>,
      %swap3A_212 = arith.constant 0 : i32
      %swap3A_213 = arith.index_cast %swap3A_212 : i32 to index
      %swap3A_214 = arith.index_cast %add3A_203 : i32 to index
      %swap3A_215 = tpu.vector_load %arg12[%swap3A_213, %swap3A_214] {strides = array<i32>} : memref<1x8192xf32, #tpu.memory_space<vmem>>, vector<16xf32>,
      tpu.vector_store %arg12[%swap3A_213, %swap3A_214], %gather3A_211 {strides = array<i32>} : memref<1x8192xf32, #tpu.memory_space<vmem>>, vector<16xf32>,
      %mul3A_216 = arith.constant 8 : i32
      %mul3A_217 = arith.muli %scan3A_109, %mul3A_216 : i32
      %mul3A_218 = arith.constant 16 : i32
      %mul3A_219 = arith.muli %mul3A_217, %mul3A_218 : i32
      %add3A_220 = arith.constant 96 : i32
      %add3A_221 = arith.addi %mul3A_219, %add3A_220 : i32
      %add3A_222 = arith.constant 0 : i32
      %add3A_223 = arith.addi %add3A_222, %add3A_221 : i32
      %get3A_224 = arith.index_cast %add3A_223 : i32 to index
      %get3A_225 = tpu.vector_load %arg11[%get3A_224] {strides = array<i32>} : memref<16384xi32, #tpu.memory_space<vmem>>, vector<16xi32>,
      %add3A_226 = arith.constant 1 : i32
      %add3A_227 = vector.broadcast %add3A_226 : i32 to vector<16xi32>
      %add3A_228 = arith.addi %get3A_225, %add3A_227 : vector<16xi32>
      %gather3A_229 = tpu.vector_load_idx %arg13[%broadcast_in_dim3A_11, %add3A_228] : memref<1x100001xf32, #tpu.memory_space<vmem>>[vector<16xi32>, vector<16xi32>], vector<16xf32>,
      %swap3A_230 = arith.constant 0 : i32
      %swap3A_231 = arith.index_cast %swap3A_230 : i32 to index
      %swap3A_232 = arith.index_cast %add3A_221 : i32 to index
      %swap3A_233 = tpu.vector_load %arg12[%swap3A_231, %swap3A_232] {strides = array<i32>} : memref<1x8192xf32, #tpu.memory_space<vmem>>, vector<16xf32>,
      tpu.vector_store %arg12[%swap3A_231, %swap3A_232], %gather3A_229 {strides = array<i32>} : memref<1x8192xf32, #tpu.memory_space<vmem>>, vector<16xf32>,
      %mul3A_234 = arith.constant 8 : i32
      %mul3A_235 = arith.muli %scan3A_109, %mul3A_234 : i32
      %mul3A_236 = arith.constant 16 : i32
      %mul3A_237 = arith.muli %mul3A_235, %mul3A_236 : i32
      %add3A_238 = arith.constant 112 : i32
      %add3A_239 = arith.addi %mul3A_237, %add3A_238 : i32
      %add3A_240 = arith.constant 0 : i32
      %add3A_241 = arith.addi %add3A_240, %add3A_239 : i32
      %get3A_242 = arith.index_cast %add3A_241 : i32 to index
      %get3A_243 = tpu.vector_load %arg11[%get3A_242] {strides = array<i32>} : memref<16384xi32, #tpu.memory_space<vmem>>, vector<16xi32>,
      %add3A_244 = arith.constant 1 : i32
      %add3A_245 = vector.broadcast %add3A_244 : i32 to vector<16xi32>
      %add3A_246 = arith.addi %get3A_243, %add3A_245 : vector<16xi32>
      %gather3A_247 = tpu.vector_load_idx %arg13[%broadcast_in_dim3A_11, %add3A_246] : memref<1x100001xf32, #tpu.memory_space<vmem>>[vector<16xi32>, vector<16xi32>], vector<16xf32>,
      %swap3A_248 = arith.constant 0 : i32
      %swap3A_249 = arith.index_cast %swap3A_248 : i32 to index
      %swap3A_250 = arith.index_cast %add3A_239 : i32 to index
      %swap3A_251 = tpu.vector_load %arg12[%swap3A_249, %swap3A_250] {strides = array<i32>} : memref<1x8192xf32, #tpu.memory_space<vmem>>, vector<16xf32>,
      tpu.vector_store %arg12[%swap3A_249, %swap3A_250], %gather3A_247 {strides = array<i32>} : memref<1x8192xf32, #tpu.memory_space<vmem>>, vector<16xf32>,
    }
    %scan3A_55 = arith.constant 64 : i32
    %dma_start3A_56 = arith.constant 0 : i32
    %dma_start3A_57 = tpu.memref_slice %arg10[%add3A_46, %dma_start3A_56] : memref<97x16384xf32, #tpu.memory_space<hbm>> -> memref<1x8192xf32, #tpu.memory_space<hbm>>
    %dma_start3A_58 = arith.constant 0 : i32
    %dma_start3A_59 = tpu.memref_slice %arg10[%add3A_46, %dma_start3A_58] : memref<97x16384xf32, #tpu.memory_space<hbm>> -> memref<1x8192xf32, #tpu.memory_space<hbm>>
    tpu.enqueue_dma source(%arg12 : memref<1x8192xf32, #tpu.memory_space<vmem>>) target(%dma_start3A_59 : memref<1x8192xf32, #tpu.memory_space<hbm>>) target_semaphore(%arg18 : memref<!tpu.dma_semaphore, #tpu.memory_space<semaphore_mem>>)
    %dma_wait3A_60 = arith.constant 0 : i32
    %dma_wait3A_61 = tpu.memref_slice %arg10[%add3A_46, %dma_wait3A_60] : memref<97x16384xf32, #tpu.memory_space<hbm>> -> memref<1x8192xf32, #tpu.memory_space<hbm>>
    %dma_wait3A_62 = arith.constant 0 : i32
    %dma_wait3A_63 = tpu.memref_slice %arg10[%add3A_46, %dma_wait3A_62] : memref<97x16384xf32, #tpu.memory_space<hbm>> -> memref<1x8192xf32, #tpu.memory_space<hbm>>
    tpu.wait_dma2 semaphore(%arg18 : memref<!tpu.dma_semaphore, #tpu.memory_space<semaphore_mem>>) src(%arg12 : memref<1x8192xf32, #tpu.memory_space<vmem>>) dst(%dma_wait3A_63 : memref<1x8192xf32, #tpu.memory_space<hbm>>)
    %scan3A_64 = arith.constant 0 : i32
    %scan3A_65 = arith.constant 64 : i32
    %scan3A_66 = arith.addi %scan3A_64, %scan3A_65 : i32
    %scan3A_67 = arith.constant 1 : i32
    scf.for %scan3A_109 = %scan3A_64 to %scan3A_66 step %scan3A_67  : i32 {
      %mul3A_110 = arith.constant 8 : i32
      %mul3A_111 = arith.muli %scan3A_109, %mul3A_110 : i32
      %mul3A_112 = arith.constant 16 : i32
      %mul3A_113 = arith.muli %mul3A_111, %mul3A_112 : i32
      %add3A_114 = arith.constant 0 : i32
      %add3A_115 = arith.addi %mul3A_113, %add3A_114 : i32
      %add3A_116 = arith.constant 8192 : i32
      %add3A_117 = arith.addi %add3A_116, %add3A_115 : i32
      %get3A_118 = arith.index_cast %add3A_117 : i32 to index
      %get3A_119 = tpu.vector_load %arg11[%get3A_118] {strides = array<i32>} : memref<16384xi32, #tpu.memory_space<vmem>>, vector<16xi32>,
      %add3A_120 = arith.constant 1 : i32
      %add3A_121 = vector.broadcast %add3A_120 : i32 to vector<16xi32>
      %add3A_122 = arith.addi %get3A_119, %add3A_121 : vector<16xi32>
      %gather3A = tpu.vector_load_idx %arg13[%broadcast_in_dim3A_11, %add3A_122] : memref<1x100001xf32, #tpu.memory_space<vmem>>[vector<16xi32>, vector<16xi32>], vector<16xf32>,
      %swap3A = arith.constant 0 : i32
      %swap3A_123 = arith.index_cast %swap3A : i32 to index
      %swap3A_124 = arith.index_cast %add3A_115 : i32 to index
      %swap3A_125 = tpu.vector_load %arg12[%swap3A_123, %swap3A_124] {strides = array<i32>} : memref<1x8192xf32, #tpu.memory_space<vmem>>, vector<16xf32>,
      tpu.vector_store %arg12[%swap3A_123, %swap3A_124], %gather3A {strides = array<i32>} : memref<1x8192xf32, #tpu.memory_space<vmem>>, vector<16xf32>,
      %mul3A_126 = arith.constant 8 : i32
      %mul3A_127 = arith.muli %scan3A_109, %mul3A_126 : i32
      %mul3A_128 = arith.constant 16 : i32
      %mul3A_129 = arith.muli %mul3A_127, %mul3A_128 : i32
      %add3A_130 = arith.constant 16 : i32
      %add3A_131 = arith.addi %mul3A_129, %add3A_130 : i32
      %add3A_132 = arith.constant 8192 : i32
      %add3A_133 = arith.addi %add3A_132, %add3A_131 : i32
      %get3A_134 = arith.index_cast %add3A_133 : i32 to index
      %get3A_135 = tpu.vector_load %arg11[%get3A_134] {strides = array<i32>} : memref<16384xi32, #tpu.memory_space<vmem>>, vector<16xi32>,
      %add3A_136 = arith.constant 1 : i32
      %add3A_137 = vector.broadcast %add3A_136 : i32 to vector<16xi32>
      %add3A_138 = arith.addi %get3A_135, %add3A_137 : vector<16xi32>
      %gather3A_139 = tpu.vector_load_idx %arg13[%broadcast_in_dim3A_11, %add3A_138] : memref<1x100001xf32, #tpu.memory_space<vmem>>[vector<16xi32>, vector<16xi32>], vector<16xf32>,
      %swap3A_140 = arith.constant 0 : i32
      %swap3A_141 = arith.index_cast %swap3A_140 : i32 to index
      %swap3A_142 = arith.index_cast %add3A_131 : i32 to index
      %swap3A_143 = tpu.vector_load %arg12[%swap3A_141, %swap3A_142] {strides = array<i32>} : memref<1x8192xf32, #tpu.memory_space<vmem>>, vector<16xf32>,
      tpu.vector_store %arg12[%swap3A_141, %swap3A_142], %gather3A_139 {strides = array<i32>} : memref<1x8192xf32, #tpu.memory_space<vmem>>, vector<16xf32>,
      %mul3A_144 = arith.constant 8 : i32
      %mul3A_145 = arith.muli %scan3A_109, %mul3A_144 : i32
      %mul3A_146 = arith.constant 16 : i32
      %mul3A_147 = arith.muli %mul3A_145, %mul3A_146 : i32
      %add3A_148 = arith.constant 32 : i32
      %add3A_149 = arith.addi %mul3A_147, %add3A_148 : i32
      %add3A_150 = arith.constant 8192 : i32
      %add3A_151 = arith.addi %add3A_150, %add3A_149 : i32
      %get3A_152 = arith.index_cast %add3A_151 : i32 to index
      %get3A_153 = tpu.vector_load %arg11[%get3A_152] {strides = array<i32>} : memref<16384xi32, #tpu.memory_space<vmem>>, vector<16xi32>,
      %add3A_154 = arith.constant 1 : i32
      %add3A_155 = vector.broadcast %add3A_154 : i32 to vector<16xi32>
      %add3A_156 = arith.addi %get3A_153, %add3A_155 : vector<16xi32>
      %gather3A_157 = tpu.vector_load_idx %arg13[%broadcast_in_dim3A_11, %add3A_156] : memref<1x100001xf32, #tpu.memory_space<vmem>>[vector<16xi32>, vector<16xi32>], vector<16xf32>,
      %swap3A_158 = arith.constant 0 : i32
      %swap3A_159 = arith.index_cast %swap3A_158 : i32 to index
      %swap3A_160 = arith.index_cast %add3A_149 : i32 to index
      %swap3A_161 = tpu.vector_load %arg12[%swap3A_159, %swap3A_160] {strides = array<i32>} : memref<1x8192xf32, #tpu.memory_space<vmem>>, vector<16xf32>,
      tpu.vector_store %arg12[%swap3A_159, %swap3A_160], %gather3A_157 {strides = array<i32>} : memref<1x8192xf32, #tpu.memory_space<vmem>>, vector<16xf32>,
      %mul3A_162 = arith.constant 8 : i32
      %mul3A_163 = arith.muli %scan3A_109, %mul3A_162 : i32
      %mul3A_164 = arith.constant 16 : i32
      %mul3A_165 = arith.muli %mul3A_163, %mul3A_164 : i32
      %add3A_166 = arith.constant 48 : i32
      %add3A_167 = arith.addi %mul3A_165, %add3A_166 : i32
      %add3A_168 = arith.constant 8192 : i32
      %add3A_169 = arith.addi %add3A_168, %add3A_167 : i32
      %get3A_170 = arith.index_cast %add3A_169 : i32 to index
      %get3A_171 = tpu.vector_load %arg11[%get3A_170] {strides = array<i32>} : memref<16384xi32, #tpu.memory_space<vmem>>, vector<16xi32>,
      %add3A_172 = arith.constant 1 : i32
      %add3A_173 = vector.broadcast %add3A_172 : i32 to vector<16xi32>
      %add3A_174 = arith.addi %get3A_171, %add3A_173 : vector<16xi32>
      %gather3A_175 = tpu.vector_load_idx %arg13[%broadcast_in_dim3A_11, %add3A_174] : memref<1x100001xf32, #tpu.memory_space<vmem>>[vector<16xi32>, vector<16xi32>], vector<16xf32>,
      %swap3A_176 = arith.constant 0 : i32
      %swap3A_177 = arith.index_cast %swap3A_176 : i32 to index
      %swap3A_178 = arith.index_cast %add3A_167 : i32 to index
      %swap3A_179 = tpu.vector_load %arg12[%swap3A_177, %swap3A_178] {strides = array<i32>} : memref<1x8192xf32, #tpu.memory_space<vmem>>, vector<16xf32>,
      tpu.vector_store %arg12[%swap3A_177, %swap3A_178], %gather3A_175 {strides = array<i32>} : memref<1x8192xf32, #tpu.memory_space<vmem>>, vector<16xf32>,
      %mul3A_180 = arith.constant 8 : i32
      %mul3A_181 = arith.muli %scan3A_109, %mul3A_180 : i32
      %mul3A_182 = arith.constant 16 : i32
      %mul3A_183 = arith.muli %mul3A_181, %mul3A_182 : i32
      %add3A_184 = arith.constant 64 : i32
      %add3A_185 = arith.addi %mul3A_183, %add3A_184 : i32
      %add3A_186 = arith.constant 8192 : i32
      %add3A_187 = arith.addi %add3A_186, %add3A_185 : i32
      %get3A_188 = arith.index_cast %add3A_187 : i32 to index
      %get3A_189 = tpu.vector_load %arg11[%get3A_188] {strides = array<i32>} : memref<16384xi32, #tpu.memory_space<vmem>>, vector<16xi32>,
      %add3A_190 = arith.constant 1 : i32
      %add3A_191 = vector.broadcast %add3A_190 : i32 to vector<16xi32>
      %add3A_192 = arith.addi %get3A_189, %add3A_191 : vector<16xi32>
      %gather3A_193 = tpu.vector_load_idx %arg13[%broadcast_in_dim3A_11, %add3A_192] : memref<1x100001xf32, #tpu.memory_space<vmem>>[vector<16xi32>, vector<16xi32>], vector<16xf32>,
      %swap3A_194 = arith.constant 0 : i32
      %swap3A_195 = arith.index_cast %swap3A_194 : i32 to index
      %swap3A_196 = arith.index_cast %add3A_185 : i32 to index
      %swap3A_197 = tpu.vector_load %arg12[%swap3A_195, %swap3A_196] {strides = array<i32>} : memref<1x8192xf32, #tpu.memory_space<vmem>>, vector<16xf32>,
      tpu.vector_store %arg12[%swap3A_195, %swap3A_196], %gather3A_193 {strides = array<i32>} : memref<1x8192xf32, #tpu.memory_space<vmem>>, vector<16xf32>,
      %mul3A_198 = arith.constant 8 : i32
      %mul3A_199 = arith.muli %scan3A_109, %mul3A_198 : i32
      %mul3A_200 = arith.constant 16 : i32
      %mul3A_201 = arith.muli %mul3A_199, %mul3A_200 : i32
      %add3A_202 = arith.constant 80 : i32
      %add3A_203 = arith.addi %mul3A_201, %add3A_202 : i32
      %add3A_204 = arith.constant 8192 : i32
      %add3A_205 = arith.addi %add3A_204, %add3A_203 : i32
      %get3A_206 = arith.index_cast %add3A_205 : i32 to index
      %get3A_207 = tpu.vector_load %arg11[%get3A_206] {strides = array<i32>} : memref<16384xi32, #tpu.memory_space<vmem>>, vector<16xi32>,
      %add3A_208 = arith.constant 1 : i32
      %add3A_209 = vector.broadcast %add3A_208 : i32 to vector<16xi32>
      %add3A_210 = arith.addi %get3A_207, %add3A_209 : vector<16xi32>
      %gather3A_211 = tpu.vector_load_idx %arg13[%broadcast_in_dim3A_11, %add3A_210] : memref<1x100001xf32, #tpu.memory_space<vmem>>[vector<16xi32>, vector<16xi32>], vector<16xf32>,
      %swap3A_212 = arith.constant 0 : i32
      %swap3A_213 = arith.index_cast %swap3A_212 : i32 to index
      %swap3A_214 = arith.index_cast %add3A_203 : i32 to index
      %swap3A_215 = tpu.vector_load %arg12[%swap3A_213, %swap3A_214] {strides = array<i32>} : memref<1x8192xf32, #tpu.memory_space<vmem>>, vector<16xf32>,
      tpu.vector_store %arg12[%swap3A_213, %swap3A_214], %gather3A_211 {strides = array<i32>} : memref<1x8192xf32, #tpu.memory_space<vmem>>, vector<16xf32>,
      %mul3A_216 = arith.constant 8 : i32
      %mul3A_217 = arith.muli %scan3A_109, %mul3A_216 : i32
      %mul3A_218 = arith.constant 16 : i32
      %mul3A_219 = arith.muli %mul3A_217, %mul3A_218 : i32
      %add3A_220 = arith.constant 96 : i32
      %add3A_221 = arith.addi %mul3A_219, %add3A_220 : i32
      %add3A_222 = arith.constant 8192 : i32
      %add3A_223 = arith.addi %add3A_222, %add3A_221 : i32
      %get3A_224 = arith.index_cast %add3A_223 : i32 to index
      %get3A_225 = tpu.vector_load %arg11[%get3A_224] {strides = array<i32>} : memref<16384xi32, #tpu.memory_space<vmem>>, vector<16xi32>,
      %add3A_226 = arith.constant 1 : i32
      %add3A_227 = vector.broadcast %add3A_226 : i32 to vector<16xi32>
      %add3A_228 = arith.addi %get3A_225, %add3A_227 : vector<16xi32>
      %gather3A_229 = tpu.vector_load_idx %arg13[%broadcast_in_dim3A_11, %add3A_228] : memref<1x100001xf32, #tpu.memory_space<vmem>>[vector<16xi32>, vector<16xi32>], vector<16xf32>,
      %swap3A_230 = arith.constant 0 : i32
      %swap3A_231 = arith.index_cast %swap3A_230 : i32 to index
      %swap3A_232 = arith.index_cast %add3A_221 : i32 to index
      %swap3A_233 = tpu.vector_load %arg12[%swap3A_231, %swap3A_232] {strides = array<i32>} : memref<1x8192xf32, #tpu.memory_space<vmem>>, vector<16xf32>,
      tpu.vector_store %arg12[%swap3A_231, %swap3A_232], %gather3A_229 {strides = array<i32>} : memref<1x8192xf32, #tpu.memory_space<vmem>>, vector<16xf32>,
      %mul3A_234 = arith.constant 8 : i32
      %mul3A_235 = arith.muli %scan3A_109, %mul3A_234 : i32
      %mul3A_236 = arith.constant 16 : i32
      %mul3A_237 = arith.muli %mul3A_235, %mul3A_236 : i32
      %add3A_238 = arith.constant 112 : i32
      %add3A_239 = arith.addi %mul3A_237, %add3A_238 : i32
      %add3A_240 = arith.constant 8192 : i32
      %add3A_241 = arith.addi %add3A_240, %add3A_239 : i32
      %get3A_242 = arith.index_cast %add3A_241 : i32 to index
      %get3A_243 = tpu.vector_load %arg11[%get3A_242] {strides = array<i32>} : memref<16384xi32, #tpu.memory_space<vmem>>, vector<16xi32>,
      %add3A_244 = arith.constant 1 : i32
      %add3A_245 = vector.broadcast %add3A_244 : i32 to vector<16xi32>
      %add3A_246 = arith.addi %get3A_243, %add3A_245 : vector<16xi32>
      %gather3A_247 = tpu.vector_load_idx %arg13[%broadcast_in_dim3A_11, %add3A_246] : memref<1x100001xf32, #tpu.memory_space<vmem>>[vector<16xi32>, vector<16xi32>], vector<16xf32>,
      %swap3A_248 = arith.constant 0 : i32
      %swap3A_249 = arith.index_cast %swap3A_248 : i32 to index
      %swap3A_250 = arith.index_cast %add3A_239 : i32 to index
      %swap3A_251 = tpu.vector_load %arg12[%swap3A_249, %swap3A_250] {strides = array<i32>} : memref<1x8192xf32, #tpu.memory_space<vmem>>, vector<16xf32>,
      tpu.vector_store %arg12[%swap3A_249, %swap3A_250], %gather3A_247 {strides = array<i32>} : memref<1x8192xf32, #tpu.memory_space<vmem>>, vector<16xf32>,
    }
    %scan3A_68 = arith.constant 64 : i32
    %dma_start3A_69 = arith.constant 8192 : i32
    %dma_start3A_70 = tpu.memref_slice %arg10[%add3A_46, %dma_start3A_69] : memref<97x16384xf32, #tpu.memory_space<hbm>> -> memref<1x8192xf32, #tpu.memory_space<hbm>>
    %dma_start3A_71 = arith.constant 8192 : i32
    %dma_start3A_72 = tpu.memref_slice %arg10[%add3A_46, %dma_start3A_71] : memref<97x16384xf32, #tpu.memory_space<hbm>> -> memref<1x8192xf32, #tpu.memory_space<hbm>>
    tpu.enqueue_dma source(%arg12 : memref<1x8192xf32, #tpu.memory_space<vmem>>) target(%dma_start3A_72 : memref<1x8192xf32, #tpu.memory_space<hbm>>) target_semaphore(%arg18 : memref<!tpu.dma_semaphore, #tpu.memory_space<semaphore_mem>>)
    "tpu.region"() ({
      %run_scoped3A = tpu.sem_alloc : memref<!tpu.dma_semaphore, #tpu.memory_space<semaphore_mem>>
      tpu.enqueue_dma source(%arg17 : memref<16384xi32, #tpu.memory_space<vmem_shared>>) target(%arg11 : memref<16384xi32, #tpu.memory_space<vmem>>) target_semaphore(%run_scoped3A : memref<!tpu.dma_semaphore, #tpu.memory_space<semaphore_mem>>)
      tpu.wait_dma2 semaphore(%run_scoped3A : memref<!tpu.dma_semaphore, #tpu.memory_space<semaphore_mem>>) src(%arg17 : memref<16384xi32, #tpu.memory_space<vmem_shared>>) dst(%arg11 : memref<16384xi32, #tpu.memory_space<vmem>>)
      tpu.yield
    }) : () -> ()
    %dma_wait3A_73 = arith.constant 0 : i32
    %dma_wait3A_74 = tpu.memref_slice %arg7[%add3A, %dma_wait3A_73] : memref<32x1002xf32, #tpu.memory_space<hbm>> -> memref<1x1002xf32, #tpu.memory_space<hbm>>
    %dma_wait3A_75 = arith.constant 0 : i32
    %dma_wait3A_76 = tpu.memref_slice %arg7[%add3A, %dma_wait3A_75] : memref<32x1002xf32, #tpu.memory_space<hbm>> -> memref<1x1002xf32, #tpu.memory_space<hbm>>
    tpu.wait_dma2 semaphore(%arg19 : memref<!tpu.dma_semaphore, #tpu.memory_space<semaphore_mem>>) src(%dma_wait3A_76 : memref<1x1002xf32, #tpu.memory_space<hbm>>) dst(%arg14 : memref<1x1002xf32, #tpu.memory_space<vmem>>)
    %add3A_77 = arith.constant 64 : i32
    %add3A_78 = arith.addi %add3A_77, %add3A : i32
    %dma_wait3A_79 = arith.constant 8192 : i32
    %dma_wait3A_80 = tpu.memref_slice %arg10[%add3A_46, %dma_wait3A_79] : memref<97x16384xf32, #tpu.memory_space<hbm>> -> memref<1x8192xf32, #tpu.memory_space<hbm>>
    %dma_wait3A_81 = arith.constant 8192 : i32
    %dma_wait3A_82 = tpu.memref_slice %arg10[%add3A_46, %dma_wait3A_81] : memref<97x16384xf32, #tpu.memory_space<hbm>> -> memref<1x8192xf32, #tpu.memory_space<hbm>>
    tpu.wait_dma2 semaphore(%arg18 : memref<!tpu.dma_semaphore, #tpu.memory_space<semaphore_mem>>) src(%arg12 : memref<1x8192xf32, #tpu.memory_space<vmem>>) dst(%dma_wait3A_82 : memref<1x8192xf32, #tpu.memory_space<hbm>>)
    %scan3A_83 = arith.constant 0 : i32
    %scan3A_84 = arith.constant 64 : i32
    %scan3A_85 = arith.addi %scan3A_83, %scan3A_84 : i32
    %scan3A_86 = arith.constant 1 : i32
    scf.for %scan3A_109 = %scan3A_83 to %scan3A_85 step %scan3A_86  : i32 {
      %mul3A_110 = arith.constant 8 : i32
      %mul3A_111 = arith.muli %scan3A_109, %mul3A_110 : i32
      %mul3A_112 = arith.constant 16 : i32
      %mul3A_113 = arith.muli %mul3A_111, %mul3A_112 : i32
      %add3A_114 = arith.constant 0 : i32
      %add3A_115 = arith.addi %mul3A_113, %add3A_114 : i32
      %add3A_116 = arith.constant 0 : i32
      %add3A_117 = arith.addi %add3A_116, %add3A_115 : i32
      %get3A_118 = arith.index_cast %add3A_117 : i32 to index
      %get3A_119 = tpu.vector_load %arg11[%get3A_118] {strides = array<i32>} : memref<16384xi32, #tpu.memory_space<vmem>>, vector<16xi32>,
      %gather3A = tpu.vector_load_idx %arg14[%broadcast_in_dim3A_11, %get3A_119] : memref<1x1002xf32, #tpu.memory_space<vmem>>[vector<16xi32>, vector<16xi32>], vector<16xf32>,
      %mul3A_120 = arith.constant 5.000000e-01 : f32
      %mul3A_121 = vector.broadcast %mul3A_120 : f32 to vector<16xf32>
      %mul3A_122 = arith.mulf %gather3A, %mul3A_121 : vector<16xf32>
      %swap3A = arith.constant 0 : i32
      %swap3A_123 = arith.index_cast %swap3A : i32 to index
      %swap3A_124 = arith.index_cast %add3A_115 : i32 to index
      %swap3A_125 = tpu.vector_load %arg12[%swap3A_123, %swap3A_124] {strides = array<i32>} : memref<1x8192xf32, #tpu.memory_space<vmem>>, vector<16xf32>,
      tpu.vector_store %arg12[%swap3A_123, %swap3A_124], %mul3A_122 {strides = array<i32>} : memref<1x8192xf32, #tpu.memory_space<vmem>>, vector<16xf32>,
      %mul3A_126 = arith.constant 8 : i32
      %mul3A_127 = arith.muli %scan3A_109, %mul3A_126 : i32
      %mul3A_128 = arith.constant 16 : i32
      %mul3A_129 = arith.muli %mul3A_127, %mul3A_128 : i32
      %add3A_130 = arith.constant 16 : i32
      %add3A_131 = arith.addi %mul3A_129, %add3A_130 : i32
      %add3A_132 = arith.constant 0 : i32
      %add3A_133 = arith.addi %add3A_132, %add3A_131 : i32
      %get3A_134 = arith.index_cast %add3A_133 : i32 to index
      %get3A_135 = tpu.vector_load %arg11[%get3A_134] {strides = array<i32>} : memref<16384xi32, #tpu.memory_space<vmem>>, vector<16xi32>,
      %gather3A_136 = tpu.vector_load_idx %arg14[%broadcast_in_dim3A_11, %get3A_135] : memref<1x1002xf32, #tpu.memory_space<vmem>>[vector<16xi32>, vector<16xi32>], vector<16xf32>,
      %mul3A_137 = arith.constant 5.000000e-01 : f32
      %mul3A_138 = vector.broadcast %mul3A_137 : f32 to vector<16xf32>
      %mul3A_139 = arith.mulf %gather3A_136, %mul3A_138 : vector<16xf32>
      %swap3A_140 = arith.constant 0 : i32
      %swap3A_141 = arith.index_cast %swap3A_140 : i32 to index
      %swap3A_142 = arith.index_cast %add3A_131 : i32 to index
      %swap3A_143 = tpu.vector_load %arg12[%swap3A_141, %swap3A_142] {strides = array<i32>} : memref<1x8192xf32, #tpu.memory_space<vmem>>, vector<16xf32>,
      tpu.vector_store %arg12[%swap3A_141, %swap3A_142], %mul3A_139 {strides = array<i32>} : memref<1x8192xf32, #tpu.memory_space<vmem>>, vector<16xf32>,
      %mul3A_144 = arith.constant 8 : i32
      %mul3A_145 = arith.muli %scan3A_109, %mul3A_144 : i32
      %mul3A_146 = arith.constant 16 : i32
      %mul3A_147 = arith.muli %mul3A_145, %mul3A_146 : i32
      %add3A_148 = arith.constant 32 : i32
      %add3A_149 = arith.addi %mul3A_147, %add3A_148 : i32
      %add3A_150 = arith.constant 0 : i32
      %add3A_151 = arith.addi %add3A_150, %add3A_149 : i32
      %get3A_152 = arith.index_cast %add3A_151 : i32 to index
      %get3A_153 = tpu.vector_load %arg11[%get3A_152] {strides = array<i32>} : memref<16384xi32, #tpu.memory_space<vmem>>, vector<16xi32>,
      %gather3A_154 = tpu.vector_load_idx %arg14[%broadcast_in_dim3A_11, %get3A_153] : memref<1x1002xf32, #tpu.memory_space<vmem>>[vector<16xi32>, vector<16xi32>], vector<16xf32>,
      %mul3A_155 = arith.constant 5.000000e-01 : f32
      %mul3A_156 = vector.broadcast %mul3A_155 : f32 to vector<16xf32>
      %mul3A_157 = arith.mulf %gather3A_154, %mul3A_156 : vector<16xf32>
      %swap3A_158 = arith.constant 0 : i32
      %swap3A_159 = arith.index_cast %swap3A_158 : i32 to index
      %swap3A_160 = arith.index_cast %add3A_149 : i32 to index
      %swap3A_161 = tpu.vector_load %arg12[%swap3A_159, %swap3A_160] {strides = array<i32>} : memref<1x8192xf32, #tpu.memory_space<vmem>>, vector<16xf32>,
      tpu.vector_store %arg12[%swap3A_159, %swap3A_160], %mul3A_157 {strides = array<i32>} : memref<1x8192xf32, #tpu.memory_space<vmem>>, vector<16xf32>,
      %mul3A_162 = arith.constant 8 : i32
      %mul3A_163 = arith.muli %scan3A_109, %mul3A_162 : i32
      %mul3A_164 = arith.constant 16 : i32
      %mul3A_165 = arith.muli %mul3A_163, %mul3A_164 : i32
      %add3A_166 = arith.constant 48 : i32
      %add3A_167 = arith.addi %mul3A_165, %add3A_166 : i32
      %add3A_168 = arith.constant 0 : i32
      %add3A_169 = arith.addi %add3A_168, %add3A_167 : i32
      %get3A_170 = arith.index_cast %add3A_169 : i32 to index
      %get3A_171 = tpu.vector_load %arg11[%get3A_170] {strides = array<i32>} : memref<16384xi32, #tpu.memory_space<vmem>>, vector<16xi32>,
      %gather3A_172 = tpu.vector_load_idx %arg14[%broadcast_in_dim3A_11, %get3A_171] : memref<1x1002xf32, #tpu.memory_space<vmem>>[vector<16xi32>, vector<16xi32>], vector<16xf32>,
      %mul3A_173 = arith.constant 5.000000e-01 : f32
      %mul3A_174 = vector.broadcast %mul3A_173 : f32 to vector<16xf32>
      %mul3A_175 = arith.mulf %gather3A_172, %mul3A_174 : vector<16xf32>
      %swap3A_176 = arith.constant 0 : i32
      %swap3A_177 = arith.index_cast %swap3A_176 : i32 to index
      %swap3A_178 = arith.index_cast %add3A_167 : i32 to index
      %swap3A_179 = tpu.vector_load %arg12[%swap3A_177, %swap3A_178] {strides = array<i32>} : memref<1x8192xf32, #tpu.memory_space<vmem>>, vector<16xf32>,
      tpu.vector_store %arg12[%swap3A_177, %swap3A_178], %mul3A_175 {strides = array<i32>} : memref<1x8192xf32, #tpu.memory_space<vmem>>, vector<16xf32>,
      %mul3A_180 = arith.constant 8 : i32
      %mul3A_181 = arith.muli %scan3A_109, %mul3A_180 : i32
      %mul3A_182 = arith.constant 16 : i32
      %mul3A_183 = arith.muli %mul3A_181, %mul3A_182 : i32
      %add3A_184 = arith.constant 64 : i32
      %add3A_185 = arith.addi %mul3A_183, %add3A_184 : i32
      %add3A_186 = arith.constant 0 : i32
      %add3A_187 = arith.addi %add3A_186, %add3A_185 : i32
      %get3A_188 = arith.index_cast %add3A_187 : i32 to index
      %get3A_189 = tpu.vector_load %arg11[%get3A_188] {strides = array<i32>} : memref<16384xi32, #tpu.memory_space<vmem>>, vector<16xi32>,
      %gather3A_190 = tpu.vector_load_idx %arg14[%broadcast_in_dim3A_11, %get3A_189] : memref<1x1002xf32, #tpu.memory_space<vmem>>[vector<16xi32>, vector<16xi32>], vector<16xf32>,
      %mul3A_191 = arith.constant 5.000000e-01 : f32
      %mul3A_192 = vector.broadcast %mul3A_191 : f32 to vector<16xf32>
      %mul3A_193 = arith.mulf %gather3A_190, %mul3A_192 : vector<16xf32>
      %swap3A_194 = arith.constant 0 : i32
      %swap3A_195 = arith.index_cast %swap3A_194 : i32 to index
      %swap3A_196 = arith.index_cast %add3A_185 : i32 to index
      %swap3A_197 = tpu.vector_load %arg12[%swap3A_195, %swap3A_196] {strides = array<i32>} : memref<1x8192xf32, #tpu.memory_space<vmem>>, vector<16xf32>,
      tpu.vector_store %arg12[%swap3A_195, %swap3A_196], %mul3A_193 {strides = array<i32>} : memref<1x8192xf32, #tpu.memory_space<vmem>>, vector<16xf32>,
      %mul3A_198 = arith.constant 8 : i32
      %mul3A_199 = arith.muli %scan3A_109, %mul3A_198 : i32
      %mul3A_200 = arith.constant 16 : i32
      %mul3A_201 = arith.muli %mul3A_199, %mul3A_200 : i32
      %add3A_202 = arith.constant 80 : i32
      %add3A_203 = arith.addi %mul3A_201, %add3A_202 : i32
      %add3A_204 = arith.constant 0 : i32
      %add3A_205 = arith.addi %add3A_204, %add3A_203 : i32
      %get3A_206 = arith.index_cast %add3A_205 : i32 to index
      %get3A_207 = tpu.vector_load %arg11[%get3A_206] {strides = array<i32>} : memref<16384xi32, #tpu.memory_space<vmem>>, vector<16xi32>,
      %gather3A_208 = tpu.vector_load_idx %arg14[%broadcast_in_dim3A_11, %get3A_207] : memref<1x1002xf32, #tpu.memory_space<vmem>>[vector<16xi32>, vector<16xi32>], vector<16xf32>,
      %mul3A_209 = arith.constant 5.000000e-01 : f32
      %mul3A_210 = vector.broadcast %mul3A_209 : f32 to vector<16xf32>
      %mul3A_211 = arith.mulf %gather3A_208, %mul3A_210 : vector<16xf32>
      %swap3A_212 = arith.constant 0 : i32
      %swap3A_213 = arith.index_cast %swap3A_212 : i32 to index
      %swap3A_214 = arith.index_cast %add3A_203 : i32 to index
      %swap3A_215 = tpu.vector_load %arg12[%swap3A_213, %swap3A_214] {strides = array<i32>} : memref<1x8192xf32, #tpu.memory_space<vmem>>, vector<16xf32>,
      tpu.vector_store %arg12[%swap3A_213, %swap3A_214], %mul3A_211 {strides = array<i32>} : memref<1x8192xf32, #tpu.memory_space<vmem>>, vector<16xf32>,
      %mul3A_216 = arith.constant 8 : i32
      %mul3A_217 = arith.muli %scan3A_109, %mul3A_216 : i32
      %mul3A_218 = arith.constant 16 : i32
      %mul3A_219 = arith.muli %mul3A_217, %mul3A_218 : i32
      %add3A_220 = arith.constant 96 : i32
      %add3A_221 = arith.addi %mul3A_219, %add3A_220 : i32
      %add3A_222 = arith.constant 0 : i32
      %add3A_223 = arith.addi %add3A_222, %add3A_221 : i32
      %get3A_224 = arith.index_cast %add3A_223 : i32 to index
      %get3A_225 = tpu.vector_load %arg11[%get3A_224] {strides = array<i32>} : memref<16384xi32, #tpu.memory_space<vmem>>, vector<16xi32>,
      %gather3A_226 = tpu.vector_load_idx %arg14[%broadcast_in_dim3A_11, %get3A_225] : memref<1x1002xf32, #tpu.memory_space<vmem>>[vector<16xi32>, vector<16xi32>], vector<16xf32>,
      %mul3A_227 = arith.constant 5.000000e-01 : f32
      %mul3A_228 = vector.broadcast %mul3A_227 : f32 to vector<16xf32>
      %mul3A_229 = arith.mulf %gather3A_226, %mul3A_228 : vector<16xf32>
      %swap3A_230 = arith.constant 0 : i32
      %swap3A_231 = arith.index_cast %swap3A_230 : i32 to index
      %swap3A_232 = arith.index_cast %add3A_221 : i32 to index
      %swap3A_233 = tpu.vector_load %arg12[%swap3A_231, %swap3A_232] {strides = array<i32>} : memref<1x8192xf32, #tpu.memory_space<vmem>>, vector<16xf32>,
      tpu.vector_store %arg12[%swap3A_231, %swap3A_232], %mul3A_229 {strides = array<i32>} : memref<1x8192xf32, #tpu.memory_space<vmem>>, vector<16xf32>,
      %mul3A_234 = arith.constant 8 : i32
      %mul3A_235 = arith.muli %scan3A_109, %mul3A_234 : i32
      %mul3A_236 = arith.constant 16 : i32
      %mul3A_237 = arith.muli %mul3A_235, %mul3A_236 : i32
      %add3A_238 = arith.constant 112 : i32
      %add3A_239 = arith.addi %mul3A_237, %add3A_238 : i32
      %add3A_240 = arith.constant 0 : i32
      %add3A_241 = arith.addi %add3A_240, %add3A_239 : i32
      %get3A_242 = arith.index_cast %add3A_241 : i32 to index
      %get3A_243 = tpu.vector_load %arg11[%get3A_242] {strides = array<i32>} : memref<16384xi32, #tpu.memory_space<vmem>>, vector<16xi32>,
      %gather3A_244 = tpu.vector_load_idx %arg14[%broadcast_in_dim3A_11, %get3A_243] : memref<1x1002xf32, #tpu.memory_space<vmem>>[vector<16xi32>, vector<16xi32>], vector<16xf32>,
      %mul3A_245 = arith.constant 5.000000e-01 : f32
      %mul3A_246 = vector.broadcast %mul3A_245 : f32 to vector<16xf32>
      %mul3A_247 = arith.mulf %gather3A_244, %mul3A_246 : vector<16xf32>
      %swap3A_248 = arith.constant 0 : i32
      %swap3A_249 = arith.index_cast %swap3A_248 : i32 to index
      %swap3A_250 = arith.index_cast %add3A_239 : i32 to index
      %swap3A_251 = tpu.vector_load %arg12[%swap3A_249, %swap3A_250] {strides = array<i32>} : memref<1x8192xf32, #tpu.memory_space<vmem>>, vector<16xf32>,
      tpu.vector_store %arg12[%swap3A_249, %swap3A_250], %mul3A_247 {strides = array<i32>} : memref<1x8192xf32, #tpu.memory_space<vmem>>, vector<16xf32>,
    }
    %scan3A_87 = arith.constant 64 : i32
    %dma_start3A_88 = arith.constant 0 : i32
    %dma_start3A_89 = tpu.memref_slice %arg10[%add3A_78, %dma_start3A_88] : memref<97x16384xf32, #tpu.memory_space<hbm>> -> memref<1x8192xf32, #tpu.memory_space<hbm>>
    %dma_start3A_90 = arith.constant 0 : i32
    %dma_start3A_91 = tpu.memref_slice %arg10[%add3A_78, %dma_start3A_90] : memref<97x16384xf32, #tpu.memory_space<hbm>> -> memref<1x8192xf32, #tpu.memory_space<hbm>>
    tpu.enqueue_dma source(%arg12 : memref<1x8192xf32, #tpu.memory_space<vmem>>) target(%dma_start3A_91 : memref<1x8192xf32, #tpu.memory_space<hbm>>) target_semaphore(%arg18 : memref<!tpu.dma_semaphore, #tpu.memory_space<semaphore_mem>>)
    %dma_wait3A_92 = arith.constant 0 : i32
    %dma_wait3A_93 = tpu.memref_slice %arg10[%add3A_78, %dma_wait3A_92] : memref<97x16384xf32, #tpu.memory_space<hbm>> -> memref<1x8192xf32, #tpu.memory_space<hbm>>
    %dma_wait3A_94 = arith.constant 0 : i32
    %dma_wait3A_95 = tpu.memref_slice %arg10[%add3A_78, %dma_wait3A_94] : memref<97x16384xf32, #tpu.memory_space<hbm>> -> memref<1x8192xf32, #tpu.memory_space<hbm>>
    tpu.wait_dma2 semaphore(%arg18 : memref<!tpu.dma_semaphore, #tpu.memory_space<semaphore_mem>>) src(%arg12 : memref<1x8192xf32, #tpu.memory_space<vmem>>) dst(%dma_wait3A_95 : memref<1x8192xf32, #tpu.memory_space<hbm>>)
    %scan3A_96 = arith.constant 0 : i32
    %scan3A_97 = arith.constant 64 : i32
    %scan3A_98 = arith.addi %scan3A_96, %scan3A_97 : i32
    %scan3A_99 = arith.constant 1 : i32
    scf.for %scan3A_109 = %scan3A_96 to %scan3A_98 step %scan3A_99  : i32 {
      %mul3A_110 = arith.constant 8 : i32
      %mul3A_111 = arith.muli %scan3A_109, %mul3A_110 : i32
      %mul3A_112 = arith.constant 16 : i32
      %mul3A_113 = arith.muli %mul3A_111, %mul3A_112 : i32
      %add3A_114 = arith.constant 0 : i32
      %add3A_115 = arith.addi %mul3A_113, %add3A_114 : i32
      %add3A_116 = arith.constant 8192 : i32
      %add3A_117 = arith.addi %add3A_116, %add3A_115 : i32
      %get3A_118 = arith.index_cast %add3A_117 : i32 to index
      %get3A_119 = tpu.vector_load %arg11[%get3A_118] {strides = array<i32>} : memref<16384xi32, #tpu.memory_space<vmem>>, vector<16xi32>,
      %gather3A = tpu.vector_load_idx %arg14[%broadcast_in_dim3A_11, %get3A_119] : memref<1x1002xf32, #tpu.memory_space<vmem>>[vector<16xi32>, vector<16xi32>], vector<16xf32>,
      %mul3A_120 = arith.constant 5.000000e-01 : f32
      %mul3A_121 = vector.broadcast %mul3A_120 : f32 to vector<16xf32>
      %mul3A_122 = arith.mulf %gather3A, %mul3A_121 : vector<16xf32>
      %swap3A = arith.constant 0 : i32
      %swap3A_123 = arith.index_cast %swap3A : i32 to index
      %swap3A_124 = arith.index_cast %add3A_115 : i32 to index
      %swap3A_125 = tpu.vector_load %arg12[%swap3A_123, %swap3A_124] {strides = array<i32>} : memref<1x8192xf32, #tpu.memory_space<vmem>>, vector<16xf32>,
      tpu.vector_store %arg12[%swap3A_123, %swap3A_124], %mul3A_122 {strides = array<i32>} : memref<1x8192xf32, #tpu.memory_space<vmem>>, vector<16xf32>,
      %mul3A_126 = arith.constant 8 : i32
      %mul3A_127 = arith.muli %scan3A_109, %mul3A_126 : i32
      %mul3A_128 = arith.constant 16 : i32
      %mul3A_129 = arith.muli %mul3A_127, %mul3A_128 : i32
      %add3A_130 = arith.constant 16 : i32
      %add3A_131 = arith.addi %mul3A_129, %add3A_130 : i32
      %add3A_132 = arith.constant 8192 : i32
      %add3A_133 = arith.addi %add3A_132, %add3A_131 : i32
      %get3A_134 = arith.index_cast %add3A_133 : i32 to index
      %get3A_135 = tpu.vector_load %arg11[%get3A_134] {strides = array<i32>} : memref<16384xi32, #tpu.memory_space<vmem>>, vector<16xi32>,
      %gather3A_136 = tpu.vector_load_idx %arg14[%broadcast_in_dim3A_11, %get3A_135] : memref<1x1002xf32, #tpu.memory_space<vmem>>[vector<16xi32>, vector<16xi32>], vector<16xf32>,
      %mul3A_137 = arith.constant 5.000000e-01 : f32
      %mul3A_138 = vector.broadcast %mul3A_137 : f32 to vector<16xf32>
      %mul3A_139 = arith.mulf %gather3A_136, %mul3A_138 : vector<16xf32>
      %swap3A_140 = arith.constant 0 : i32
      %swap3A_141 = arith.index_cast %swap3A_140 : i32 to index
      %swap3A_142 = arith.index_cast %add3A_131 : i32 to index
      %swap3A_143 = tpu.vector_load %arg12[%swap3A_141, %swap3A_142] {strides = array<i32>} : memref<1x8192xf32, #tpu.memory_space<vmem>>, vector<16xf32>,
      tpu.vector_store %arg12[%swap3A_141, %swap3A_142], %mul3A_139 {strides = array<i32>} : memref<1x8192xf32, #tpu.memory_space<vmem>>, vector<16xf32>,
      %mul3A_144 = arith.constant 8 : i32
      %mul3A_145 = arith.muli %scan3A_109, %mul3A_144 : i32
      %mul3A_146 = arith.constant 16 : i32
      %mul3A_147 = arith.muli %mul3A_145, %mul3A_146 : i32
      %add3A_148 = arith.constant 32 : i32
      %add3A_149 = arith.addi %mul3A_147, %add3A_148 : i32
      %add3A_150 = arith.constant 8192 : i32
      %add3A_151 = arith.addi %add3A_150, %add3A_149 : i32
      %get3A_152 = arith.index_cast %add3A_151 : i32 to index
      %get3A_153 = tpu.vector_load %arg11[%get3A_152] {strides = array<i32>} : memref<16384xi32, #tpu.memory_space<vmem>>, vector<16xi32>,
      %gather3A_154 = tpu.vector_load_idx %arg14[%broadcast_in_dim3A_11, %get3A_153] : memref<1x1002xf32, #tpu.memory_space<vmem>>[vector<16xi32>, vector<16xi32>], vector<16xf32>,
      %mul3A_155 = arith.constant 5.000000e-01 : f32
      %mul3A_156 = vector.broadcast %mul3A_155 : f32 to vector<16xf32>
      %mul3A_157 = arith.mulf %gather3A_154, %mul3A_156 : vector<16xf32>
      %swap3A_158 = arith.constant 0 : i32
      %swap3A_159 = arith.index_cast %swap3A_158 : i32 to index
      %swap3A_160 = arith.index_cast %add3A_149 : i32 to index
      %swap3A_161 = tpu.vector_load %arg12[%swap3A_159, %swap3A_160] {strides = array<i32>} : memref<1x8192xf32, #tpu.memory_space<vmem>>, vector<16xf32>,
      tpu.vector_store %arg12[%swap3A_159, %swap3A_160], %mul3A_157 {strides = array<i32>} : memref<1x8192xf32, #tpu.memory_space<vmem>>, vector<16xf32>,
      %mul3A_162 = arith.constant 8 : i32
      %mul3A_163 = arith.muli %scan3A_109, %mul3A_162 : i32
      %mul3A_164 = arith.constant 16 : i32
      %mul3A_165 = arith.muli %mul3A_163, %mul3A_164 : i32
      %add3A_166 = arith.constant 48 : i32
      %add3A_167 = arith.addi %mul3A_165, %add3A_166 : i32
      %add3A_168 = arith.constant 8192 : i32
      %add3A_169 = arith.addi %add3A_168, %add3A_167 : i32
      %get3A_170 = arith.index_cast %add3A_169 : i32 to index
      %get3A_171 = tpu.vector_load %arg11[%get3A_170] {strides = array<i32>} : memref<16384xi32, #tpu.memory_space<vmem>>, vector<16xi32>,
      %gather3A_172 = tpu.vector_load_idx %arg14[%broadcast_in_dim3A_11, %get3A_171] : memref<1x1002xf32, #tpu.memory_space<vmem>>[vector<16xi32>, vector<16xi32>], vector<16xf32>,
      %mul3A_173 = arith.constant 5.000000e-01 : f32
      %mul3A_174 = vector.broadcast %mul3A_173 : f32 to vector<16xf32>
      %mul3A_175 = arith.mulf %gather3A_172, %mul3A_174 : vector<16xf32>
      %swap3A_176 = arith.constant 0 : i32
      %swap3A_177 = arith.index_cast %swap3A_176 : i32 to index
      %swap3A_178 = arith.index_cast %add3A_167 : i32 to index
      %swap3A_179 = tpu.vector_load %arg12[%swap3A_177, %swap3A_178] {strides = array<i32>} : memref<1x8192xf32, #tpu.memory_space<vmem>>, vector<16xf32>,
      tpu.vector_store %arg12[%swap3A_177, %swap3A_178], %mul3A_175 {strides = array<i32>} : memref<1x8192xf32, #tpu.memory_space<vmem>>, vector<16xf32>,
      %mul3A_180 = arith.constant 8 : i32
      %mul3A_181 = arith.muli %scan3A_109, %mul3A_180 : i32
      %mul3A_182 = arith.constant 16 : i32
      %mul3A_183 = arith.muli %mul3A_181, %mul3A_182 : i32
      %add3A_184 = arith.constant 64 : i32
      %add3A_185 = arith.addi %mul3A_183, %add3A_184 : i32
      %add3A_186 = arith.constant 8192 : i32
      %add3A_187 = arith.addi %add3A_186, %add3A_185 : i32
      %get3A_188 = arith.index_cast %add3A_187 : i32 to index
      %get3A_189 = tpu.vector_load %arg11[%get3A_188] {strides = array<i32>} : memref<16384xi32, #tpu.memory_space<vmem>>, vector<16xi32>,
      %gather3A_190 = tpu.vector_load_idx %arg14[%broadcast_in_dim3A_11, %get3A_189] : memref<1x1002xf32, #tpu.memory_space<vmem>>[vector<16xi32>, vector<16xi32>], vector<16xf32>,
      %mul3A_191 = arith.constant 5.000000e-01 : f32
      %mul3A_192 = vector.broadcast %mul3A_191 : f32 to vector<16xf32>
      %mul3A_193 = arith.mulf %gather3A_190, %mul3A_192 : vector<16xf32>
      %swap3A_194 = arith.constant 0 : i32
      %swap3A_195 = arith.index_cast %swap3A_194 : i32 to index
      %swap3A_196 = arith.index_cast %add3A_185 : i32 to index
      %swap3A_197 = tpu.vector_load %arg12[%swap3A_195, %swap3A_196] {strides = array<i32>} : memref<1x8192xf32, #tpu.memory_space<vmem>>, vector<16xf32>,
      tpu.vector_store %arg12[%swap3A_195, %swap3A_196], %mul3A_193 {strides = array<i32>} : memref<1x8192xf32, #tpu.memory_space<vmem>>, vector<16xf32>,
      %mul3A_198 = arith.constant 8 : i32
      %mul3A_199 = arith.muli %scan3A_109, %mul3A_198 : i32
      %mul3A_200 = arith.constant 16 : i32
      %mul3A_201 = arith.muli %mul3A_199, %mul3A_200 : i32
      %add3A_202 = arith.constant 80 : i32
      %add3A_203 = arith.addi %mul3A_201, %add3A_202 : i32
      %add3A_204 = arith.constant 8192 : i32
      %add3A_205 = arith.addi %add3A_204, %add3A_203 : i32
      %get3A_206 = arith.index_cast %add3A_205 : i32 to index
      %get3A_207 = tpu.vector_load %arg11[%get3A_206] {strides = array<i32>} : memref<16384xi32, #tpu.memory_space<vmem>>, vector<16xi32>,
      %gather3A_208 = tpu.vector_load_idx %arg14[%broadcast_in_dim3A_11, %get3A_207] : memref<1x1002xf32, #tpu.memory_space<vmem>>[vector<16xi32>, vector<16xi32>], vector<16xf32>,
      %mul3A_209 = arith.constant 5.000000e-01 : f32
      %mul3A_210 = vector.broadcast %mul3A_209 : f32 to vector<16xf32>
      %mul3A_211 = arith.mulf %gather3A_208, %mul3A_210 : vector<16xf32>
      %swap3A_212 = arith.constant 0 : i32
      %swap3A_213 = arith.index_cast %swap3A_212 : i32 to index
      %swap3A_214 = arith.index_cast %add3A_203 : i32 to index
      %swap3A_215 = tpu.vector_load %arg12[%swap3A_213, %swap3A_214] {strides = array<i32>} : memref<1x8192xf32, #tpu.memory_space<vmem>>, vector<16xf32>,
      tpu.vector_store %arg12[%swap3A_213, %swap3A_214], %mul3A_211 {strides = array<i32>} : memref<1x8192xf32, #tpu.memory_space<vmem>>, vector<16xf32>,
      %mul3A_216 = arith.constant 8 : i32
      %mul3A_217 = arith.muli %scan3A_109, %mul3A_216 : i32
      %mul3A_218 = arith.constant 16 : i32
      %mul3A_219 = arith.muli %mul3A_217, %mul3A_218 : i32
      %add3A_220 = arith.constant 96 : i32
      %add3A_221 = arith.addi %mul3A_219, %add3A_220 : i32
      %add3A_222 = arith.constant 8192 : i32
      %add3A_223 = arith.addi %add3A_222, %add3A_221 : i32
      %get3A_224 = arith.index_cast %add3A_223 : i32 to index
      %get3A_225 = tpu.vector_load %arg11[%get3A_224] {strides = array<i32>} : memref<16384xi32, #tpu.memory_space<vmem>>, vector<16xi32>,
      %gather3A_226 = tpu.vector_load_idx %arg14[%broadcast_in_dim3A_11, %get3A_225] : memref<1x1002xf32, #tpu.memory_space<vmem>>[vector<16xi32>, vector<16xi32>], vector<16xf32>,
      %mul3A_227 = arith.constant 5.000000e-01 : f32
      %mul3A_228 = vector.broadcast %mul3A_227 : f32 to vector<16xf32>
      %mul3A_229 = arith.mulf %gather3A_226, %mul3A_228 : vector<16xf32>
      %swap3A_230 = arith.constant 0 : i32
      %swap3A_231 = arith.index_cast %swap3A_230 : i32 to index
      %swap3A_232 = arith.index_cast %add3A_221 : i32 to index
      %swap3A_233 = tpu.vector_load %arg12[%swap3A_231, %swap3A_232] {strides = array<i32>} : memref<1x8192xf32, #tpu.memory_space<vmem>>, vector<16xf32>,
      tpu.vector_store %arg12[%swap3A_231, %swap3A_232], %mul3A_229 {strides = array<i32>} : memref<1x8192xf32, #tpu.memory_space<vmem>>, vector<16xf32>,
      %mul3A_234 = arith.constant 8 : i32
      %mul3A_235 = arith.muli %scan3A_109, %mul3A_234 : i32
      %mul3A_236 = arith.constant 16 : i32
      %mul3A_237 = arith.muli %mul3A_235, %mul3A_236 : i32
      %add3A_238 = arith.constant 112 : i32
      %add3A_239 = arith.addi %mul3A_237, %add3A_238 : i32
      %add3A_240 = arith.constant 8192 : i32
      %add3A_241 = arith.addi %add3A_240, %add3A_239 : i32
      %get3A_242 = arith.index_cast %add3A_241 : i32 to index
      %get3A_243 = tpu.vector_load %arg11[%get3A_242] {strides = array<i32>} : memref<16384xi32, #tpu.memory_space<vmem>>, vector<16xi32>,
      %gather3A_244 = tpu.vector_load_idx %arg14[%broadcast_in_dim3A_11, %get3A_243] : memref<1x1002xf32, #tpu.memory_space<vmem>>[vector<16xi32>, vector<16xi32>], vector<16xf32>,
      %mul3A_245 = arith.constant 5.000000e-01 : f32
      %mul3A_246 = vector.broadcast %mul3A_245 : f32 to vector<16xf32>
      %mul3A_247 = arith.mulf %gather3A_244, %mul3A_246 : vector<16xf32>
      %swap3A_248 = arith.constant 0 : i32
      %swap3A_249 = arith.index_cast %swap3A_248 : i32 to index
      %swap3A_250 = arith.index_cast %add3A_239 : i32 to index
      %swap3A_251 = tpu.vector_load %arg12[%swap3A_249, %swap3A_250] {strides = array<i32>} : memref<1x8192xf32, #tpu.memory_space<vmem>>, vector<16xf32>,
      tpu.vector_store %arg12[%swap3A_249, %swap3A_250], %mul3A_247 {strides = array<i32>} : memref<1x8192xf32, #tpu.memory_space<vmem>>, vector<16xf32>,
    }
    %scan3A_100 = arith.constant 64 : i32
    %dma_start3A_101 = arith.constant 8192 : i32
    %dma_start3A_102 = tpu.memref_slice %arg10[%add3A_78, %dma_start3A_101] : memref<97x16384xf32, #tpu.memory_space<hbm>> -> memref<1x8192xf32, #tpu.memory_space<hbm>>
    %dma_start3A_103 = arith.constant 8192 : i32
    %dma_start3A_104 = tpu.memref_slice %arg10[%add3A_78, %dma_start3A_103] : memref<97x16384xf32, #tpu.memory_space<hbm>> -> memref<1x8192xf32, #tpu.memory_space<hbm>>
    tpu.enqueue_dma source(%arg12 : memref<1x8192xf32, #tpu.memory_space<vmem>>) target(%dma_start3A_104 : memref<1x8192xf32, #tpu.memory_space<hbm>>) target_semaphore(%arg18 : memref<!tpu.dma_semaphore, #tpu.memory_space<semaphore_mem>>)
    %dma_wait3A_105 = arith.constant 8192 : i32
    %dma_wait3A_106 = tpu.memref_slice %arg10[%add3A_78, %dma_wait3A_105] : memref<97x16384xf32, #tpu.memory_space<hbm>> -> memref<1x8192xf32, #tpu.memory_space<hbm>>
    %dma_wait3A_107 = arith.constant 8192 : i32
    %dma_wait3A_108 = tpu.memref_slice %arg10[%add3A_78, %dma_wait3A_107] : memref<97x16384xf32, #tpu.memory_space<hbm>> -> memref<1x8192xf32, #tpu.memory_space<hbm>>
    tpu.wait_dma2 semaphore(%arg18 : memref<!tpu.dma_semaphore, #tpu.memory_space<semaphore_mem>>) src(%arg12 : memref<1x8192xf32, #tpu.memory_space<vmem>>) dst(%dma_wait3A_108 : memref<1x8192xf32, #tpu.memory_space<hbm>>)
    return
  }
}

</mosaic_0001>

<sc_bundles>
// kernel: kernel.3.cloned.1.call-start
scs
__scs_entry_jumppad:
0x0: {  	(pc) =	sbr.rel $0x88, $3  }
0x1: {  	(tag) =	ssettag $0x0;
	lr =	simm.s32 $0x1  }
0x2: {  	[smem:$0x3F98] =	sst lr;
	_ =	strace $0xD0000000  }
0x3: {  	_ = 	snop  }
0x4: {  	_ = 	snop  }
0x5: {  	_ = 	snop  }
0x6: {  	_ = 	snop  }
0x7: {  	_ = 	snop  }
__scs_overlays_trampoline_lowered:
0x8: {  	[smem:$0x3FA7] =	sst s0  }
0x9: {  	[smem:$0x3FA8] =	sst s1  }
0xa: {  	[smem:$0x3FA9] =	sst s2  }
0xb: {  	[smem:$0x3FAA] =	sst s3  }
0xc: {  	[smem:$0x3FAB] =	sst s4  }
0xd: {  	[smem:$0x3FAC] =	sst s5  }
0xe: {  	[smem:$0x3FAD] =	sst s6  }
0xf: {  	[smem:$0x3FAE] =	sst s7  }
0x10: {  	[smem:$0x3FAF] =	sst s8  }
0x11: {  	[smem:$0x3FB0] =	sst s9;
	s0 =	simm.s32 @!p0 $0x0  }
0x12: {  	s1 =	sld [smem:$0x3F96];
	s0 =	simm.s32 @p0 $0x1  }
0x13: {  	[smem:$0x3FB1] =	sst s0;
	s0 =	simm.s32 @!p1 $0x0  }
0x14: {  	s2 =	sld [smem:$0x3F95];
	s0 =	simm.s32 @p1 $0x1  }
0x15: {  	[smem:$0x3FB2] =	sst s0;
	s0 =	simm.s32 @!p2 $0x0  }
0x16: {  	s3 =	sld [smem:$0x3FDB];
	s0 =	simm.s32 @p2 $0x1  }
0x17: {  	s4 =	simm.s32 $0x1BF5;
	[smem:$0x3FB4] =	sst s0  }
0x18: {  	s0 =	sld [smem:$0x3F97];
	_ =	swait.ge [sflag:s4], $0x0  }
0x19: {  	s7 =	sld [smem:$0x3F98]  }
0x1a: {  	s8 =	sadd.s32 $0xFFFFE003, lr  }
0x1b: {  	s9 =	sadd.s32 $0xFFFFFEF7, lr;
	s5 =	simm.s32 $0xFFFFFFFF;
	p2 =	slt.u32 s8, $0xFFFFF086  }
0x1c: {  	p1 =	slt.u32 s9, $0xF7A;
	s5 =	simm.s32 @!p2 $0x0  }
0x1d: {  	s5 =	simm.s32 @p1 $0x1;
	p0 =	seq.s32 s7, s2  }
0x1e: {  	s7 =	smul.u32 @!p0 $0xF7A, s2;
	p2 =	seq.s32 @!p0 s5, $0x0  }
0x1f: {  	s9 =	smul.u32 $0xF7A, s1;
	s8 =	simm.s32 @!p0 $0x1BF5;
	p2 =	por !p2, p0  }
0x20: {  	[sflag:s8] =	ssyncset.s32 @!p0 $0xFFFFF086;
	s6 =	sadd.s32 @!p0 s3, s7;
	s7 =	simm.s32 @!p0 $0x108  }
0x21: {  	s3 =	sadd.s32 s3, s9;
	s6 =	sadd.s32 @!p0 $0x88, s6;
	s7 =	simm.s32 @p2 $0x1082  }
0x22: {  	[simem:s7], [sflag:s8] =	dma.local @!p0 [hbm:s6], $0xF7A  }
0x23: {  	s9 =	sor.u32 $0xD0000000, s2;
	s6 =	simm.s32 $0x108;
	_ =	swait.ge @!p0 [sflag:s8], $0x0  }
0x24: {  	s3 =	sadd.s32 $0x88, s3;
	s6 =	simm.s32 @!p1 $0x1082;
	[sflag:s4] =	ssyncset.s32 $0xFFFFF086  }
0x25: {  	[simem:s6], [sflag:s4] =	dma.local [hbm:s3], $0xF7A  }
0x26: {  	[smem:$0x3F98] =	sst s1;
	(tag) =	ssettag s2;
	_ =	strace s9  }
0x27: {  	s1 =	sld [smem:$0x3FA8]  }
0x28: {  	s2 =	sld [smem:$0x3FA9]  }
0x29: {  	s4 =	sld [smem:$0x3FAB]  }
0x2a: {  	p0 =	seq.s32 s5, $0x0;
	s5 =	sld [smem:$0x3FAC]  }
0x2b: {  	s6 =	sld [smem:$0x3FAD]  }
0x2c: {  	s7 =	sld [smem:$0x3FAE]  }
0x2d: {  	s3 =	simm.s32 $0x108;
	s8 =	sld [smem:$0x3FAF]  }
0x2e: {  	s3 =	simm.s32 @!p0 $0x1082;
	s9 =	sld [smem:$0x3FB0]  }
0x2f: {  	lr =	sadd.s32 s0, s3;
	s0 =	sld [smem:$0x3FA7]  }
0x30: {  	s3 =	sld [smem:$0x3FAA]  }
0x31: {  	[smem:$0x3FB3] =	sst s10  }
0x32: {  	s10 =	sld [smem:$0x3FB1];
	_ =	sdelay $0x3  }
0x33: {  	p0 =	seq.s32 s10, $0x1;
	s10 =	sld [smem:$0x3FB3];
	_ =	sdelay $0x3  }
0x34: {  	[smem:$0x3FB3] =	sst s10  }
0x35: {  	s10 =	sld [smem:$0x3FB2];
	_ =	sdelay $0x3  }
0x36: {  	p1 =	seq.s32 s10, $0x1;
	s10 =	sld [smem:$0x3FB3];
	_ =	sdelay $0x3  }
0x37: {  	[smem:$0x3FB3] =	sst s10  }
0x38: {  	s10 =	sld [smem:$0x3FB4]  }
0x39: {  	_ = 	snop;
	(pc) =	sbr.ind lr, $3  }
0x3a: {  	_ = 	snop  }
0x3b: {  	_ = 	snop  }
0x3c: {  	p2 =	seq.s32 s10, $0x1;
	s10 =	sld [smem:$0x3FB3]  }
0x3d: {  	_ =	shalt  }
0x3e: {  	_ =	shalt  }
0x3f: {  	_ =	shalt  }
0x40: {  	_ =	shalt  }
0x41: {  	_ =	shalt  }
0x42: {  	_ =	shalt  }
0x43: {  	_ =	shalt  }
0x44: {  	_ =	shalt  }
0x45: {  	_ =	shalt  }
0x46: {  	_ =	shalt  }
0x47: {  	_ =	shalt  }
0x48: {  	_ =	shalt  }
0x49: {  	_ =	shalt  }
0x4a: {  	_ =	shalt  }
0x4b: {  	_ =	shalt  }
0x4c: {  	_ =	shalt  }
0x4d: {  	_ =	shalt  }
0x4e: {  	_ =	shalt  }
0x4f: {  	_ =	shalt  }
0x50: {  	_ =	shalt  }
0x51: {  	_ =	shalt  }
0x52: {  	_ =	shalt  }
0x53: {  	_ =	shalt  }
0x54: {  	_ =	shalt  }
0x55: {  	_ =	shalt  }
0x56: {  	_ =	shalt  }
0x57: {  	_ =	shalt  }
0x58: {  	_ =	shalt  }
0x59: {  	_ =	shalt  }
0x5a: {  	_ =	shalt  }
0x5b: {  	_ =	shalt  }
0x5c: {  	_ =	shalt  }
0x5d: {  	_ =	shalt  }
0x5e: {  	_ =	shalt  }
0x5f: {  	_ =	shalt  }
0x60: {  	_ =	shalt  }
0x61: {  	_ =	shalt  }
0x62: {  	_ =	shalt  }
0x63: {  	_ =	shalt  }
0x64: {  	_ =	shalt  }
0x65: {  	_ =	shalt  }
0x66: {  	_ =	shalt  }
0x67: {  	_ =	shalt  }
0x68: {  	_ =	shalt  }
0x69: {  	_ =	shalt  }
0x6a: {  	_ =	shalt  }
0x6b: {  	_ =	shalt  }
0x6c: {  	_ =	shalt  }
0x6d: {  	_ =	shalt  }
0x6e: {  	_ =	shalt  }
0x6f: {  	_ =	shalt  }
0x70: {  	_ =	shalt  }
0x71: {  	_ =	shalt  }
0x72: {  	_ =	shalt  }
0x73: {  	_ =	shalt  }
0x74: {  	_ =	shalt  }
0x75: {  	_ =	shalt  }
0x76: {  	_ =	shalt  }
0x77: {  	_ =	shalt  }
0x78: {  	_ =	shalt  }
0x79: {  	_ =	shalt  }
0x7a: {  	_ =	shalt  }
0x7b: {  	_ =	shalt  }
0x7c: {  	_ =	shalt  }
0x7d: {  	_ =	shalt  }
0x7e: {  	_ =	shalt  }
0x7f: {  	_ =	shalt  }
0x80: {  	_ =	shalt  }
0x81: {  	_ =	shalt  }
0x82: {  	_ =	shalt  }
0x83: {  	_ =	shalt  }
0x84: {  	_ =	shalt  }
0x85: {  	_ =	shalt  }
0x86: {  	_ =	shalt  }
0x87: {  	_ =	shalt  }
.Lfunc_end0:
.L_simem_size_0:
called_computation_lowered:
.L_overlay_start_0:
0x88: {  	s2 =	sld [smem:$0x3FD9]  }
0x89: {  	s3 =	sld [smem:$0x3FFE];
	_ =	sdelay $0x1  }
0x8a: {  	s1 =	srdreg.scid  }
0x8b: {  	s0 =	sand.u32 $0x1, s1  }
0x8c: {  	s17 =	sshll.u32 s0, $0xA;
	s2 =	sadd.s32 s3, s2  }
0x8d: {  	s2 =	sadd.s32 s2, s17  }
0x8e: {  	[smem:$0x3FBF] =	sst s2  }
0x8f: {  	_ = 	snop  }
0x90: {  	s2 =	sld [smem:$0x3FC9]  }
0x91: {  	s18 =	sld [smem:$0x3FC8]  }
0x92: {  	s4 =	sld [smem:$0x3FC7]  }
0x93: {  	s5 =	sld [smem:$0x3FC6]  }
0x94: {  	s6 =	sld [smem:$0x3FC5]  }
0x95: {  	s7 =	sld [smem:$0x3FC4]  }
0x96: {  	s8 =	sld [smem:$0x3FC3]  }
0x97: {  	s9 =	sld [smem:$0x3FD0];
	(tm) =	ssettm $0x1  }
0x98: {  	s10 =	sld [smem:$0x3FFB];
	_ =	sdelay $0x3  }
0x99: {  	_ =	strace s10  }
0x9a: {  	s10 =	sld [smem:$0x3FFC];
	_ =	sdelay $0x3  }
0x9b: {  	_ =	strace s10  }
0x9c: {  	s10 =	sld [smem:$0x3FFD];
	_ =	sdelay $0x3  }
0x9d: {  	_ =	strace s10  }
0x9e: {  	_ =	strace $0x8FFFFFFF  }
0x9f: {  	s19 =	sld [smem:$0x3FDB];
	_ =	sdelay $0x1  }
0xa0: {  	s11 =	simm.s32 $_scs_section_size  }
0xa1: {  	s12 =	simm.s32 $_size__tile_overlayer_lowered;
	s13 =	simm.s32 $_tile_overlayer_lowered  }
0xa2: {  	s22 =	simm.s32 $0x1BFF;
	s21 =	sshll.u32 s13, $0x1;
	s10 =	sadd.s32 s11, s19  }
0xa3: {  	s14 =	simm.s32 $0x0;
	s20 =	sshll.u32 s12, $0x1;
	s12 =	sadd.s32 s21, s10  }
0xa4: {  	[timem:s14], [sflag:s22] =	dma.local [hbm:s12], s20  }
0xa5: {  	_ =	swait.ge [sflag:s22], s20  }
0xa6: {  	s11 =	ssub.s32 $0x0, s20;
	[sflag:s22] =	ssyncset.done $0x0  }
0xa7: {  	[sflag:s22] =	ssyncadd.s32 s11;
	_ =	sdelay $0x1  }
0xa8: {  	s23 =	simm.s32 $0x1B8B  }
0xa9: {  	_ =	swait.ge [sflag:s23], $0x1  }
0xaa: {  	[sflag:s23] =	ssyncset.done $0x0  }
0xab: {  	s25 =	simm.s32 $0x1B8E;
	s24 =	sld [smem:$0x3FFE];
	[sflag:s23] =	ssyncadd.s32 $0xFFFFFFFF  }
0xac: {  	s26 =	simm.s32 $execute0_lowered;
	[smem:$0x3FD2] =	sst s25  }
0xad: {  	s12 =	sshll.u32 s26, $0x1;
	_ =	strace $0x80000046;
	[dreg:$0x1] =	wrdreg $0xFFFFFFFF  }
0xae: {  	s28 =	simm.s32 $_size_execute0_lowered;
	s10 =	sadd.s32 s10, s12;
	[dreg:$0x0] =	wrdreg $0x0  }
0xaf: {  	s12 =	sshll.u32 s28, $0x1;
	[dreg:$0x2] =	wrdreg s10  }
0xb0: {  	[dreg:$0x3] =	wrdreg s12  }
0xb1: {  	[dreg:$0x4] =	wrdreg $0xC0  }
0xb2: {  	_ =	task [dreg:s14], $0x5FFFF  }
0xb3: {  	[dreg:$0x1] =	wrdreg $0xFFFFFFFF  }
0xb4: {  	[dreg:$0x0] =	wrdreg $0x60  }
0xb5: {  	[dreg:$0x2] =	wrdreg s2  }
0xb6: {  	[dreg:$0x3] =	wrdreg s18  }
0xb7: {  	[dreg:$0x4] =	wrdreg s4  }
0xb8: {  	[dreg:$0x5] =	wrdreg s5  }
0xb9: {  	[dreg:$0x6] =	wrdreg s6  }
0xba: {  	[dreg:$0x7] =	wrdreg s7  }
0xbb: {  	[dreg:$0x8] =	wrdreg s8  }
0xbc: {  	[dreg:$0x9] =	wrdreg s24  }
0xbd: {  	[dreg:$0xa] =	wrdreg s9  }
0xbe: {  	[dreg:$0xb] =	wrdreg $0x1EF800  }
0xbf: {  	[dreg:$0xc] =	wrdreg $0x9  }
0xc0: {  	_ =	task.clear_ibuf [dreg:s14], $0xDFFFF;
	_ =	strace $0x90000046  }
0xc1: {  	s29 =	simm.s32 $0x9;
	_ =	strace $0x80000048  }
0xc2: {  	_ =	swait.ge [sflag:s29], $0x1  }
0xc3: {  	[sflag:s29] =	ssyncadd.s32 $0xFFFFFFFF  }
0xc4: {  	_ =	strace $0x90000048  }
0xc5: {  	_ =	sfence  }
0xc6: {  	s30 =	sld [smem:$0x0];
	_ =	sdelay $0x2  }
0xc7: {  	s31 =	sshll.u32 s1, $0xD;
	s1 =	sshrl.u32 s1, $0x2  }
0xc8: {  	s3 =	sand.u32 $0x4000, s31;
	s1 =	sadd.s32 s1, s30  }
0xc9: {  	s0 =	sor.u32 s3, s0;
	s1 =	sshll.u32 s1, $0x11  }
0xca: {  	s0 =	sor.u32 s1, s0  }
0xcb: {  	s0 =	sadd.s32 $0x8F2B, s0  }
0xcc: {  	[sflag:s0] =	ssyncadd.remote.s32 $0x1  }
0xcd: {  	_ =	sfence.sel $0xFFFF  }
0xce: {  	[dreg:$0x0] =	wrdreg $0xFFFFFFFF;
	(pc) =	sbr.abs _section_cstart, $3  }
0xcf: {  	[dreg:$0x1] =	wrdreg $0xFFFFFFFF  }
0xd0: {  	_ =	task.clear_ibuf [dreg:s14], $0x2FFFF;
	_ =	strace $0x9FFFFFFF  }
0xd1: {  	(tm) =	ssettm $0x7FFFFFFF  }
tec
execute0_lowered:
.L_overlay_start_1:
0x0: {  	(tag) =	ssettag $0x1  }
0x1: {  	s0 =	rddreg [dreg:$0x2]  }
0x2: {  	s1 =	rddreg [dreg:$0x3]  }
0x3: {  	s2 =	rddreg [dreg:$0x4]  }
0x4: {  	s3 =	rddreg [dreg:$0x5]  }
0x5: {  	s4 =	rddreg [dreg:$0x7]  }
0x6: {  	s5 =	rddreg [dreg:$0x8]  }
0x7: {  	s13 =	rddreg [dreg:$0x9]  }
0x8: {  	s6 =	simm.s32 $0x0;
	s7 =	srdreg.scid;
	s14 =	stileid.u32  }
0x9: {  	s28 =	simm.s32 $0x1EB00;
	s29 =	simm.s32 $0x3;
	s31 =	simm.s32 $0x2  }
0xa: {  	[smem:$0x7FF] =	sst s6;
	s7 =	sand.u32 $0x1, s7;
	s12 =	sshrl.u32 s14, $0x2  }
0xb: {  	s8 =	sshll.u32 s14, $0x8;
	s4 =	sadd.s32 $0x400, s4;
	s23 =	sshll.u32 s14, $0x7  }
0xc: {  	s25 =	sshll.u32 s14, $0xF;
	s9 =	sshll.u32 s7, $0x7;
	s8 =	sand.u32 $0x300, s8  }
0xd: {  	s10 =	smul.u32 $0xC3800, s12;
	_ =	strace $0x80000047;
	[dreg:$0xb] =	wrdreg s4  }
0xe: {  	s18 =	ssub.s32 $0x2, s7;
	s19 =	sshll.u32 s12, $0xD;
	s24 =	sshll.u32 s12, $0x11  }
0xf: {  	p0 =	sne.s32 s7, $0x0;
	s17 =	sor.u32 s9, s8;
	s11 =	sshrl.u32 s18, $0x1  }
0x10: {  	s9 =	sor.u32 s10, s17;
	s20 =	sor.u32 s19, s17;
	s21 =	ssub.s32 s18, s11  }
0x11: {  	s10 =	sshll.u32 s14, $0xA;
	s11 =	sadd.s32 s0, s23;
	s0 =	sor.u32 s24, s17  }
0x12: {  	s23 =	simm.s32 $0x80;
	s24 =	simm.s32 $0x400;
	s16 =	sshrl.u32 s9, $0x3  }
0x13: {  	s22 =	sshrl.u32 s20, $0x3;
	s12 =	sadd.s32 s10, s13;
	s26 =	sadd.s32 s10, s5  }
0x14: {  	s0 =	sshrl.u32 s0, $0x3;
	s21 =	smax.u32 s21, $0x1;
	s1 =	sadd.s32 s1, s16  }
0x15: {  	s13 =	sadd.s32 $0x30000, s26;
	[dreg:$0xc] =	wrdreg s1;
	s1 =	sadd.s32 s3, s22  }
0x16: {  	s14 =	sadd.s32 s5, s0;
	[dreg:$0xd] =	wrdreg s1;
	s1 =	sand.u32 $0x60000, s25  }
0x17: {  	s16 =	sadd.s32 s2, s16;
	s26 =	simm.s32 $0x1E700;
	s1 =	sor.u32 s1, s17  }
0x18: {  	s2 =	simm.s32 $0x4000;
	s15 =	sadd.s32 $0x2000, s14;
	s30 =	sshrl.u32 s1, $0x3  }
0x19: {  	s25 =	simm.s32 $0x6000;
	s1 =	sor.u32 $0x30, s10;
	s0 =	sadd.s32 s30, s5  }
0x1a: {  	s5 =	simm.s32 $0x1;
	s17 =	sadd.s32 $0x10000, s0;
	s18 =	sadd.s32 $0x12000, s0  }
0x1b: {  	v0 =	vimm.s32 $0x1FF;
	v1 =	vimm.s32 $0x0;
	s19 =	sadd.s32 $0x20000, s0;
	s20 =	sadd.s32 $0x22000, s0;
	s0 =	simm.s32 $0x0  }
.LBB2_1:
0x1c: {  	s3 =	rddreg [dreg:$0xc]  }
0x1d: {  	[tilespmem:s25], [sflag:$0x2] =	stream.strided.gather [hbm4b:s3+s23], $0x18700, s24, s23, $0x38;
	[tilespmem:$0x1F380] =	vst v63  }
0x1e: {  	s9 =	rddreg [dreg:$0xd]  }
0x1f: {  	[tilespmem:s26], [sflag:$0x2] =	stream.strided.gather [hbm4b:s9+s23], $0x400, s24, s23, $0x38;
	[tilespmem:$0x1F380] =	vst v63  }
0x20: {  	s22 =	rddreg [dreg:$0x6]  }
0x21: {  	[tilespmem:s28], [sflag:$0x3] =	stream.linear.gather [hbm4b:s22+s6], $0x400, $0x38;
	[tilespmem:$0x1F380] =	vst v63  }
0x22: {  	_ =	swait.ge [sflag:s29], $0x400  }
0x23: {  	[sflag:s29] =	ssyncset.done $0x0  }
0x24: {  	s4 =	simm.s32 $0x1EF00;
	s30 =	rddreg [dreg:$0xb];
	[sflag:s29] =	ssyncadd.s32 $0xFFFFFC00  }
0x25: {  	[tilespmem:s4], [sflag:$0x3] =	stream.linear.gather [hbm4b:s30+s6], $0x80, $0x38;
	[tilespmem:$0x1F380] =	vst v63  }
0x26: {  	_ =	swait.ge [sflag:s29], $0x80  }
0x27: {  	[sflag:s29] =	ssyncset.done $0x0  }
0x28: {  	[sflag:s29] =	ssyncadd.s32 $0xFFFFFF80  }
0x29: {  	v2 =	vld [tilespmem:$0x1EF00]  }
0x2a: {  	v3 =	vld [tilespmem:$0x1EF10];
	[tilespmem:s10], [sflag:$0x3] =	stream.linear.gather [hbm4b:s11+s6], $0x400, $0x38  }
0x2b: {  	_ =	swait.ge [sflag:s29], $0x400  }
0x2c: {  	s3 =	simm.s32 $0x4000;
	[sflag:s29] =	ssyncset.done $0x0  }
0x2d: {  	s22 =	smov.u32 s1;
	s4 =	simm.s32 $0x0;
	[sflag:s29] =	ssyncadd.s32 $0xFFFFFC00  }
.LBB2_2:
0x2e: {  	s30 =	sadd.s32 s4, s10  }
0x2f: {  	s8 =	sand.u32 $0x40, s4;
	s7 =	sand.u32 $0x3F80, s30  }
0x30: {  	s7 =	sor.u32 s8, s7  }
0x31: {  	v4 =	vld [tilespmem:s7+$0x0]  }
0x32: {  	v5 =	vld [tilespmem:s22+$0xFFFFFFE0]  }
0x33: {  	v8 =	vld.idx.msk [tilespmem:v0+s28+$0x0], $0xffff  }
0x34: {  	v9 =	vld [tilespmem:s22+$0xFFFFFFF0];
	_ =	sdelay $0x1  }
0x35: {  	v7 =	vcvt.s32.f32 v4  }
0x36: {  	v6 =	vcvt.s32.f32 v5;
	v4 =	vld [tilespmem:s22+$0x0]  }
0x37: {  	vm0 =	vle.f32 v8, v7  }
0x38: {  	v5 =	vcvt.s32.f32 v9;
	vm10 =	vle.f32 v8, v6;
	v10 =	vsel vm0, $0x200, v1  }
0x39: {  	v33 =	vsel vm10, $0x200, v1;
	v11 =	vor.u32 $0xFF, v10  }
0x3a: {  	vm11 =	vle.f32 v8, v5;
	v12 =	vor.u32 $0xFF, v33  }
0x3b: {  	v13 =	vsel vm11, $0x200, v1;
	v4 =	vcvt.s32.f32 v4  }
0x3c: {  	v14 =	vor.u32 $0xFF, v13  }
0x3d: {  	vm12 =	vle.f32 v8, v4  }
0x3e: {  	v35 =	vsel vm12, $0x200, v1;
	v34 =	vld.idx.msk [tilespmem:v11+s28+$0x0], $0xffff  }
0x3f: {  	v12 =	vld.idx.msk [tilespmem:v12+s28+$0x0], $0xffff;
	v15 =	vor.u32 $0xFF, v35;
	_ =	sdelay $0x1  }
0x40: {  	v14 =	vld.idx.msk [tilespmem:v14+s28+$0x0], $0xffff;
	_ =	sdelay $0x1  }
0x41: {  	v16 =	vor.u32 $0x100, v10;
	vm13 =	vle.f32 v34, v7  }
0x42: {  	v36 =	vor.u32 $0x100, v33;
	vm14 =	vle.f32 v12, v6;
	v37 =	vld.idx.msk [tilespmem:v15+s28+$0x0], $0xffff;
	v8 =	vsel vm13, v16, v10  }
0x43: {  	v9 =	vsel vm14, v36, v33;
	v38 =	vor.u32 $0x7F, v8  }
0x44: {  	v40 =	vor.u32 $0x100, v13;
	vm15 =	vle.f32 v14, v5;
	v39 =	vor.u32 $0x7F, v9  }
0x45: {  	v13 =	vsel vm15, v40, v13  }
0x46: {  	v41 =	vor.u32 $0x7F, v13  }
0x47: {  	v42 =	vor.u32 $0x100, v35;
	vm4 =	vle.f32 v37, v4  }
0x48: {  	v11 =	vsel vm4, v42, v35;
	v43 =	vld.idx.msk [tilespmem:v38+s28+$0x0], $0xffff  }
0x49: {  	v44 =	vld.idx.msk [tilespmem:v39+s28+$0x0], $0xffff;
	v45 =	vor.u32 $0x7F, v11;
	_ =	sdelay $0x1  }
0x4a: {  	v14 =	vld.idx.msk [tilespmem:v41+s28+$0x0], $0xffff;
	_ =	sdelay $0x1  }
0x4b: {  	v46 =	vor.u32 $0x80, v8;
	vm5 =	vle.f32 v43, v7  }
0x4c: {  	v47 =	vor.u32 $0x80, v9;
	vm6 =	vle.f32 v44, v6;
	v48 =	vld.idx.msk [tilespmem:v45+s28+$0x0], $0xffff;
	v8 =	vsel vm5, v46, v8  }
0x4d: {  	v9 =	vsel vm6, v47, v9;
	v49 =	vor.u32 $0x3F, v8  }
0x4e: {  	v51 =	vor.u32 $0x80, v13;
	vm7 =	vle.f32 v14, v5;
	v50 =	vor.u32 $0x3F, v9  }
0x4f: {  	v13 =	vsel vm7, v51, v13  }
0x50: {  	v52 =	vor.u32 $0x3F, v13  }
0x51: {  	v53 =	vor.u32 $0x80, v11;
	vm8 =	vle.f32 v48, v4  }
0x52: {  	v11 =	vsel vm8, v53, v11;
	v54 =	vld.idx.msk [tilespmem:v49+s28+$0x0], $0xffff  }
0x53: {  	v55 =	vld.idx.msk [tilespmem:v50+s28+$0x0], $0xffff;
	v56 =	vor.u32 $0x3F, v11;
	_ =	sdelay $0x1  }
0x54: {  	v14 =	vld.idx.msk [tilespmem:v52+s28+$0x0], $0xffff;
	_ =	sdelay $0x1  }
0x55: {  	v57 =	vor.u32 $0x40, v8;
	vm9 =	vle.f32 v54, v7  }
0x56: {  	v58 =	vor.u32 $0x40, v9;
	vm10 =	vle.f32 v55, v6;
	v59 =	vld.idx.msk [tilespmem:v56+s28+$0x0], $0xffff;
	v8 =	vsel vm9, v57, v8  }
0x57: {  	v61 =	vor.u32 $0x40, v13;
	v9 =	vsel vm10, v58, v9;
	v60 =	vadd.s32 $0x20, v8  }
0x58: {  	vm11 =	vle.f32 v14, v5;
	v17 =	vadd.s32 $0x20, v9;
	v62 =	vmin.u32 v60, $0x3E8  }
0x59: {  	v13 =	vsel vm11, v61, v13;
	v20 =	vmin.u32 v17, $0x3E8;
	v63 =	vadd.s32 $0xFFFFFFFF, v62  }
0x5a: {  	v22 =	vadd.s32 $0x20, v13;
	v21 =	vadd.s32 $0xFFFFFFFF, v20  }
0x5b: {  	v18 =	vor.u32 $0x40, v11;
	v23 =	vmin.u32 v22, $0x3E8;
	vm12 =	vle.f32 v59, v4  }
0x5c: {  	v10 =	vadd.s32 $0xFFFFFFFF, v23;
	v11 =	vsel vm12, v18, v11  }
0x5d: {  	v18 =	vadd.s32 $0x20, v11  }
0x5e: {  	v19 =	vmin.u32 v18, $0x3E8;
	v14 =	vld.idx.msk [tilespmem:v63+s28+$0x0], $0xffff  }
0x5f: {  	v15 =	vld.idx.msk [tilespmem:v21+s28+$0x0], $0xffff;
	v19 =	vadd.s32 $0xFFFFFFFF, v19;
	_ =	sdelay $0x1  }
0x60: {  	v10 =	vld.idx.msk [tilespmem:v10+s28+$0x0], $0xffff;
	_ =	sdelay $0x1  }
0x61: {  	vm14 =	vlt.u32 v9, $0x3C9;
	vm13 =	vlt.u32 v8, $0x3C9;
	vm1 =	vle.f32 v14, v7  }
0x62: {  	vm4 =	vlt.u32 v13, $0x3C9;
	vm2 =	vle.f32 v15, v6;
	v24 =	vld.idx.msk [tilespmem:v19+s28+$0x0], $0xffff;
	vm0 =	vmand vm13, vm1  }
0x63: {  	vm6 =	vlt.u32 v11, $0x3C9;
	vm15 =	vmand vm14, vm2;
	v8 =	vsel vm0, v60, v8  }
0x64: {  	vm5 =	vle.f32 v10, v5;
	v9 =	vsel vm15, v17, v9;
	v25 =	vadd.s32 $0x10, v8  }
0x65: {  	v27 =	vadd.s32 $0x10, v9;
	vm0 =	vmand vm4, vm5;
	v26 =	vmin.u32 v25, $0x3E8  }
0x66: {  	v28 =	vmin.u32 v27, $0x3E8;
	v13 =	vsel vm0, v22, v13;
	v10 =	vadd.s32 $0xFFFFFFFF, v26  }
0x67: {  	v29 =	vadd.s32 $0xFFFFFFFF, v28;
	v30 =	vadd.s32 $0x10, v13;
	vm7 =	vle.f32 v24, v4  }
0x68: {  	v31 =	vmin.u32 v30, $0x3E8;
	vm0 =	vmand vm6, vm7  }
0x69: {  	v17 =	vadd.s32 $0xFFFFFFFF, v31;
	v11 =	vsel vm0, v18, v11  }
0x6a: {  	v18 =	vadd.s32 $0x10, v11  }
0x6b: {  	v32 =	vmin.u32 v18, $0x3E8;
	v10 =	vld.idx.msk [tilespmem:v10+s28+$0x0], $0xffff  }
0x6c: {  	v16 =	vld.idx.msk [tilespmem:v29+s28+$0x0], $0xffff;
	v19 =	vadd.s32 $0xFFFFFFFF, v32;
	_ =	sdelay $0x1  }
0x6d: {  	v17 =	vld.idx.msk [tilespmem:v17+s28+$0x0], $0xffff;
	_ =	sdelay $0x1  }
0x6e: {  	vm10 =	vlt.u32 v9, $0x3D9;
	vm8 =	vlt.u32 v8, $0x3D9;
	vm9 =	vle.f32 v10, v7  }
0x6f: {  	vm13 =	vlt.u32 v13, $0x3D9;
	vm11 =	vle.f32 v16, v6;
	v33 =	vld.idx.msk [tilespmem:v19+s28+$0x0], $0xffff;
	vm0 =	vmand vm8, vm9  }
0x70: {  	vm15 =	vlt.u32 v11, $0x3D9;
	vm12 =	vmand vm10, vm11;
	v8 =	vsel vm0, v25, v8  }
0x71: {  	v9 =	vsel vm12, v27, v9;
	vm14 =	vle.f32 v17, v5;
	v14 =	vadd.s32 $0x8, v8  }
0x72: {  	v35 =	vadd.s32 $0x8, v9;
	vm0 =	vmand vm13, vm14;
	v34 =	vmin.u32 v14, $0x3E8  }
0x73: {  	v36 =	vmin.u32 v35, $0x3E8;
	v12 =	vsel vm0, v30, v13;
	v15 =	vadd.s32 $0xFFFFFFFF, v34  }
0x74: {  	v37 =	vadd.s32 $0xFFFFFFFF, v36;
	v38 =	vadd.s32 $0x8, v12;
	vm4 =	vle.f32 v33, v4  }
0x75: {  	v39 =	vmin.u32 v38, $0x3E8;
	vm0 =	vmand vm15, vm4  }
0x76: {  	v17 =	vadd.s32 $0xFFFFFFFF, v39;
	v11 =	vsel vm0, v18, v11  }
0x77: {  	v18 =	vadd.s32 $0x8, v11  }
0x78: {  	v40 =	vmin.u32 v18, $0x3E8;
	v15 =	vld.idx.msk [tilespmem:v15+s28+$0x0], $0xffff  }
0x79: {  	v13 =	vld.idx.msk [tilespmem:v37+s28+$0x0], $0xffff;
	v19 =	vadd.s32 $0xFFFFFFFF, v40;
	_ =	sdelay $0x1  }
0x7a: {  	v17 =	vld.idx.msk [tilespmem:v17+s28+$0x0], $0xffff;
	_ =	sdelay $0x1  }
0x7b: {  	vm7 =	vlt.u32 v9, $0x3E1;
	vm5 =	vlt.u32 v8, $0x3E1;
	vm6 =	vle.f32 v15, v7  }
0x7c: {  	vm10 =	vlt.u32 v12, $0x3E1;
	vm8 =	vle.f32 v13, v6;
	v41 =	vld.idx.msk [tilespmem:v19+s28+$0x0], $0xffff;
	vm0 =	vmand vm5, vm6  }
0x7d: {  	vm12 =	vlt.u32 v11, $0x3E1;
	vm9 =	vmand vm7, vm8;
	v8 =	vsel vm0, v14, v8  }
0x7e: {  	v9 =	vsel vm9, v35, v9;
	vm11 =	vle.f32 v17, v5;
	v14 =	vadd.s32 $0x4, v8  }
0x7f: {  	v16 =	vadd.s32 $0x4, v9;
	vm0 =	vmand vm10, vm11;
	v42 =	vmin.u32 v14, $0x3E8  }
0x80: {  	v43 =	vmin.u32 v16, $0x3E8;
	v10 =	vsel vm0, v38, v12;
	v15 =	vadd.s32 $0xFFFFFFFF, v42  }
0x81: {  	v44 =	vadd.s32 $0xFFFFFFFF, v43;
	v45 =	vadd.s32 $0x4, v10;
	vm13 =	vle.f32 v41, v4  }
0x82: {  	v46 =	vmin.u32 v45, $0x3E8;
	vm0 =	vmand vm12, vm13  }
0x83: {  	v17 =	vadd.s32 $0xFFFFFFFF, v46;
	v11 =	vsel vm0, v18, v11  }
0x84: {  	v18 =	vadd.s32 $0x4, v11  }
0x85: {  	v47 =	vmin.u32 v18, $0x3E8;
	v15 =	vld.idx.msk [tilespmem:v15+s28+$0x0], $0xffff  }
0x86: {  	v12 =	vld.idx.msk [tilespmem:v44+s28+$0x0], $0xffff;
	v19 =	vadd.s32 $0xFFFFFFFF, v47;
	_ =	sdelay $0x1  }
0x87: {  	v17 =	vld.idx.msk [tilespmem:v17+s28+$0x0], $0xffff;
	_ =	sdelay $0x1  }
0x88: {  	vm4 =	vlt.u32 v9, $0x3E5;
	vm14 =	vlt.u32 v8, $0x3E5;
	vm15 =	vle.f32 v15, v7  }
0x89: {  	vm7 =	vlt.u32 v10, $0x3E5;
	vm5 =	vle.f32 v12, v6;
	v48 =	vld.idx.msk [tilespmem:v19+s28+$0x0], $0xffff;
	vm0 =	vmand vm14, vm15  }
0x8a: {  	vm9 =	vlt.u32 v11, $0x3E5;
	vm6 =	vmand vm4, vm5;
	v8 =	vsel vm0, v14, v8  }
0x8b: {  	v9 =	vsel vm6, v16, v9;
	vm8 =	vle.f32 v17, v5;
	v14 =	vadd.s32 $0x2, v8  }
0x8c: {  	v16 =	vadd.s32 $0x2, v9;
	vm0 =	vmand vm7, vm8;
	v49 =	vmin.u32 v14, $0x3E8  }
0x8d: {  	v50 =	vmin.u32 v16, $0x3E8;
	v10 =	vsel vm0, v45, v10;
	v15 =	vadd.s32 $0xFFFFFFFF, v49  }
0x8e: {  	v51 =	vadd.s32 $0xFFFFFFFF, v50;
	v52 =	vadd.s32 $0x2, v10;
	vm10 =	vle.f32 v48, v4  }
0x8f: {  	v53 =	vmin.u32 v52, $0x3E8;
	vm0 =	vmand vm9, vm10  }
0x90: {  	v17 =	vadd.s32 $0xFFFFFFFF, v53;
	v11 =	vsel vm0, v18, v11  }
0x91: {  	v18 =	vadd.s32 $0x2, v11  }
0x92: {  	v54 =	vmin.u32 v18, $0x3E8;
	v15 =	vld.idx.msk [tilespmem:v15+s28+$0x0], $0xffff  }
0x93: {  	v13 =	vld.idx.msk [tilespmem:v51+s28+$0x0], $0xffff;
	v19 =	vadd.s32 $0xFFFFFFFF, v54;
	_ =	sdelay $0x1  }
0x94: {  	v17 =	vld.idx.msk [tilespmem:v17+s28+$0x0], $0xffff;
	_ =	sdelay $0x1  }
0x95: {  	vm13 =	vlt.u32 v9, $0x3E7;
	vm11 =	vlt.u32 v8, $0x3E7;
	vm12 =	vle.f32 v15, v7  }
0x96: {  	vm4 =	vlt.u32 v10, $0x3E7;
	vm14 =	vle.f32 v13, v6;
	v55 =	vld.idx.msk [tilespmem:v19+s28+$0x0], $0xffff;
	vm0 =	vmand vm11, vm12  }
0x97: {  	vm6 =	vlt.u32 v11, $0x3E7;
	vm15 =	vmand vm13, vm14;
	v8 =	vsel vm0, v14, v8  }
0x98: {  	v9 =	vsel vm15, v16, v9;
	vm5 =	vle.f32 v17, v5;
	v14 =	vadd.s32 $0x1, v8  }
0x99: {  	v16 =	vadd.s32 $0x1, v9;
	vm0 =	vmand vm4, vm5;
	v56 =	vmin.u32 v14, $0x3E8  }
0x9a: {  	v57 =	vmin.u32 v16, $0x3E8;
	v10 =	vsel vm0, v52, v10;
	v15 =	vadd.s32 $0xFFFFFFFF, v56  }
0x9b: {  	v12 =	vadd.s32 $0xFFFFFFFF, v57;
	v58 =	vadd.s32 $0x1, v10;
	vm7 =	vle.f32 v55, v4  }
0x9c: {  	v59 =	vmin.u32 v58, $0x3E8;
	vm0 =	vmand vm6, vm7  }
0x9d: {  	v17 =	vadd.s32 $0xFFFFFFFF, v59;
	v11 =	vsel vm0, v18, v11  }
0x9e: {  	v18 =	vadd.s32 $0x1, v11  }
0x9f: {  	v60 =	vmin.u32 v18, $0x3E8;
	v15 =	vld.idx.msk [tilespmem:v15+s28+$0x0], $0xffff  }
0xa0: {  	v12 =	vld.idx.msk [tilespmem:v12+s28+$0x0], $0xffff;
	v19 =	vadd.s32 $0xFFFFFFFF, v60;
	_ =	sdelay $0x1  }
0xa1: {  	v17 =	vld.idx.msk [tilespmem:v17+s28+$0x0], $0xffff;
	_ =	sdelay $0x1  }
0xa2: {  	vm9 =	vlt.u32 v8, $0x3E8;
	vm8 =	vle.f32 v15, v7;
	v7 =	vsub.f32 v7, v2  }
0xa3: {  	vm11 =	vlt.u32 v9, $0x3E8;
	vm10 =	vle.f32 v12, v6;
	v61 =	vld.idx.msk [tilespmem:v19+s28+$0x0], $0xffff;
	vm0 =	vmand vm9, vm8  }
0xa4: {  	v6 =	vsub.f32 v6, v2;
	v8 =	vsel vm0, v14, v8;
	v7 =	vmul.f32 v7, v3  }
0xa5: {  	s9 =	sand.u32 $0x380, s4;
	s8 =	sadd.s32 $0x10, s30;
	vm12 =	vle.f32 v17, v5;
	v5 =	vsub.f32 v5, v2;
	vm0 =	vmand vm11, vm10;
	[tilespmem:s7+$0x0] =	vst v8  }
0xa6: {  	vm13 =	vlt.u32 v10, $0x3E8;
	v6 =	vmul.f32 v6, v3;
	v9 =	vsel vm0, v16, v9;
	s7 =	sand.u32 $0x50, s8;
	s8 =	sor.u32 $0x4000, s9;
	[tilespmem:s3+$0x0] =	vst v7  }
0xa7: {  	p1 =	sne.s32 s4, $0x3C0;
	vm14 =	vlt.u32 v11, $0x3E8;
	vm0 =	vmand vm13, vm12;
	s9 =	sadd.s32 $0x20, s30;
	v5 =	vmul.f32 v5, v3;
	s7 =	sor.u32 s7, s8;
	[tilespmem:s22+$0xFFFFFFE0] =	vst v9  }
.Ltmp0:
0xa8: {  	v62 =	vsel vm0, v58, v10;
	s9 =	sand.u32 $0x60, s9;
	vm15 =	vle.f32 v61, v4;
	v4 =	vsub.f32 v4, v2;
	[tilespmem:s7+$0x0] =	vst v6;
	(pc) =	sbr.rel @p1 .LBB2_2-.Ltmp0, $4  }
0xa9: {  	s30 =	sadd.s32 $0x30, s30;
	vm0 =	vmand vm14, vm15;
	s7 =	sor.u32 s9, s8;
	[tilespmem:s22+$0xFFFFFFF0] =	vst v62  }
0xaa: {  	s30 =	sand.u32 $0x70, s30;
	v63 =	vsel vm0, v18, v11;
	v4 =	vmul.f32 v4, v3;
	[tilespmem:s7+$0x0] =	vst v5  }
0xab: {  	s7 =	sor.u32 s30, s8;
	[tilespmem:s22+$0x0] =	vst v63  }
0xac: {  	s4 =	sadd.s32 $0x40, s4;
	s3 =	sadd.s32 $0x40, s3;
	s22 =	sadd.s32 $0x40, s22;
	[tilespmem:s7+$0x0] =	vst v4  }
0xad: {  	[spmem:s12] =	stream.linear.scatter [tilespmem:s10], [sflag:$0x3], $0x400, $0x38;
	[tilespmem:$0x1F380] =	vst v63  }
0xae: {  	_ =	swait.ge [sflag:s29], $0x400  }
0xaf: {  	s3 =	simm.s32 @!p0 $0x80;
	[sflag:s29] =	ssyncset.done $0x0  }
0xb0: {  	s4 =	simm.s32 @!p0 $0x400;
	s7 =	simm.s32 @!p0 $0x4000;
	[sflag:s29] =	ssyncadd.s32 $0xFFFFFC00  }
0xb1: {  	[hbm4b:s13+s3] =	stream.strided.scatter @!p0 [tilespmem:s7], [sflag:$0x3], $0x400, s4, s3, $0x38;
	[tilespmem:$0x1F380] =	vst v63  }
0xb2: {  	s3 =	simm.s32 @!p0 $0x3  }
0xb3: {  	_ =	swait.ge @!p0 [sflag:s3], $0x400  }
0xb4: {  	[sflag:s3] =	ssyncset.done @!p0 $0x0  }
0xb5: {  	[sflag:s3] =	ssyncadd.s32 @!p0 $0xFFFFFC00  }
0xb6: {  	[bflag:$0x0] =	sbarrier.arrive $0xFFFF  }
0xb7: {  	s22 =	simm.s32 $0x0;
	s30 =	rddreg [dreg:$0x0]  }
0xb8: {  	[tilespmem:s22], [sflag:$0x3] =	stream.linear.gather [hbm4b:s30+s22], $0x4000, $0x38;
	[tilespmem:$0x1F380] =	vst v63  }
0xb9: {  	_ =	swait.ge [sflag:s29], $0x4000  }
0xba: {  	[sflag:s29] =	ssyncset.done $0x0  }
0xbb: {  	[sflag:s29] =	ssyncadd.s32 $0xFFFFC000  }
0xbc: {  	_ =	swait.ge [sflag:s31], $0x18700  }
0xbd: {  	[sflag:s31] =	ssyncset.done $0x0  }
0xbe: {  	s3 =	simm.s32 $0x0;
	[sflag:s31] =	ssyncadd.s32 $0xFFFE7900  }
0xbf: {  	v2 =	vld [tilespmem:s3+$0x0];
	_ =	sdelay $0x4  }
0xc0: {  	v2 =	vadd.s32 $0x1, v2  }
0xc1: {  	v3 =	vld [tilespmem:s3+$0x10];
	_ =	sdelay $0x3  }
0xc2: {  	v2 =	vld.idx.msk [tilespmem:v2+s25+$0x0], $0xffff  }
0xc3: {  	v3 =	vadd.s32 $0x1, v3  }
0xc4: {  	v4 =	vld [tilespmem:s3+$0x20];
	_ =	sdelay $0x2  }
0xc5: {  	[tilespmem:s3+$0x4000] =	vst v2  }
0xc6: {  	v2 =	vld.idx.msk [tilespmem:v3+s25+$0x0], $0xffff  }
0xc7: {  	v3 =	vadd.s32 $0x1, v4  }
0xc8: {  	v4 =	vld [tilespmem:s3+$0x30];
	_ =	sdelay $0x2  }
0xc9: {  	[tilespmem:s3+$0x4010] =	vst v2  }
0xca: {  	v2 =	vld.idx.msk [tilespmem:v3+s25+$0x0], $0xffff  }
0xcb: {  	v3 =	vadd.s32 $0x1, v4  }
0xcc: {  	v4 =	vld [tilespmem:s3+$0x40];
	_ =	sdelay $0x2  }
0xcd: {  	[tilespmem:s3+$0x4020] =	vst v2  }
0xce: {  	v2 =	vld.idx.msk [tilespmem:v3+s25+$0x0], $0xffff  }
0xcf: {  	v3 =	vadd.s32 $0x1, v4  }
0xd0: {  	v4 =	vld [tilespmem:s3+$0x50];
	_ =	sdelay $0x2  }
0xd1: {  	[tilespmem:s3+$0x4030] =	vst v2  }
0xd2: {  	v2 =	vld.idx.msk [tilespmem:v3+s25+$0x0], $0xffff  }
0xd3: {  	v3 =	vadd.s32 $0x1, v4  }
0xd4: {  	v4 =	vld [tilespmem:s3+$0x60];
	_ =	sdelay $0x2  }
0xd5: {  	[tilespmem:s3+$0x4040] =	vst v2  }
0xd6: {  	v2 =	vld.idx.msk [tilespmem:v3+s25+$0x0], $0xffff  }
0xd7: {  	v3 =	vadd.s32 $0x1, v4  }
0xd8: {  	v4 =	vld [tilespmem:s3+$0x70];
	_ =	sdelay $0x2  }
0xd9: {  	[tilespmem:s3+$0x4050] =	vst v2  }
0xda: {  	v2 =	vld.idx.msk [tilespmem:v3+s25+$0x0], $0xffff  }
0xdb: {  	v3 =	vadd.s32 $0x1, v4  }
0xdc: {  	s7 =	simm.s32 $0x80;
	s4 =	simm.s32 $0x400  }
.LBB2_4:
0xdd: {  	p1 =	sne.s32 s4, $0x7E00;
	v4 =	vld [tilespmem:s7+$0x0];
	_ =	sdelay $0x1  }
0xde: {  	[tilespmem:s3+$0x4060] =	vst v2  }
0xdf: {  	v2 =	vld.idx.msk [tilespmem:v3+s25+$0x0], $0xffff;
	_ =	sdelay $0x1  }
0xe0: {  	v3 =	vadd.s32 $0x1, v4;
	_ =	sdelay $0x1  }
0xe1: {  	v4 =	vld [tilespmem:s7+$0x10];
	_ =	sdelay $0x1  }
0xe2: {  	[tilespmem:s3+$0x4070] =	vst v2;
	s3 =	smov.u32 s7  }
0xe3: {  	v2 =	vld.idx.msk [tilespmem:v3+s25+$0x0], $0xffff;
	_ =	sdelay $0x1  }
0xe4: {  	v3 =	vadd.s32 $0x1, v4;
	_ =	sdelay $0x1  }
0xe5: {  	v4 =	vld [tilespmem:s3+$0x20];
	_ =	sdelay $0x1  }
0xe6: {  	[tilespmem:s3+$0x4000] =	vst v2  }
0xe7: {  	v2 =	vld.idx.msk [tilespmem:v3+s25+$0x0], $0xffff;
	_ =	sdelay $0x1  }
0xe8: {  	v3 =	vadd.s32 $0x1, v4;
	_ =	sdelay $0x1  }
0xe9: {  	v4 =	vld [tilespmem:s3+$0x30];
	_ =	sdelay $0x1  }
0xea: {  	[tilespmem:s3+$0x4010] =	vst v2  }
0xeb: {  	v2 =	vld.idx.msk [tilespmem:v3+s25+$0x0], $0xffff;
	_ =	sdelay $0x1  }
0xec: {  	v3 =	vadd.s32 $0x1, v4;
	_ =	sdelay $0x1  }
0xed: {  	v4 =	vld [tilespmem:s3+$0x40];
	_ =	sdelay $0x1  }
0xee: {  	[tilespmem:s3+$0x4020] =	vst v2  }
0xef: {  	v2 =	vld.idx.msk [tilespmem:v3+s25+$0x0], $0xffff;
	_ =	sdelay $0x1  }
0xf0: {  	v3 =	vadd.s32 $0x1, v4;
	_ =	sdelay $0x1  }
0xf1: {  	v4 =	vld [tilespmem:s3+$0x50];
	_ =	sdelay $0x1  }
0xf2: {  	[tilespmem:s3+$0x4030] =	vst v2  }
0xf3: {  	v2 =	vld.idx.msk [tilespmem:v3+s25+$0x0], $0xffff;
	_ =	sdelay $0x1  }
0xf4: {  	v3 =	vadd.s32 $0x1, v4;
	_ =	sdelay $0x1  }
0xf5: {  	v4 =	vld [tilespmem:s3+$0x60];
	_ =	sdelay $0x1  }
0xf6: {  	[tilespmem:s3+$0x4040] =	vst v2  }
0xf7: {  	v2 =	vld.idx.msk [tilespmem:v3+s25+$0x0], $0xffff;
	_ =	sdelay $0x1  }
0xf8: {  	v3 =	vadd.s32 $0x1, v4;
	_ =	sdelay $0x1  }
0xf9: {  	v4 =	vld [tilespmem:s3+$0x70];
	_ =	sdelay $0x1  }
.Ltmp1:
0xfa: {  	[tilespmem:s3+$0x4050] =	vst v2;
	(pc) =	sbr.rel @p1 .LBB2_4-.Ltmp1, $3  }
0xfb: {  	v2 =	vld.idx.msk [tilespmem:v3+s25+$0x0], $0xffff;
	_ =	sdelay $0x1  }
0xfc: {  	v3 =	vadd.s32 $0x1, v4  }
0xfd: {  	s7 =	sshra.s32 s4, $0x2;
	s4 =	sadd.s32 $0x200, s4  }
0xfe: {  	v4 =	vld [tilespmem:s7+$0x0];
	_ =	sdelay $0x2  }
0xff: {  	[tilespmem:s3+$0x4060] =	vst v2  }
0x100: {  	v2 =	vld.idx.msk [tilespmem:v3+s25+$0x0], $0xffff  }
0x101: {  	v3 =	vadd.s32 $0x1, v4  }
0x102: {  	v4 =	vld [tilespmem:s7+$0x10];
	_ =	sdelay $0x2  }
0x103: {  	[tilespmem:s3+$0x4070] =	vst v2  }
0x104: {  	v2 =	vld.idx.msk [tilespmem:v3+s25+$0x0], $0xffff  }
0x105: {  	v3 =	vadd.s32 $0x1, v4  }
0x106: {  	v4 =	vld [tilespmem:s7+$0x20];
	_ =	sdelay $0x2  }
0x107: {  	[tilespmem:s7+$0x4000] =	vst v2  }
0x108: {  	v2 =	vld.idx.msk [tilespmem:v3+s25+$0x0], $0xffff  }
0x109: {  	v3 =	vadd.s32 $0x1, v4  }
0x10a: {  	v4 =	vld [tilespmem:s7+$0x30];
	_ =	sdelay $0x2  }
0x10b: {  	[tilespmem:s7+$0x4010] =	vst v2  }
0x10c: {  	v2 =	vld.idx.msk [tilespmem:v3+s25+$0x0], $0xffff  }
0x10d: {  	v3 =	vadd.s32 $0x1, v4  }
0x10e: {  	v4 =	vld [tilespmem:s7+$0x40];
	_ =	sdelay $0x2  }
0x10f: {  	[tilespmem:s7+$0x4020] =	vst v2  }
0x110: {  	v2 =	vld.idx.msk [tilespmem:v3+s25+$0x0], $0xffff  }
0x111: {  	v3 =	vadd.s32 $0x1, v4  }
0x112: {  	v4 =	vld [tilespmem:s7+$0x50];
	_ =	sdelay $0x2  }
0x113: {  	[tilespmem:s7+$0x4030] =	vst v2  }
0x114: {  	v2 =	vld.idx.msk [tilespmem:v3+s25+$0x0], $0xffff  }
0x115: {  	v3 =	vadd.s32 $0x1, v4  }
0x116: {  	v4 =	vld [tilespmem:s7+$0x60];
	_ =	sdelay $0x2  }
0x117: {  	[tilespmem:s7+$0x4040] =	vst v2  }
0x118: {  	v2 =	vld.idx.msk [tilespmem:v3+s25+$0x0], $0xffff  }
0x119: {  	v3 =	vadd.s32 $0x1, v4  }
0x11a: {  	v4 =	vld [tilespmem:s7+$0x70];
	_ =	sdelay $0x2  }
0x11b: {  	[tilespmem:s7+$0x4050] =	vst v2  }
0x11c: {  	v2 =	vld.idx.msk [tilespmem:v3+s25+$0x0], $0xffff  }
0x11d: {  	v3 =	vadd.s32 $0x1, v4;
	_ =	sdelay $0x3  }
0x11e: {  	[tilespmem:s7+$0x4060] =	vst v2  }
0x11f: {  	v2 =	vld.idx.msk [tilespmem:v3+s25+$0x0], $0xffff;
	_ =	sdelay $0x4  }
0x120: {  	[tilespmem:s7+$0x4070] =	vst v2  }
0x121: {  	[hbm4b:s14+s23] =	stream.strided.scatter [tilespmem:s2], [sflag:$0x1], $0x2000, s24, s23, $0x38;
	[tilespmem:$0x1F380] =	vst v63  }
0x122: {  	_ =	swait.ge [sflag:s5], $0x2000  }
0x123: {  	[sflag:s5] =	ssyncset.done $0x0  }
0x124: {  	s3 =	simm.s32 $0x40;
	[sflag:s5] =	ssyncadd.s32 $0xFFFFE000  }
0x125: {  	v2 =	vld [tilespmem:s3+$0x1FC0];
	_ =	sdelay $0x4  }
0x126: {  	v2 =	vadd.s32 $0x1, v2  }
0x127: {  	v3 =	vld [tilespmem:s3+$0x1FD0];
	_ =	sdelay $0x3  }
0x128: {  	v2 =	vld.idx.msk [tilespmem:v2+s25+$0x0], $0xffff  }
0x129: {  	v3 =	vadd.s32 $0x1, v3  }
0x12a: {  	v4 =	vld [tilespmem:s3+$0x1FE0];
	_ =	sdelay $0x2  }
0x12b: {  	[tilespmem:s3+$0x3FC0] =	vst v2  }
0x12c: {  	v2 =	vld.idx.msk [tilespmem:v3+s25+$0x0], $0xffff  }
0x12d: {  	v3 =	vadd.s32 $0x1, v4  }
0x12e: {  	v4 =	vld [tilespmem:s3+$0x1FF0];
	_ =	sdelay $0x2  }
0x12f: {  	[tilespmem:s3+$0x3FD0] =	vst v2  }
0x130: {  	v2 =	vld.idx.msk [tilespmem:v3+s25+$0x0], $0xffff  }
0x131: {  	v3 =	vadd.s32 $0x1, v4  }
0x132: {  	v4 =	vld [tilespmem:s3+$0x2000];
	_ =	sdelay $0x2  }
0x133: {  	[tilespmem:s3+$0x3FE0] =	vst v2  }
0x134: {  	v2 =	vld.idx.msk [tilespmem:v3+s25+$0x0], $0xffff  }
0x135: {  	v3 =	vadd.s32 $0x1, v4  }
0x136: {  	v4 =	vld [tilespmem:s3+$0x2010];
	_ =	sdelay $0x2  }
0x137: {  	[tilespmem:s3+$0x3FF0] =	vst v2  }
0x138: {  	v2 =	vld.idx.msk [tilespmem:v3+s25+$0x0], $0xffff  }
0x139: {  	v3 =	vadd.s32 $0x1, v4  }
0x13a: {  	v4 =	vld [tilespmem:s3+$0x2020];
	_ =	sdelay $0x2  }
0x13b: {  	[tilespmem:s3+$0x4000] =	vst v2  }
0x13c: {  	v2 =	vld.idx.msk [tilespmem:v3+s25+$0x0], $0xffff  }
0x13d: {  	v3 =	vadd.s32 $0x1, v4  }
0x13e: {  	v4 =	vld [tilespmem:s3+$0x2030];
	_ =	sdelay $0x2  }
0x13f: {  	[tilespmem:s3+$0x4010] =	vst v2  }
0x140: {  	v2 =	vld.idx.msk [tilespmem:v3+s25+$0x0], $0xffff  }
0x141: {  	v3 =	vadd.s32 $0x1, v4  }
0x142: {  	s4 =	simm.s32 $0x500;
	s7 =	simm.s32 $0xC0  }
.LBB2_6:
0x143: {  	p1 =	sne.s32 s4, $0x7F00;
	v4 =	vld [tilespmem:s7+$0x1FC0];
	_ =	sdelay $0x1  }
0x144: {  	[tilespmem:s3+$0x4020] =	vst v2  }
0x145: {  	v2 =	vld.idx.msk [tilespmem:v3+s25+$0x0], $0xffff;
	_ =	sdelay $0x1  }
0x146: {  	v3 =	vadd.s32 $0x1, v4;
	_ =	sdelay $0x1  }
0x147: {  	v4 =	vld [tilespmem:s7+$0x1FD0];
	_ =	sdelay $0x1  }
0x148: {  	[tilespmem:s3+$0x4030] =	vst v2;
	s3 =	smov.u32 s7  }
0x149: {  	v2 =	vld.idx.msk [tilespmem:v3+s25+$0x0], $0xffff;
	_ =	sdelay $0x1  }
0x14a: {  	v3 =	vadd.s32 $0x1, v4;
	_ =	sdelay $0x1  }
0x14b: {  	v4 =	vld [tilespmem:s3+$0x1FE0];
	_ =	sdelay $0x1  }
0x14c: {  	[tilespmem:s3+$0x3FC0] =	vst v2  }
0x14d: {  	v2 =	vld.idx.msk [tilespmem:v3+s25+$0x0], $0xffff;
	_ =	sdelay $0x1  }
0x14e: {  	v3 =	vadd.s32 $0x1, v4;
	_ =	sdelay $0x1  }
0x14f: {  	v4 =	vld [tilespmem:s3+$0x1FF0];
	_ =	sdelay $0x1  }
0x150: {  	[tilespmem:s3+$0x3FD0] =	vst v2  }
0x151: {  	v2 =	vld.idx.msk [tilespmem:v3+s25+$0x0], $0xffff;
	_ =	sdelay $0x1  }
0x152: {  	v3 =	vadd.s32 $0x1, v4;
	_ =	sdelay $0x1  }
0x153: {  	v4 =	vld [tilespmem:s3+$0x2000];
	_ =	sdelay $0x1  }
0x154: {  	[tilespmem:s3+$0x3FE0] =	vst v2  }
0x155: {  	v2 =	vld.idx.msk [tilespmem:v3+s25+$0x0], $0xffff;
	_ =	sdelay $0x1  }
0x156: {  	v3 =	vadd.s32 $0x1, v4;
	_ =	sdelay $0x1  }
0x157: {  	v4 =	vld [tilespmem:s3+$0x2010];
	_ =	sdelay $0x1  }
0x158: {  	[tilespmem:s3+$0x3FF0] =	vst v2  }
0x159: {  	v2 =	vld.idx.msk [tilespmem:v3+s25+$0x0], $0xffff;
	_ =	sdelay $0x1  }
0x15a: {  	v3 =	vadd.s32 $0x1, v4;
	_ =	sdelay $0x1  }
0x15b: {  	v4 =	vld [tilespmem:s3+$0x2020];
	_ =	sdelay $0x1  }
0x15c: {  	[tilespmem:s3+$0x4000] =	vst v2  }
0x15d: {  	v2 =	vld.idx.msk [tilespmem:v3+s25+$0x0], $0xffff;
	_ =	sdelay $0x1  }
0x15e: {  	v3 =	vadd.s32 $0x1, v4;
	_ =	sdelay $0x1  }
0x15f: {  	v4 =	vld [tilespmem:s3+$0x2030];
	_ =	sdelay $0x1  }
.Ltmp2:
0x160: {  	[tilespmem:s3+$0x4010] =	vst v2;
	(pc) =	sbr.rel @p1 .LBB2_6-.Ltmp2, $3  }
0x161: {  	v2 =	vld.idx.msk [tilespmem:v3+s25+$0x0], $0xffff;
	_ =	sdelay $0x1  }
0x162: {  	v3 =	vadd.s32 $0x1, v4  }
0x163: {  	s7 =	sshra.s32 s4, $0x2;
	s4 =	sadd.s32 $0x200, s4  }
0x164: {  	v4 =	vld [tilespmem:s7+$0x1FC0];
	_ =	sdelay $0x2  }
0x165: {  	[tilespmem:s3+$0x4020] =	vst v2  }
0x166: {  	v2 =	vld.idx.msk [tilespmem:v3+s25+$0x0], $0xffff  }
0x167: {  	v3 =	vadd.s32 $0x1, v4  }
0x168: {  	v4 =	vld [tilespmem:s7+$0x1FD0];
	_ =	sdelay $0x2  }
0x169: {  	[tilespmem:s3+$0x4030] =	vst v2  }
0x16a: {  	v2 =	vld.idx.msk [tilespmem:v3+s25+$0x0], $0xffff  }
0x16b: {  	v3 =	vadd.s32 $0x1, v4  }
0x16c: {  	v4 =	vld [tilespmem:s7+$0x1FE0];
	_ =	sdelay $0x2  }
0x16d: {  	[tilespmem:s7+$0x3FC0] =	vst v2  }
0x16e: {  	v2 =	vld.idx.msk [tilespmem:v3+s25+$0x0], $0xffff  }
0x16f: {  	v3 =	vadd.s32 $0x1, v4  }
0x170: {  	v4 =	vld [tilespmem:s7+$0x1FF0];
	_ =	sdelay $0x2  }
0x171: {  	[tilespmem:s7+$0x3FD0] =	vst v2  }
0x172: {  	v2 =	vld.idx.msk [tilespmem:v3+s25+$0x0], $0xffff  }
0x173: {  	v3 =	vadd.s32 $0x1, v4  }
0x174: {  	v4 =	vld [tilespmem:s7+$0x2000];
	_ =	sdelay $0x2  }
0x175: {  	[tilespmem:s7+$0x3FE0] =	vst v2  }
0x176: {  	v2 =	vld.idx.msk [tilespmem:v3+s25+$0x0], $0xffff  }
0x177: {  	v3 =	vadd.s32 $0x1, v4  }
0x178: {  	v4 =	vld [tilespmem:s7+$0x2010];
	_ =	sdelay $0x2  }
0x179: {  	[tilespmem:s7+$0x3FF0] =	vst v2  }
0x17a: {  	v2 =	vld.idx.msk [tilespmem:v3+s25+$0x0], $0xffff  }
0x17b: {  	v3 =	vadd.s32 $0x1, v4  }
0x17c: {  	v4 =	vld [tilespmem:s7+$0x2020];
	_ =	sdelay $0x2  }
0x17d: {  	[tilespmem:s7+$0x4000] =	vst v2  }
0x17e: {  	v2 =	vld.idx.msk [tilespmem:v3+s25+$0x0], $0xffff  }
0x17f: {  	v3 =	vadd.s32 $0x1, v4  }
0x180: {  	v4 =	vld [tilespmem:s7+$0x2030];
	_ =	sdelay $0x2  }
0x181: {  	[tilespmem:s7+$0x4010] =	vst v2  }
0x182: {  	v2 =	vld.idx.msk [tilespmem:v3+s25+$0x0], $0xffff  }
0x183: {  	v3 =	vadd.s32 $0x1, v4;
	_ =	sdelay $0x3  }
0x184: {  	[tilespmem:s7+$0x4020] =	vst v2  }
0x185: {  	v2 =	vld.idx.msk [tilespmem:v3+s25+$0x0], $0xffff;
	_ =	sdelay $0x4  }
0x186: {  	[tilespmem:s7+$0x4030] =	vst v2  }
0x187: {  	[hbm4b:s15+s23] =	stream.strided.scatter [tilespmem:s2], [sflag:$0x1], $0x2000, s24, s23, $0x38;
	[tilespmem:$0x1F380] =	vst v63  }
0x188: {  	s30 =	simm.s32 $0x0;
	s4 =	rddreg [dreg:$0x1]  }
0x189: {  	[tilespmem:s30], [sflag:$0x3] =	stream.linear.gather [hbm4b:s4+s30], $0x4000, $0x38;
	[tilespmem:$0x1F380] =	vst v63  }
0x18a: {  	_ =	swait.ge [sflag:s29], $0x4000  }
0x18b: {  	[sflag:s29] =	ssyncset.done $0x0  }
0x18c: {  	[sflag:s29] =	ssyncadd.s32 $0xFFFFC000  }
0x18d: {  	[tilespmem:s25], [sflag:$0x3] =	stream.strided.gather [hbm4b:s16+s23], $0x18700, s24, s23, $0x38;
	[tilespmem:$0x1F380] =	vst v63  }
0x18e: {  	_ =	swait.ge [sflag:s29], $0x18700  }
0x18f: {  	[sflag:s29] =	ssyncset.done $0x0  }
0x190: {  	[sflag:s29] =	ssyncadd.s32 $0xFFFE7900  }
0x191: {  	_ =	swait.ge [sflag:s5], $0x2000  }
0x192: {  	[sflag:s5] =	ssyncset.done $0x0  }
0x193: {  	s3 =	simm.s32 $0x0;
	[sflag:s5] =	ssyncadd.s32 $0xFFFFE000  }
0x194: {  	v2 =	vld [tilespmem:s3+$0x0];
	_ =	sdelay $0x4  }
0x195: {  	v2 =	vadd.s32 $0x1, v2  }
0x196: {  	v3 =	vld [tilespmem:s3+$0x10];
	_ =	sdelay $0x3  }
0x197: {  	v2 =	vld.idx.msk [tilespmem:v2+s25+$0x0], $0xffff  }
0x198: {  	v3 =	vadd.s32 $0x1, v3  }
0x199: {  	v4 =	vld [tilespmem:s3+$0x20];
	_ =	sdelay $0x2  }
0x19a: {  	[tilespmem:s3+$0x4000] =	vst v2  }
0x19b: {  	v2 =	vld.idx.msk [tilespmem:v3+s25+$0x0], $0xffff  }
0x19c: {  	v3 =	vadd.s32 $0x1, v4  }
0x19d: {  	v4 =	vld [tilespmem:s3+$0x30];
	_ =	sdelay $0x2  }
0x19e: {  	[tilespmem:s3+$0x4010] =	vst v2  }
0x19f: {  	v2 =	vld.idx.msk [tilespmem:v3+s25+$0x0], $0xffff  }
0x1a0: {  	v3 =	vadd.s32 $0x1, v4  }
0x1a1: {  	v4 =	vld [tilespmem:s3+$0x40];
	_ =	sdelay $0x2  }
0x1a2: {  	[tilespmem:s3+$0x4020] =	vst v2  }
0x1a3: {  	v2 =	vld.idx.msk [tilespmem:v3+s25+$0x0], $0xffff  }
0x1a4: {  	v3 =	vadd.s32 $0x1, v4  }
0x1a5: {  	v4 =	vld [tilespmem:s3+$0x50];
	_ =	sdelay $0x2  }
0x1a6: {  	[tilespmem:s3+$0x4030] =	vst v2  }
0x1a7: {  	v2 =	vld.idx.msk [tilespmem:v3+s25+$0x0], $0xffff  }
0x1a8: {  	v3 =	vadd.s32 $0x1, v4  }
0x1a9: {  	v4 =	vld [tilespmem:s3+$0x60];
	_ =	sdelay $0x2  }
0x1aa: {  	[tilespmem:s3+$0x4040] =	vst v2  }
0x1ab: {  	v2 =	vld.idx.msk [tilespmem:v3+s25+$0x0], $0xffff  }
0x1ac: {  	v3 =	vadd.s32 $0x1, v4  }
0x1ad: {  	v4 =	vld [tilespmem:s3+$0x70];
	_ =	sdelay $0x2  }
0x1ae: {  	[tilespmem:s3+$0x4050] =	vst v2  }
0x1af: {  	v2 =	vld.idx.msk [tilespmem:v3+s25+$0x0], $0xffff  }
0x1b0: {  	v3 =	vadd.s32 $0x1, v4  }
0x1b1: {  	s7 =	simm.s32 $0x80;
	s4 =	simm.s32 $0x400  }
.LBB2_8:
0x1b2: {  	p1 =	sne.s32 s4, $0x7E00;
	v4 =	vld [tilespmem:s7+$0x0];
	_ =	sdelay $0x1  }
0x1b3: {  	[tilespmem:s3+$0x4060] =	vst v2  }
0x1b4: {  	v2 =	vld.idx.msk [tilespmem:v3+s25+$0x0], $0xffff;
	_ =	sdelay $0x1  }
0x1b5: {  	v3 =	vadd.s32 $0x1, v4;
	_ =	sdelay $0x1  }
0x1b6: {  	v4 =	vld [tilespmem:s7+$0x10];
	_ =	sdelay $0x1  }
0x1b7: {  	[tilespmem:s3+$0x4070] =	vst v2;
	s3 =	smov.u32 s7  }
0x1b8: {  	v2 =	vld.idx.msk [tilespmem:v3+s25+$0x0], $0xffff;
	_ =	sdelay $0x1  }
0x1b9: {  	v3 =	vadd.s32 $0x1, v4;
	_ =	sdelay $0x1  }
0x1ba: {  	v4 =	vld [tilespmem:s3+$0x20];
	_ =	sdelay $0x1  }
0x1bb: {  	[tilespmem:s3+$0x4000] =	vst v2  }
0x1bc: {  	v2 =	vld.idx.msk [tilespmem:v3+s25+$0x0], $0xffff;
	_ =	sdelay $0x1  }
0x1bd: {  	v3 =	vadd.s32 $0x1, v4;
	_ =	sdelay $0x1  }
0x1be: {  	v4 =	vld [tilespmem:s3+$0x30];
	_ =	sdelay $0x1  }
0x1bf: {  	[tilespmem:s3+$0x4010] =	vst v2  }
0x1c0: {  	v2 =	vld.idx.msk [tilespmem:v3+s25+$0x0], $0xffff;
	_ =	sdelay $0x1  }
0x1c1: {  	v3 =	vadd.s32 $0x1, v4;
	_ =	sdelay $0x1  }
0x1c2: {  	v4 =	vld [tilespmem:s3+$0x40];
	_ =	sdelay $0x1  }
0x1c3: {  	[tilespmem:s3+$0x4020] =	vst v2  }
0x1c4: {  	v2 =	vld.idx.msk [tilespmem:v3+s25+$0x0], $0xffff;
	_ =	sdelay $0x1  }
0x1c5: {  	v3 =	vadd.s32 $0x1, v4;
	_ =	sdelay $0x1  }
0x1c6: {  	v4 =	vld [tilespmem:s3+$0x50];
	_ =	sdelay $0x1  }
0x1c7: {  	[tilespmem:s3+$0x4030] =	vst v2  }
0x1c8: {  	v2 =	vld.idx.msk [tilespmem:v3+s25+$0x0], $0xffff;
	_ =	sdelay $0x1  }
0x1c9: {  	v3 =	vadd.s32 $0x1, v4;
	_ =	sdelay $0x1  }
0x1ca: {  	v4 =	vld [tilespmem:s3+$0x60];
	_ =	sdelay $0x1  }
0x1cb: {  	[tilespmem:s3+$0x4040] =	vst v2  }
0x1cc: {  	v2 =	vld.idx.msk [tilespmem:v3+s25+$0x0], $0xffff;
	_ =	sdelay $0x1  }
0x1cd: {  	v3 =	vadd.s32 $0x1, v4;
	_ =	sdelay $0x1  }
0x1ce: {  	v4 =	vld [tilespmem:s3+$0x70];
	_ =	sdelay $0x1  }
.Ltmp3:
0x1cf: {  	[tilespmem:s3+$0x4050] =	vst v2;
	(pc) =	sbr.rel @p1 .LBB2_8-.Ltmp3, $3  }
0x1d0: {  	v2 =	vld.idx.msk [tilespmem:v3+s25+$0x0], $0xffff;
	_ =	sdelay $0x1  }
0x1d1: {  	v3 =	vadd.s32 $0x1, v4  }
0x1d2: {  	s7 =	sshra.s32 s4, $0x2;
	s4 =	sadd.s32 $0x200, s4  }
0x1d3: {  	v4 =	vld [tilespmem:s7+$0x0];
	_ =	sdelay $0x2  }
0x1d4: {  	[tilespmem:s3+$0x4060] =	vst v2  }
0x1d5: {  	v2 =	vld.idx.msk [tilespmem:v3+s25+$0x0], $0xffff  }
0x1d6: {  	v3 =	vadd.s32 $0x1, v4  }
0x1d7: {  	v4 =	vld [tilespmem:s7+$0x10];
	_ =	sdelay $0x2  }
0x1d8: {  	[tilespmem:s3+$0x4070] =	vst v2  }
0x1d9: {  	v2 =	vld.idx.msk [tilespmem:v3+s25+$0x0], $0xffff  }
0x1da: {  	v3 =	vadd.s32 $0x1, v4  }
0x1db: {  	v4 =	vld [tilespmem:s7+$0x20];
	_ =	sdelay $0x2  }
0x1dc: {  	[tilespmem:s7+$0x4000] =	vst v2  }
0x1dd: {  	v2 =	vld.idx.msk [tilespmem:v3+s25+$0x0], $0xffff  }
0x1de: {  	v3 =	vadd.s32 $0x1, v4  }
0x1df: {  	v4 =	vld [tilespmem:s7+$0x30];
	_ =	sdelay $0x2  }
0x1e0: {  	[tilespmem:s7+$0x4010] =	vst v2  }
0x1e1: {  	v2 =	vld.idx.msk [tilespmem:v3+s25+$0x0], $0xffff  }
0x1e2: {  	v3 =	vadd.s32 $0x1, v4  }
0x1e3: {  	v4 =	vld [tilespmem:s7+$0x40];
	_ =	sdelay $0x2  }
0x1e4: {  	[tilespmem:s7+$0x4020] =	vst v2  }
0x1e5: {  	v2 =	vld.idx.msk [tilespmem:v3+s25+$0x0], $0xffff  }
0x1e6: {  	v3 =	vadd.s32 $0x1, v4  }
0x1e7: {  	v4 =	vld [tilespmem:s7+$0x50];
	_ =	sdelay $0x2  }
0x1e8: {  	[tilespmem:s7+$0x4030] =	vst v2  }
0x1e9: {  	v2 =	vld.idx.msk [tilespmem:v3+s25+$0x0], $0xffff  }
0x1ea: {  	v3 =	vadd.s32 $0x1, v4  }
0x1eb: {  	v4 =	vld [tilespmem:s7+$0x60];
	_ =	sdelay $0x2  }
0x1ec: {  	[tilespmem:s7+$0x4040] =	vst v2  }
0x1ed: {  	v2 =	vld.idx.msk [tilespmem:v3+s25+$0x0], $0xffff  }
0x1ee: {  	v3 =	vadd.s32 $0x1, v4  }
0x1ef: {  	v4 =	vld [tilespmem:s7+$0x70];
	_ =	sdelay $0x2  }
0x1f0: {  	[tilespmem:s7+$0x4050] =	vst v2  }
0x1f1: {  	v2 =	vld.idx.msk [tilespmem:v3+s25+$0x0], $0xffff  }
0x1f2: {  	v3 =	vadd.s32 $0x1, v4;
	_ =	sdelay $0x3  }
0x1f3: {  	[tilespmem:s7+$0x4060] =	vst v2  }
0x1f4: {  	v2 =	vld.idx.msk [tilespmem:v3+s25+$0x0], $0xffff;
	_ =	sdelay $0x4  }
0x1f5: {  	[tilespmem:s7+$0x4070] =	vst v2  }
0x1f6: {  	[hbm4b:s17+s23] =	stream.strided.scatter [tilespmem:s2], [sflag:$0x1], $0x2000, s24, s23, $0x38;
	[tilespmem:$0x1F380] =	vst v63  }
0x1f7: {  	_ =	swait.ge [sflag:s5], $0x2000  }
0x1f8: {  	[sflag:s5] =	ssyncset.done $0x0  }
0x1f9: {  	s3 =	simm.s32 $0x40;
	[sflag:s5] =	ssyncadd.s32 $0xFFFFE000  }
0x1fa: {  	v2 =	vld [tilespmem:s3+$0x1FC0];
	_ =	sdelay $0x4  }
0x1fb: {  	v2 =	vadd.s32 $0x1, v2  }
0x1fc: {  	v3 =	vld [tilespmem:s3+$0x1FD0];
	_ =	sdelay $0x3  }
0x1fd: {  	v2 =	vld.idx.msk [tilespmem:v2+s25+$0x0], $0xffff  }
0x1fe: {  	v3 =	vadd.s32 $0x1, v3  }
0x1ff: {  	v4 =	vld [tilespmem:s3+$0x1FE0];
	_ =	sdelay $0x2  }
0x200: {  	[tilespmem:s3+$0x3FC0] =	vst v2  }
0x201: {  	v2 =	vld.idx.msk [tilespmem:v3+s25+$0x0], $0xffff  }
0x202: {  	v3 =	vadd.s32 $0x1, v4  }
0x203: {  	v4 =	vld [tilespmem:s3+$0x1FF0];
	_ =	sdelay $0x2  }
0x204: {  	[tilespmem:s3+$0x3FD0] =	vst v2  }
0x205: {  	v2 =	vld.idx.msk [tilespmem:v3+s25+$0x0], $0xffff  }
0x206: {  	v3 =	vadd.s32 $0x1, v4  }
0x207: {  	v4 =	vld [tilespmem:s3+$0x2000];
	_ =	sdelay $0x2  }
0x208: {  	[tilespmem:s3+$0x3FE0] =	vst v2  }
0x209: {  	v2 =	vld.idx.msk [tilespmem:v3+s25+$0x0], $0xffff  }
0x20a: {  	v3 =	vadd.s32 $0x1, v4  }
0x20b: {  	v4 =	vld [tilespmem:s3+$0x2010];
	_ =	sdelay $0x2  }
0x20c: {  	[tilespmem:s3+$0x3FF0] =	vst v2  }
0x20d: {  	v2 =	vld.idx.msk [tilespmem:v3+s25+$0x0], $0xffff  }
0x20e: {  	v3 =	vadd.s32 $0x1, v4  }
0x20f: {  	v4 =	vld [tilespmem:s3+$0x2020];
	_ =	sdelay $0x2  }
0x210: {  	[tilespmem:s3+$0x4000] =	vst v2  }
0x211: {  	v2 =	vld.idx.msk [tilespmem:v3+s25+$0x0], $0xffff  }
0x212: {  	v3 =	vadd.s32 $0x1, v4  }
0x213: {  	v4 =	vld [tilespmem:s3+$0x2030];
	_ =	sdelay $0x2  }
0x214: {  	[tilespmem:s3+$0x4010] =	vst v2  }
0x215: {  	v2 =	vld.idx.msk [tilespmem:v3+s25+$0x0], $0xffff  }
0x216: {  	v3 =	vadd.s32 $0x1, v4  }
0x217: {  	s4 =	simm.s32 $0x500;
	s7 =	simm.s32 $0xC0  }
.LBB2_10:
0x218: {  	p1 =	sne.s32 s4, $0x7F00;
	v4 =	vld [tilespmem:s7+$0x1FC0];
	_ =	sdelay $0x1  }
0x219: {  	[tilespmem:s3+$0x4020] =	vst v2  }
0x21a: {  	v2 =	vld.idx.msk [tilespmem:v3+s25+$0x0], $0xffff;
	_ =	sdelay $0x1  }
0x21b: {  	v3 =	vadd.s32 $0x1, v4;
	_ =	sdelay $0x1  }
0x21c: {  	v4 =	vld [tilespmem:s7+$0x1FD0];
	_ =	sdelay $0x1  }
0x21d: {  	[tilespmem:s3+$0x4030] =	vst v2;
	s3 =	smov.u32 s7  }
0x21e: {  	v2 =	vld.idx.msk [tilespmem:v3+s25+$0x0], $0xffff;
	_ =	sdelay $0x1  }
0x21f: {  	v3 =	vadd.s32 $0x1, v4;
	_ =	sdelay $0x1  }
0x220: {  	v4 =	vld [tilespmem:s3+$0x1FE0];
	_ =	sdelay $0x1  }
0x221: {  	[tilespmem:s3+$0x3FC0] =	vst v2  }
0x222: {  	v2 =	vld.idx.msk [tilespmem:v3+s25+$0x0], $0xffff;
	_ =	sdelay $0x1  }
0x223: {  	v3 =	vadd.s32 $0x1, v4;
	_ =	sdelay $0x1  }
0x224: {  	v4 =	vld [tilespmem:s3+$0x1FF0];
	_ =	sdelay $0x1  }
0x225: {  	[tilespmem:s3+$0x3FD0] =	vst v2  }
0x226: {  	v2 =	vld.idx.msk [tilespmem:v3+s25+$0x0], $0xffff;
	_ =	sdelay $0x1  }
0x227: {  	v3 =	vadd.s32 $0x1, v4;
	_ =	sdelay $0x1  }
0x228: {  	v4 =	vld [tilespmem:s3+$0x2000];
	_ =	sdelay $0x1  }
0x229: {  	[tilespmem:s3+$0x3FE0] =	vst v2  }
0x22a: {  	v2 =	vld.idx.msk [tilespmem:v3+s25+$0x0], $0xffff;
	_ =	sdelay $0x1  }
0x22b: {  	v3 =	vadd.s32 $0x1, v4;
	_ =	sdelay $0x1  }
0x22c: {  	v4 =	vld [tilespmem:s3+$0x2010];
	_ =	sdelay $0x1  }
0x22d: {  	[tilespmem:s3+$0x3FF0] =	vst v2  }
0x22e: {  	v2 =	vld.idx.msk [tilespmem:v3+s25+$0x0], $0xffff;
	_ =	sdelay $0x1  }
0x22f: {  	v3 =	vadd.s32 $0x1, v4;
	_ =	sdelay $0x1  }
0x230: {  	v4 =	vld [tilespmem:s3+$0x2020];
	_ =	sdelay $0x1  }
0x231: {  	[tilespmem:s3+$0x4000] =	vst v2  }
0x232: {  	v2 =	vld.idx.msk [tilespmem:v3+s25+$0x0], $0xffff;
	_ =	sdelay $0x1  }
0x233: {  	v3 =	vadd.s32 $0x1, v4;
	_ =	sdelay $0x1  }
0x234: {  	v4 =	vld [tilespmem:s3+$0x2030];
	_ =	sdelay $0x1  }
.Ltmp4:
0x235: {  	[tilespmem:s3+$0x4010] =	vst v2;
	(pc) =	sbr.rel @p1 .LBB2_10-.Ltmp4, $3  }
0x236: {  	v2 =	vld.idx.msk [tilespmem:v3+s25+$0x0], $0xffff;
	_ =	sdelay $0x1  }
0x237: {  	v3 =	vadd.s32 $0x1, v4  }
0x238: {  	s7 =	sshra.s32 s4, $0x2;
	s4 =	sadd.s32 $0x200, s4  }
0x239: {  	v4 =	vld [tilespmem:s7+$0x1FC0];
	_ =	sdelay $0x2  }
0x23a: {  	[tilespmem:s3+$0x4020] =	vst v2  }
0x23b: {  	v2 =	vld.idx.msk [tilespmem:v3+s25+$0x0], $0xffff  }
0x23c: {  	v3 =	vadd.s32 $0x1, v4  }
0x23d: {  	v57 =	vld [tilespmem:s7+$0x1FD0];
	_ =	sdelay $0x2  }
0x23e: {  	[tilespmem:s3+$0x4030] =	vst v2  }
0x23f: {  	v2 =	vld.idx.msk [tilespmem:v3+s25+$0x0], $0xffff  }
0x240: {  	v3 =	vadd.s32 $0x1, v57  }
0x241: {  	v58 =	vld [tilespmem:s7+$0x1FE0];
	_ =	sdelay $0x2  }
0x242: {  	[tilespmem:s7+$0x3FC0] =	vst v2  }
0x243: {  	v2 =	vld.idx.msk [tilespmem:v3+s25+$0x0], $0xffff  }
0x244: {  	v3 =	vadd.s32 $0x1, v58  }
0x245: {  	v59 =	vld [tilespmem:s7+$0x1FF0];
	_ =	sdelay $0x2  }
0x246: {  	[tilespmem:s7+$0x3FD0] =	vst v2  }
0x247: {  	v2 =	vld.idx.msk [tilespmem:v3+s25+$0x0], $0xffff  }
0x248: {  	v3 =	vadd.s32 $0x1, v59  }
0x249: {  	v60 =	vld [tilespmem:s7+$0x2000];
	_ =	sdelay $0x2  }
0x24a: {  	[tilespmem:s7+$0x3FE0] =	vst v2  }
0x24b: {  	v2 =	vld.idx.msk [tilespmem:v3+s25+$0x0], $0xffff  }
0x24c: {  	v3 =	vadd.s32 $0x1, v60  }
0x24d: {  	v61 =	vld [tilespmem:s7+$0x2010];
	_ =	sdelay $0x2  }
0x24e: {  	[tilespmem:s7+$0x3FF0] =	vst v2  }
0x24f: {  	v2 =	vld.idx.msk [tilespmem:v3+s25+$0x0], $0xffff  }
0x250: {  	v3 =	vadd.s32 $0x1, v61  }
0x251: {  	v62 =	vld [tilespmem:s7+$0x2020];
	_ =	sdelay $0x2  }
0x252: {  	[tilespmem:s7+$0x4000] =	vst v2  }
0x253: {  	v2 =	vld.idx.msk [tilespmem:v3+s25+$0x0], $0xffff  }
0x254: {  	v3 =	vadd.s32 $0x1, v62  }
0x255: {  	v63 =	vld [tilespmem:s7+$0x2030];
	_ =	sdelay $0x2  }
0x256: {  	[tilespmem:s7+$0x4010] =	vst v2  }
0x257: {  	v2 =	vld.idx.msk [tilespmem:v3+s25+$0x0], $0xffff  }
0x258: {  	v3 =	vadd.s32 $0x1, v63;
	_ =	sdelay $0x3  }
0x259: {  	[tilespmem:s7+$0x4020] =	vst v2  }
0x25a: {  	v2 =	vld.idx.msk [tilespmem:v3+s25+$0x0], $0xffff;
	_ =	sdelay $0x4  }
0x25b: {  	[tilespmem:s7+$0x4030] =	vst v2  }
0x25c: {  	[hbm4b:s18+s23] =	stream.strided.scatter [tilespmem:s2], [sflag:$0x1], $0x2000, s24, s23, $0x38;
	[tilespmem:$0x1F380] =	vst v63  }
0x25d: {  	s30 =	simm.s32 $0x0;
	s4 =	rddreg [dreg:$0x9]  }
0x25e: {  	[tilespmem:s30], [sflag:$0x3] =	stream.linear.gather [spmem:s4], $0x4000, $0x38;
	[tilespmem:$0x1F380] =	vst v63  }
0x25f: {  	_ =	swait.ge [sflag:s29], $0x4000  }
0x260: {  	[sflag:s29] =	ssyncset.done $0x0  }
0x261: {  	[sflag:s29] =	ssyncadd.s32 $0xFFFFC000  }
0x262: {  	_ =	swait.ge [sflag:s31], $0x400  }
0x263: {  	[sflag:s31] =	ssyncset.done $0x0  }
0x264: {  	[sflag:s31] =	ssyncadd.s32 $0xFFFFFC00  }
0x265: {  	_ =	swait.ge [sflag:s5], $0x2000  }
0x266: {  	[sflag:s5] =	ssyncset.done $0x0  }
0x267: {  	s3 =	simm.s32 $0x0;
	[sflag:s5] =	ssyncadd.s32 $0xFFFFE000  }
0x268: {  	v2 =	vld [tilespmem:s3+$0x0];
	_ =	sdelay $0x6  }
0x269: {  	v3 =	vld [tilespmem:s3+$0x10]  }
0x26a: {  	v2 =	vld.idx.msk [tilespmem:v2+s26+$0x0], $0xffff;
	_ =	sdelay $0x4  }
0x26b: {  	v2 =	vmul.f32 $5.000000000e-01, v2;
	_ =	sdelay $0x1  }
0x26c: {  	[tilespmem:s3+$0x4000] =	vst v2  }
0x26d: {  	v2 =	vld.idx.msk [tilespmem:v3+s26+$0x0], $0xffff  }
0x26e: {  	v3 =	vld [tilespmem:s3+$0x20];
	_ =	sdelay $0x4  }
0x26f: {  	v2 =	vmul.f32 $5.000000000e-01, v2;
	_ =	sdelay $0x1  }
0x270: {  	[tilespmem:s3+$0x4010] =	vst v2  }
0x271: {  	v2 =	vld.idx.msk [tilespmem:v3+s26+$0x0], $0xffff  }
0x272: {  	v3 =	vld [tilespmem:s3+$0x30];
	_ =	sdelay $0x4  }
0x273: {  	v2 =	vmul.f32 $5.000000000e-01, v2;
	_ =	sdelay $0x1  }
0x274: {  	[tilespmem:s3+$0x4020] =	vst v2  }
0x275: {  	v2 =	vld.idx.msk [tilespmem:v3+s26+$0x0], $0xffff  }
0x276: {  	v3 =	vld [tilespmem:s3+$0x40];
	_ =	sdelay $0x4  }
0x277: {  	v2 =	vmul.f32 $5.000000000e-01, v2;
	_ =	sdelay $0x1  }
0x278: {  	[tilespmem:s3+$0x4030] =	vst v2  }
0x279: {  	v2 =	vld.idx.msk [tilespmem:v3+s26+$0x0], $0xffff  }
0x27a: {  	v3 =	vld [tilespmem:s3+$0x50];
	_ =	sdelay $0x4  }
0x27b: {  	v2 =	vmul.f32 $5.000000000e-01, v2;
	_ =	sdelay $0x1  }
0x27c: {  	[tilespmem:s3+$0x4040] =	vst v2  }
0x27d: {  	v2 =	vld.idx.msk [tilespmem:v3+s26+$0x0], $0xffff  }
0x27e: {  	v3 =	vld [tilespmem:s3+$0x60];
	_ =	sdelay $0x4  }
0x27f: {  	v2 =	vmul.f32 $5.000000000e-01, v2;
	_ =	sdelay $0x1  }
0x280: {  	[tilespmem:s3+$0x4050] =	vst v2  }
0x281: {  	v2 =	vld.idx.msk [tilespmem:v3+s26+$0x0], $0xffff  }
0x282: {  	v3 =	vld [tilespmem:s3+$0x70];
	_ =	sdelay $0x4  }
0x283: {  	v2 =	vmul.f32 $5.000000000e-01, v2;
	_ =	sdelay $0x1  }
0x284: {  	[tilespmem:s3+$0x4060] =	vst v2  }
0x285: {  	s7 =	simm.s32 $0x80;
	s4 =	simm.s32 $0x400;
	v2 =	vld.idx.msk [tilespmem:v3+s26+$0x0], $0xffff  }
.LBB2_12:
0x286: {  	p1 =	sne.s32 s4, $0x7E00;
	v3 =	vld [tilespmem:s7+$0x0];
	_ =	sdelay $0x4  }
0x287: {  	v2 =	vmul.f32 $5.000000000e-01, v2;
	_ =	sdelay $0x1  }
0x288: {  	[tilespmem:s3+$0x4070] =	vst v2;
	s3 =	smov.u32 s7  }
0x289: {  	v2 =	vld.idx.msk [tilespmem:v3+s26+$0x0], $0xffff  }
0x28a: {  	v3 =	vld [tilespmem:s3+$0x10];
	_ =	sdelay $0x4  }
0x28b: {  	v2 =	vmul.f32 $5.000000000e-01, v2;
	_ =	sdelay $0x1  }
0x28c: {  	[tilespmem:s3+$0x4000] =	vst v2  }
0x28d: {  	v2 =	vld.idx.msk [tilespmem:v3+s26+$0x0], $0xffff  }
0x28e: {  	v3 =	vld [tilespmem:s3+$0x20];
	_ =	sdelay $0x4  }
0x28f: {  	v2 =	vmul.f32 $5.000000000e-01, v2;
	_ =	sdelay $0x1  }
0x290: {  	[tilespmem:s3+$0x4010] =	vst v2  }
0x291: {  	v2 =	vld.idx.msk [tilespmem:v3+s26+$0x0], $0xffff  }
0x292: {  	v3 =	vld [tilespmem:s3+$0x30];
	_ =	sdelay $0x4  }
0x293: {  	v2 =	vmul.f32 $5.000000000e-01, v2;
	_ =	sdelay $0x1  }
0x294: {  	[tilespmem:s3+$0x4020] =	vst v2  }
0x295: {  	v2 =	vld.idx.msk [tilespmem:v3+s26+$0x0], $0xffff  }
0x296: {  	v3 =	vld [tilespmem:s3+$0x40];
	_ =	sdelay $0x4  }
0x297: {  	v2 =	vmul.f32 $5.000000000e-01, v2;
	_ =	sdelay $0x1  }
0x298: {  	[tilespmem:s3+$0x4030] =	vst v2  }
0x299: {  	v2 =	vld.idx.msk [tilespmem:v3+s26+$0x0], $0xffff  }
0x29a: {  	v3 =	vld [tilespmem:s3+$0x50];
	_ =	sdelay $0x4  }
0x29b: {  	v2 =	vmul.f32 $5.000000000e-01, v2;
	_ =	sdelay $0x1  }
0x29c: {  	[tilespmem:s3+$0x4040] =	vst v2  }
0x29d: {  	v2 =	vld.idx.msk [tilespmem:v3+s26+$0x0], $0xffff  }
0x29e: {  	v3 =	vld [tilespmem:s3+$0x60];
	_ =	sdelay $0x4  }
0x29f: {  	v2 =	vmul.f32 $5.000000000e-01, v2;
	_ =	sdelay $0x1  }
0x2a0: {  	[tilespmem:s3+$0x4050] =	vst v2  }
0x2a1: {  	v2 =	vld.idx.msk [tilespmem:v3+s26+$0x0], $0xffff  }
0x2a2: {  	v3 =	vld [tilespmem:s3+$0x70];
	_ =	sdelay $0x3  }
.Ltmp5:
0x2a3: {  	(pc) =	sbr.rel @p1 .LBB2_12-.Ltmp5, $3  }
0x2a4: {  	v2 =	vmul.f32 $5.000000000e-01, v2;
	_ =	sdelay $0x1  }
0x2a5: {  	[tilespmem:s3+$0x4060] =	vst v2  }
0x2a6: {  	s7 =	sshra.s32 s4, $0x2;
	s4 =	sadd.s32 $0x200, s4;
	v2 =	vld.idx.msk [tilespmem:v3+s26+$0x0], $0xffff  }
0x2a7: {  	v3 =	vld [tilespmem:s7+$0x0];
	_ =	sdelay $0x4  }
0x2a8: {  	v2 =	vmul.f32 $5.000000000e-01, v2;
	_ =	sdelay $0x1  }
0x2a9: {  	[tilespmem:s3+$0x4070] =	vst v2  }
0x2aa: {  	v2 =	vld.idx.msk [tilespmem:v3+s26+$0x0], $0xffff  }
0x2ab: {  	v3 =	vld [tilespmem:s7+$0x10];
	_ =	sdelay $0x4  }
0x2ac: {  	v2 =	vmul.f32 $5.000000000e-01, v2;
	_ =	sdelay $0x1  }
0x2ad: {  	[tilespmem:s7+$0x4000] =	vst v2  }
0x2ae: {  	v2 =	vld.idx.msk [tilespmem:v3+s26+$0x0], $0xffff  }
0x2af: {  	v3 =	vld [tilespmem:s7+$0x20];
	_ =	sdelay $0x4  }
0x2b0: {  	v2 =	vmul.f32 $5.000000000e-01, v2;
	_ =	sdelay $0x1  }
0x2b1: {  	[tilespmem:s7+$0x4010] =	vst v2  }
0x2b2: {  	v2 =	vld.idx.msk [tilespmem:v3+s26+$0x0], $0xffff  }
0x2b3: {  	v3 =	vld [tilespmem:s7+$0x30];
	_ =	sdelay $0x4  }
0x2b4: {  	v2 =	vmul.f32 $5.000000000e-01, v2;
	_ =	sdelay $0x1  }
0x2b5: {  	[tilespmem:s7+$0x4020] =	vst v2  }
0x2b6: {  	v2 =	vld.idx.msk [tilespmem:v3+s26+$0x0], $0xffff  }
0x2b7: {  	v3 =	vld [tilespmem:s7+$0x40];
	_ =	sdelay $0x4  }
0x2b8: {  	v2 =	vmul.f32 $5.000000000e-01, v2;
	_ =	sdelay $0x1  }
0x2b9: {  	[tilespmem:s7+$0x4030] =	vst v2  }
0x2ba: {  	v2 =	vld.idx.msk [tilespmem:v3+s26+$0x0], $0xffff  }
0x2bb: {  	v3 =	vld [tilespmem:s7+$0x50];
	_ =	sdelay $0x4  }
0x2bc: {  	v2 =	vmul.f32 $5.000000000e-01, v2;
	_ =	sdelay $0x1  }
0x2bd: {  	[tilespmem:s7+$0x4040] =	vst v2  }
0x2be: {  	v2 =	vld.idx.msk [tilespmem:v3+s26+$0x0], $0xffff  }
0x2bf: {  	v3 =	vld [tilespmem:s7+$0x60];
	_ =	sdelay $0x4  }
0x2c0: {  	v2 =	vmul.f32 $5.000000000e-01, v2;
	_ =	sdelay $0x1  }
0x2c1: {  	[tilespmem:s7+$0x4050] =	vst v2  }
0x2c2: {  	v2 =	vld.idx.msk [tilespmem:v3+s26+$0x0], $0xffff  }
0x2c3: {  	v3 =	vld [tilespmem:s7+$0x70];
	_ =	sdelay $0x4  }
0x2c4: {  	v2 =	vmul.f32 $5.000000000e-01, v2;
	_ =	sdelay $0x1  }
0x2c5: {  	[tilespmem:s7+$0x4060] =	vst v2  }
0x2c6: {  	v2 =	vld.idx.msk [tilespmem:v3+s26+$0x0], $0xffff;
	_ =	sdelay $0x4  }
0x2c7: {  	v2 =	vmul.f32 $5.000000000e-01, v2;
	_ =	sdelay $0x1  }
0x2c8: {  	[tilespmem:s7+$0x4070] =	vst v2  }
0x2c9: {  	[hbm4b:s19+s23] =	stream.strided.scatter [tilespmem:s2], [sflag:$0x1], $0x2000, s24, s23, $0x38;
	[tilespmem:$0x1F380] =	vst v63  }
0x2ca: {  	_ =	swait.ge [sflag:s5], $0x2000  }
0x2cb: {  	[sflag:s5] =	ssyncset.done $0x0  }
0x2cc: {  	s3 =	simm.s32 $0x40;
	[sflag:s5] =	ssyncadd.s32 $0xFFFFE000  }
0x2cd: {  	v2 =	vld [tilespmem:s3+$0x1FC0];
	_ =	sdelay $0x6  }
0x2ce: {  	v3 =	vld [tilespmem:s3+$0x1FD0]  }
0x2cf: {  	v2 =	vld.idx.msk [tilespmem:v2+s26+$0x0], $0xffff;
	_ =	sdelay $0x4  }
0x2d0: {  	v2 =	vmul.f32 $5.000000000e-01, v2;
	_ =	sdelay $0x1  }
0x2d1: {  	[tilespmem:s3+$0x3FC0] =	vst v2  }
0x2d2: {  	v2 =	vld.idx.msk [tilespmem:v3+s26+$0x0], $0xffff  }
0x2d3: {  	v3 =	vld [tilespmem:s3+$0x1FE0];
	_ =	sdelay $0x4  }
0x2d4: {  	v2 =	vmul.f32 $5.000000000e-01, v2;
	_ =	sdelay $0x1  }
0x2d5: {  	[tilespmem:s3+$0x3FD0] =	vst v2  }
0x2d6: {  	v2 =	vld.idx.msk [tilespmem:v3+s26+$0x0], $0xffff  }
0x2d7: {  	v3 =	vld [tilespmem:s3+$0x1FF0];
	_ =	sdelay $0x4  }
0x2d8: {  	v2 =	vmul.f32 $5.000000000e-01, v2;
	_ =	sdelay $0x1  }
0x2d9: {  	[tilespmem:s3+$0x3FE0] =	vst v2  }
0x2da: {  	v2 =	vld.idx.msk [tilespmem:v3+s26+$0x0], $0xffff  }
0x2db: {  	v3 =	vld [tilespmem:s3+$0x2000];
	_ =	sdelay $0x4  }
0x2dc: {  	v2 =	vmul.f32 $5.000000000e-01, v2;
	_ =	sdelay $0x1  }
0x2dd: {  	[tilespmem:s3+$0x3FF0] =	vst v2  }
0x2de: {  	v2 =	vld.idx.msk [tilespmem:v3+s26+$0x0], $0xffff  }
0x2df: {  	v3 =	vld [tilespmem:s3+$0x2010];
	_ =	sdelay $0x4  }
0x2e0: {  	v2 =	vmul.f32 $5.000000000e-01, v2;
	_ =	sdelay $0x1  }
0x2e1: {  	[tilespmem:s3+$0x4000] =	vst v2  }
0x2e2: {  	v2 =	vld.idx.msk [tilespmem:v3+s26+$0x0], $0xffff  }
0x2e3: {  	v3 =	vld [tilespmem:s3+$0x2020];
	_ =	sdelay $0x4  }
0x2e4: {  	v2 =	vmul.f32 $5.000000000e-01, v2;
	_ =	sdelay $0x1  }
0x2e5: {  	[tilespmem:s3+$0x4010] =	vst v2  }
0x2e6: {  	v2 =	vld.idx.msk [tilespmem:v3+s26+$0x0], $0xffff  }
0x2e7: {  	v3 =	vld [tilespmem:s3+$0x2030];
	_ =	sdelay $0x4  }
0x2e8: {  	v2 =	vmul.f32 $5.000000000e-01, v2;
	_ =	sdelay $0x1  }
0x2e9: {  	[tilespmem:s3+$0x4020] =	vst v2  }
0x2ea: {  	s4 =	simm.s32 $0x500;
	s7 =	simm.s32 $0xC0;
	v2 =	vld.idx.msk [tilespmem:v3+s26+$0x0], $0xffff  }
.LBB2_14:
0x2eb: {  	p1 =	sne.s32 s4, $0x7F00;
	v3 =	vld [tilespmem:s7+$0x1FC0];
	_ =	sdelay $0x4  }
0x2ec: {  	v2 =	vmul.f32 $5.000000000e-01, v2;
	_ =	sdelay $0x1  }
0x2ed: {  	[tilespmem:s3+$0x4030] =	vst v2;
	s3 =	smov.u32 s7  }
0x2ee: {  	v2 =	vld.idx.msk [tilespmem:v3+s26+$0x0], $0xffff  }
0x2ef: {  	v3 =	vld [tilespmem:s3+$0x1FD0];
	_ =	sdelay $0x4  }
0x2f0: {  	v2 =	vmul.f32 $5.000000000e-01, v2;
	_ =	sdelay $0x1  }
0x2f1: {  	[tilespmem:s3+$0x3FC0] =	vst v2  }
0x2f2: {  	v2 =	vld.idx.msk [tilespmem:v3+s26+$0x0], $0xffff  }
0x2f3: {  	v3 =	vld [tilespmem:s3+$0x1FE0];
	_ =	sdelay $0x4  }
0x2f4: {  	v2 =	vmul.f32 $5.000000000e-01, v2;
	_ =	sdelay $0x1  }
0x2f5: {  	[tilespmem:s3+$0x3FD0] =	vst v2  }
0x2f6: {  	v2 =	vld.idx.msk [tilespmem:v3+s26+$0x0], $0xffff  }
0x2f7: {  	v3 =	vld [tilespmem:s3+$0x1FF0];
	_ =	sdelay $0x4  }
0x2f8: {  	v2 =	vmul.f32 $5.000000000e-01, v2;
	_ =	sdelay $0x1  }
0x2f9: {  	[tilespmem:s3+$0x3FE0] =	vst v2  }
0x2fa: {  	v2 =	vld.idx.msk [tilespmem:v3+s26+$0x0], $0xffff  }
0x2fb: {  	v3 =	vld [tilespmem:s3+$0x2000];
	_ =	sdelay $0x4  }
0x2fc: {  	v2 =	vmul.f32 $5.000000000e-01, v2;
	_ =	sdelay $0x1  }
0x2fd: {  	[tilespmem:s3+$0x3FF0] =	vst v2  }
0x2fe: {  	v2 =	vld.idx.msk [tilespmem:v3+s26+$0x0], $0xffff  }
0x2ff: {  	v3 =	vld [tilespmem:s3+$0x2010];
	_ =	sdelay $0x4  }
0x300: {  	v2 =	vmul.f32 $5.000000000e-01, v2;
	_ =	sdelay $0x1  }
0x301: {  	[tilespmem:s3+$0x4000] =	vst v2  }
0x302: {  	v2 =	vld.idx.msk [tilespmem:v3+s26+$0x0], $0xffff  }
0x303: {  	v3 =	vld [tilespmem:s3+$0x2020];
	_ =	sdelay $0x4  }
0x304: {  	v2 =	vmul.f32 $5.000000000e-01, v2;
	_ =	sdelay $0x1  }
0x305: {  	[tilespmem:s3+$0x4010] =	vst v2  }
0x306: {  	v2 =	vld.idx.msk [tilespmem:v3+s26+$0x0], $0xffff  }
0x307: {  	v3 =	vld [tilespmem:s3+$0x2030];
	_ =	sdelay $0x3  }
.Ltmp6:
0x308: {  	(pc) =	sbr.rel @p1 .LBB2_14-.Ltmp6, $3  }
0x309: {  	v2 =	vmul.f32 $5.000000000e-01, v2;
	_ =	sdelay $0x1  }
0x30a: {  	[tilespmem:s3+$0x4020] =	vst v2  }
0x30b: {  	s7 =	sshra.s32 s4, $0x2;
	s4 =	sadd.s32 $0x200, s4;
	v2 =	vld.idx.msk [tilespmem:v3+s26+$0x0], $0xffff  }
0x30c: {  	v3 =	vld [tilespmem:s7+$0x1FC0];
	_ =	sdelay $0x4  }
0x30d: {  	v2 =	vmul.f32 $5.000000000e-01, v2;
	_ =	sdelay $0x1  }
0x30e: {  	[tilespmem:s3+$0x4030] =	vst v2  }
0x30f: {  	v2 =	vld.idx.msk [tilespmem:v3+s26+$0x0], $0xffff  }
0x310: {  	v3 =	vld [tilespmem:s7+$0x1FD0];
	_ =	sdelay $0x4  }
0x311: {  	v2 =	vmul.f32 $5.000000000e-01, v2;
	_ =	sdelay $0x1  }
0x312: {  	[tilespmem:s7+$0x3FC0] =	vst v2  }
0x313: {  	v2 =	vld.idx.msk [tilespmem:v3+s26+$0x0], $0xffff  }
0x314: {  	v3 =	vld [tilespmem:s7+$0x1FE0];
	_ =	sdelay $0x4  }
0x315: {  	v2 =	vmul.f32 $5.000000000e-01, v2;
	_ =	sdelay $0x1  }
0x316: {  	[tilespmem:s7+$0x3FD0] =	vst v2  }
0x317: {  	v2 =	vld.idx.msk [tilespmem:v3+s26+$0x0], $0xffff  }
0x318: {  	v3 =	vld [tilespmem:s7+$0x1FF0];
	_ =	sdelay $0x4  }
0x319: {  	v2 =	vmul.f32 $5.000000000e-01, v2;
	_ =	sdelay $0x1  }
0x31a: {  	[tilespmem:s7+$0x3FE0] =	vst v2  }
0x31b: {  	v2 =	vld.idx.msk [tilespmem:v3+s26+$0x0], $0xffff  }
0x31c: {  	v3 =	vld [tilespmem:s7+$0x2000];
	_ =	sdelay $0x4  }
0x31d: {  	v2 =	vmul.f32 $5.000000000e-01, v2;
	_ =	sdelay $0x1  }
0x31e: {  	[tilespmem:s7+$0x3FF0] =	vst v2  }
0x31f: {  	v2 =	vld.idx.msk [tilespmem:v3+s26+$0x0], $0xffff  }
0x320: {  	v3 =	vld [tilespmem:s7+$0x2010];
	_ =	sdelay $0x4  }
0x321: {  	v2 =	vmul.f32 $5.000000000e-01, v2;
	_ =	sdelay $0x1  }
0x322: {  	[tilespmem:s7+$0x4000] =	vst v2  }
0x323: {  	v2 =	vld.idx.msk [tilespmem:v3+s26+$0x0], $0xffff  }
0x324: {  	v3 =	vld [tilespmem:s7+$0x2020];
	_ =	sdelay $0x4  }
0x325: {  	v2 =	vmul.f32 $5.000000000e-01, v2;
	_ =	sdelay $0x1  }
0x326: {  	[tilespmem:s7+$0x4010] =	vst v2  }
0x327: {  	v2 =	vld.idx.msk [tilespmem:v3+s26+$0x0], $0xffff  }
0x328: {  	v3 =	vld [tilespmem:s7+$0x2030];
	_ =	sdelay $0x4  }
0x329: {  	v2 =	vmul.f32 $5.000000000e-01, v2;
	_ =	sdelay $0x1  }
0x32a: {  	[tilespmem:s7+$0x4020] =	vst v2  }
0x32b: {  	v2 =	vld.idx.msk [tilespmem:v3+s26+$0x0], $0xffff;
	_ =	sdelay $0x4  }
0x32c: {  	s0 =	sadd.s32 $0x1, s0;
	v2 =	vmul.f32 $5.000000000e-01, v2  }
0x32d: {  	p1 =	sne.s32 s0, s21  }
.Ltmp7:
0x32e: {  	[tilespmem:s7+$0x4030] =	vst v2;
	(pc) =	sbr.rel @p1 .LBB2_1-.Ltmp7, $4  }
0x32f: {  	[hbm4b:s20+s23] =	stream.strided.scatter [tilespmem:s2], [sflag:$0x1], $0x2000, s24, s23, $0x38;
	[tilespmem:$0x1F380] =	vst v63  }
0x330: {  	_ =	swait.ge [sflag:s5], $0x2000  }
0x331: {  	[sflag:s5] =	ssyncset.done $0x0  }
0x332: {  	[sflag:s5] =	ssyncadd.s32 $0xFFFFE000  }
0x333: {  	_ =	sfence.sel $0x180000  }
0x334: {  	[bflag:$0x0] =	sbarrier.arrive $0xFFFF  }
0x335: {  	_ =	strace $0x90000047  }
0x336: {  	s0 =	stileid.u32;
	[bflag:$0x2] =	sbarrier.arrive $0xFFFF  }
0x337: {  	p0 =	sne.s32 s0, $0x0;
	s0 =	rddreg [dreg:$0xa]  }
0x338: {  	s0 =	sadd.s32 @!p0 $0x100000, s0  }
0x339: {  	[sflag:s0] =	ssyncadd.tile.s32 @!p0 $0x1;
	_ =	shalt  }
.Lfunc_end2:
_tile_overlayer_lowered:
.L_overlay_start_2:
0x33a: {  	(tag) =	ssettag $0x2  }
0x33b: {  	s0 =	rddreg [dreg:$0x0];
	s2 =	stileid.u32  }
0x33c: {  	s1 =	rddreg [dreg:$0x1];
	p0 =	sne.s32 s2, $0x0  }
0x33d: {  	s3 =	rddreg [dreg:$0x2];
	[bflag:$0x3] =	sbarrier.arrive $0xFFFF;
	s2 =	simm.s32 @!p0 $0x1C03  }
0x33e: {  	[timem:s3], [sflag:s2] =	dma.local @!p0 [hbm:s0], s1  }
0x33f: {  	s0 =	simm.s32 @!p0 $0x3  }
0x340: {  	_ =	swait.ge @!p0 [sflag:s0], s1  }
0x341: {  	s1 =	ssub.s32 @!p0 $0x0, s1;
	[sflag:s0] =	ssyncset.done @!p0 $0x0  }
0x342: {  	[sflag:s0] =	ssyncadd.s32 @!p0 s1  }
0x343: {  	[bflag:$0x3] =	sbarrier.arrive $0xFFFF  }
0x344: {  	_ =	shalt  }

</sc_bundles>
